<compile_context>
chip_gen: v7x
topology: tpu7x:2x2x1
jax: 0.10.2.dev20260603
libtpu: 0.0.44.dev20260713+nightly
codegen_flags: <defaults>
</compile_context>

<pallas_src>
import functools
import jax
import jax.numpy as jnp
from jax import lax
from jax.experimental import pallas as pl
from jax.experimental.pallas import tpu as pltpu
from jax.experimental.pallas import tpu_sc as plsc

IN_FEATURES = 2048
OUT_FEATURES = 2048
R = 8
LORA_ALPHA = 16
E = 8
TOP_K = 2
T = 4096
ER = E * R
SCALING = LORA_ALPHA / R

NW = 32
TPW = T // NW
NG = TPW // 16



def _route_group(l, acc):
    m = l[0]
    for e in range(1, E):
        m = jnp.maximum(m, l[e])
    ex = [jnp.exp(l[e] - m) for e in range(E)]
    total = ex[0]
    for e in range(1, E):
        total = total + ex[e]
    p = [ex[e] / total for e in range(E)]
    new_acc = [acc[e] + p[e] for e in range(E)]

    one = jnp.ones((16,), jnp.float32)
    zero = jnp.zeros((16,), jnp.float32)
    w = []
    sels = []
    for e in range(E):
        rank = zero
        for j in range(E):
            if j == e:
                continue
            gt = jnp.where(l[j] > l[e], one, zero)
            rank = rank + gt
            if j < e:
                rank = rank + jnp.where(l[j] == l[e], one, zero)
        sels.append(rank < (TOP_K - 0.5))
    denom = zero
    for e in range(E):
        denom = denom + jnp.where(sels[e], p[e], zero)
    for e in range(E):
        w.append(jnp.where(sels[e], p[e] / denom, zero))
    return w, new_acc


def _route_one(l_hbm, w_hbm, p_hbm, l_v, w_v, s_v, base, wid):
    pltpu.sync_copy(l_hbm.at[:, pl.ds(base, TPW)], l_v)

    def body(g, acc):
        l = [l_v[e, pl.ds(g * 16, 16)] for e in range(E)]
        w, acc = _route_group(l, list(acc))
        for e in range(E):
            w_v[e, pl.ds(g * 16, 16)] = w[e]
        return tuple(acc)

    zero = jnp.zeros((16,), jnp.float32)
    acc = lax.fori_loop(0, NG, body, tuple(zero for _ in range(E)))

    for e in range(E):
        s_v[e, :] = acc[e]

    pltpu.sync_copy(w_v, w_hbm.at[:, pl.ds(base, TPW)])
    pltpu.sync_copy(s_v, p_hbm.at[pl.ds(wid * E, E)])


def _sc_route_body(la, lb, wa, wb, pA, pB, la_v, wa_v, lb_v, wb_v, sa_v, sb_v):
    wid = lax.axis_index("s") * 2 + lax.axis_index("c")
    base = wid * TPW
    _route_one(la, wa, pA, la_v, wa_v, sa_v, base, wid)
    _route_one(lb, wb, pB, lb_v, wb_v, sb_v, base, wid)


_SC_ROUTE_CACHE = []


def _sc_route(laT, lbT):
    if not _SC_ROUTE_CACHE:
        _SC_ROUTE_CACHE.append(functools.partial(
            pl.kernel,
            mesh=plsc.VectorSubcoreMesh(core_axis_name="c", subcore_axis_name="s"),
            out_type=[
                jax.ShapeDtypeStruct((E, T), jnp.float32),
                jax.ShapeDtypeStruct((E, T), jnp.float32),
                jax.ShapeDtypeStruct((NW * E, 16), jnp.float32),
                jax.ShapeDtypeStruct((NW * E, 16), jnp.float32),
            ],
            scratch_types=[
                pltpu.VMEM((E, TPW), jnp.float32),
                pltpu.VMEM((E, TPW), jnp.float32),
                pltpu.VMEM((E, TPW), jnp.float32),
                pltpu.VMEM((E, TPW), jnp.float32),
                pltpu.VMEM((E, 16), jnp.float32),
                pltpu.VMEM((E, 16), jnp.float32),
            ],
        )(_sc_route_body))
    return _SC_ROUTE_CACHE[0](laT, lbT)



TB = 1024
DN = (((1,), (0,)), ((), ()))
DT = (((0,), (0,)), ((), ()))


DR = (((1,), (1,)), ((), ()))


def _tc_a_body(x_ref, WaF_ref, A_ref):
    A_ref[...] = lax.dot_general(x_ref[...], WaF_ref[...], DR,
                                 preferred_element_type=jnp.float32,
                                 precision=jax.lax.Precision.DEFAULT)


def _tc_a(flat_x, WaF):
    return pl.pallas_call(
        _tc_a_body,
        grid=(T // TB,),
        in_specs=[
            pl.BlockSpec((TB, IN_FEATURES), lambda i: (i, 0)),
            pl.BlockSpec((ER, IN_FEATURES), lambda i: (0, 0)),
        ],
        out_specs=pl.BlockSpec((TB, ER), lambda i: (i, 0)),
        out_shape=jax.ShapeDtypeStruct((T, ER), jnp.float32),
    )(flat_x, WaF)


def _tc_body(A_ref, wa_ref, wb_ref, WbF_ref, pA_ref, pB_ref,
             out_ref, auxA_ref, auxB_ref):
    i = pl.program_id(0)
    f32 = jnp.float32
    hi = jax.lax.Precision.HIGHEST

    rows = lax.broadcasted_iota(jnp.int32, (E, ER), 0)
    cols = lax.broadcasted_iota(jnp.int32, (E, ER), 1)
    E1 = jnp.where(cols // R == rows, 1.0, 0.0).astype(f32)
    c1 = lax.broadcasted_iota(jnp.int32, (ER, ER), 0)
    c2 = lax.broadcasted_iota(jnp.int32, (ER, ER), 1)
    Km = jnp.where(c1 % R == c2 % R, 1.0, 0.0).astype(f32)

    lo = jax.lax.Precision.DEFAULT
    wa_exp = lax.dot_general(wa_ref[...], E1, DT,
                             preferred_element_type=f32, precision=hi)
    mid_tile = lax.dot_general(A_ref[...] * wa_exp, Km, DN,
                               preferred_element_type=f32, precision=hi)
    wb_exp = lax.dot_general(wb_ref[...], E1, DT,
                             preferred_element_type=f32, precision=hi)
    out_ref[...] = lax.dot_general(mid_tile * wb_exp, WbF_ref[...], DN,
                                   preferred_element_type=f32,
                                   precision=lo) * SCALING

    @pl.when(i == pl.num_programs(0) - 1)
    def _aux():
        for p_ref, aux_ref in ((pA_ref, auxA_ref), (pB_ref, auxB_ref)):
            p3 = p_ref[...].reshape(NW, E, 16)
            pm = jnp.sum(jnp.sum(p3, axis=2), axis=0, keepdims=True) / T
            mu = jnp.sum(pm) / E
            d = pm - mu
            aux_ref[...] = jnp.broadcast_to(E * jnp.sum(d * d) / (E - 1), (1, 1))


def _tc_combine(A, wa, wb, WbF, pA, pB):
    grid = (T // TB,)
    return pl.pallas_call(
        _tc_body,
        grid=grid,
        in_specs=[
            pl.BlockSpec((TB, ER), lambda i: (i, 0)),
            pl.BlockSpec((E, TB), lambda i: (0, i)),
            pl.BlockSpec((E, TB), lambda i: (0, i)),
            pl.BlockSpec((ER, OUT_FEATURES), lambda i: (0, 0)),
            pl.BlockSpec((NW * E, 16), lambda i: (0, 0)),
            pl.BlockSpec((NW * E, 16), lambda i: (0, 0)),
        ],
        out_specs=[
            pl.BlockSpec((TB, OUT_FEATURES), lambda i: (i, 0)),
            pl.BlockSpec((1, 1), lambda i: (0, 0)),
            pl.BlockSpec((1, 1), lambda i: (0, 0)),
        ],
        out_shape=[
            jax.ShapeDtypeStruct((T, OUT_FEATURES), jnp.float32),
            jax.ShapeDtypeStruct((1, 1), jnp.float32),
            jax.ShapeDtypeStruct((1, 1), jnp.float32),
        ],
    )(A, wa, wb, WbF, pA, pB)


def kernel(x, router_logits_a, router_logits_b, Wa, Wb):
    batch, seq, _ = x.shape
    flat_x = x.reshape(T, IN_FEATURES)
    laT = router_logits_a.T
    lbT = router_logits_b.T
    WaF = Wa.reshape(ER, IN_FEATURES)
    WbF = Wb.transpose(0, 2, 1).reshape(ER, OUT_FEATURES)

    waT, wbT, pA, pB = _sc_route(laT, lbT)
    A = _tc_a(flat_x, WaF)
    out_flat, auxA, auxB = _tc_combine(A, waT, wbT, WbF, pA, pB)
    return (out_flat.reshape(batch, seq, OUT_FEATURES), auxA[0, 0], auxB[0, 0])

# --- scband reference (transcript-rebuilt; emitter-appended) ---
"""Pipeline reference for scband-gd2-mo-ramodel-31662498906568 (READ-ONLY COPY).

The authoritative reference and input builder live on the scoring server;
editing this copy changes nothing except your own understanding.
"""

import jax, jax.numpy as jnp
import numpy as np

IN_FEATURES = 2048
OUT_FEATURES = 2048
R = 8
LORA_ALPHA = 16
NUM_EXPERTS_A = 8
NUM_EXPERTS_B = 8
TOP_K_A = 2
TOP_K_B = 2


def setup_inputs(seed: int = 0) -> dict:
    key = jax.random.key(seed)
    k1, k2, k3, k4, k5 = jax.random.split(key, 5)
    x = jax.random.normal(k1, (2, 2048, IN_FEATURES), dtype=jnp.float32)
    router_logits_a = jax.random.normal(k2, (2 * 2048, NUM_EXPERTS_A), dtype=jnp.float32)
    router_logits_b = jax.random.normal(k3, (2 * 2048, NUM_EXPERTS_B), dtype=jnp.float32)
    # expert weights: nn.Linear(in, r).weight has shape [r, in]; stacked -> [E, r, in]
    bound_a = jnp.sqrt(6.0 / IN_FEATURES)  # kaiming_uniform a=sqrt(5) over fan_in
    Wa = jax.random.uniform(k4, (NUM_EXPERTS_A, R, IN_FEATURES), dtype=jnp.float32, minval=-bound_a, maxval=bound_a)
    # original inits B to zeros; use small random values so the output is nontrivial
    Wb = jax.random.normal(k5, (NUM_EXPERTS_B, OUT_FEATURES, R), dtype=jnp.float32) * 0.02
    return {"x": x, "router_logits_a": router_logits_a, "router_logits_b": router_logits_b, "Wa": Wa, "Wb": Wb}


def reference(x, router_logits_a, router_logits_b, Wa, Wb):
    scaling = LORA_ALPHA / R
    batch_size, seq_len, _ = x.shape
    flat_x = x.reshape(-1, IN_FEATURES)  # [T, in]

    # A-expert routing
    topk_logits_a, topk_indices_a = jax.lax.top_k(router_logits_a, TOP_K_A)  # [T, k]
    weights_a = jax.nn.softmax(topk_logits_a, axis=-1)  # [T, k]
    # run ALL A experts densely: [T, E, r]
    a_outputs_all = jnp.einsum('td,erd->ter', flat_x, Wa)
    # gather selected experts
    selected_a = jnp.take_along_axis(a_outputs_all, topk_indices_a[:, :, None], axis=1)  # [T, k, r]
    mid_result = (selected_a * weights_a[:, :, None]).sum(axis=1)  # [T, r]

    # run ALL B experts densely: [T, E, out]
    b_outputs_all = jnp.einsum('tr,eor->teo', mid_result, Wb)
    topk_logits_b, topk_indices_b = jax.lax.top_k(router_logits_b, TOP_K_B)
    weights_b = jax.nn.softmax(topk_logits_b, axis=-1)
    selected_b = jnp.take_along_axis(b_outputs_all, topk_indices_b[:, :, None], axis=1)  # [T, k, out]
    output_flat = (selected_b * weights_b[:, :, None]).sum(axis=1) * scaling  # [T, out]
    output = output_flat.reshape(batch_size, seq_len, OUT_FEATURES)

    # load-balancing auxiliary losses (torch.var is unbiased -> ddof=1)
    router_probs_a = jax.nn.softmax(router_logits_a, axis=-1).mean(axis=0)
    router_probs_b = jax.nn.softmax(router_logits_b, axis=-1).mean(axis=0)
    aux_loss_a = NUM_EXPERTS_A * jnp.var(router_probs_a, ddof=1)
    aux_loss_b = NUM_EXPERTS_B * jnp.var(router_probs_b, ddof=1)
    return (output, aux_loss_a, aux_loss_b)

if __name__ == "__main__":
    import jax
    _d = setup_inputs()
    print(jax.jit(kernel)(*tuple(_d.values())))

</pallas_src>

<mosaic_0001>
#map = affine_map<(d0, d1) -> (0, 0)>
module attributes {stable_mosaic.version = 14 : i64} {
  func.func @_sc_route_body(%arg0: i32, %arg1: i32, %arg2: memref<8x4096xf32, #tpu.memory_space<hbm>>, %arg3: memref<8x4096xf32, #tpu.memory_space<hbm>>, %arg4: memref<8x4096xf32, #tpu.memory_space<hbm>>, %arg5: memref<8x4096xf32, #tpu.memory_space<hbm>>, %arg6: memref<256x16xf32, #tpu.memory_space<hbm>>, %arg7: memref<256x16xf32, #tpu.memory_space<hbm>>, %arg8: memref<8x128xf32, #tpu.memory_space<vmem>>, %arg9: memref<8x128xf32, #tpu.memory_space<vmem>>, %arg10: memref<8x128xf32, #tpu.memory_space<vmem>>, %arg11: memref<8x128xf32, #tpu.memory_space<vmem>>, %arg12: memref<8x16xf32, #tpu.memory_space<vmem>>, %arg13: memref<8x16xf32, #tpu.memory_space<vmem>>) attributes {dimension_semantics = [#tpu.dimension_semantics<core_parallel>, #tpu.dimension_semantics<subcore_parallel>], iteration_bounds = array<i64: 2, 16>, scalar_prefetch = 0 : i64, scratch_operands = 6 : i64, tpu.core_type = #tpu.core_type<sc_vector_subcore>, window_params = [{transform_indices = #map}, {transform_indices = #map}, {transform_indices = #map}, {transform_indices = #map}, {transform_indices = #map}, {transform_indices = #map}]} {
    %mul3A = arith.constant 2 : i32
    %mul3A_0 = arith.muli %arg1, %mul3A : i32
    %add3A = arith.addi %mul3A_0, %arg0 : i32
    %mul3A_1 = arith.constant 128 : i32
    %mul3A_2 = arith.muli %add3A, %mul3A_1 : i32
    "tpu.region"() ({
      %run_scoped3A = tpu.sem_alloc : memref<!tpu.dma_semaphore, #tpu.memory_space<semaphore_mem>>
      %dma_start3A = arith.constant 0 : i32
      %dma_start3A_116 = tpu.memref_slice %arg2[%dma_start3A, %mul3A_2] : memref<8x4096xf32, #tpu.memory_space<hbm>> -> memref<8x128xf32, #tpu.memory_space<hbm>>
      %dma_start3A_117 = arith.constant 0 : i32
      %dma_start3A_118 = tpu.memref_slice %arg2[%dma_start3A_117, %mul3A_2] : memref<8x4096xf32, #tpu.memory_space<hbm>> -> memref<8x128xf32, #tpu.memory_space<hbm>>
      tpu.enqueue_dma source(%dma_start3A_118 : memref<8x128xf32, #tpu.memory_space<hbm>>) target(%arg8 : memref<8x128xf32, #tpu.memory_space<vmem>>) target_semaphore(%run_scoped3A : memref<!tpu.dma_semaphore, #tpu.memory_space<semaphore_mem>>)
      %dma_wait3A = arith.constant 0 : i32
      %dma_wait3A_119 = tpu.memref_slice %arg2[%dma_wait3A, %mul3A_2] : memref<8x4096xf32, #tpu.memory_space<hbm>> -> memref<8x128xf32, #tpu.memory_space<hbm>>
      %dma_wait3A_120 = arith.constant 0 : i32
      %dma_wait3A_121 = tpu.memref_slice %arg2[%dma_wait3A_120, %mul3A_2] : memref<8x4096xf32, #tpu.memory_space<hbm>> -> memref<8x128xf32, #tpu.memory_space<hbm>>
      tpu.wait_dma2 semaphore(%run_scoped3A : memref<!tpu.dma_semaphore, #tpu.memory_space<semaphore_mem>>) src(%dma_wait3A_121 : memref<8x128xf32, #tpu.memory_space<hbm>>) dst(%arg8 : memref<8x128xf32, #tpu.memory_space<vmem>>)
      tpu.yield
    }) : () -> ()
    %broadcast_in_dim3A = arith.constant 0.000000e+00 : f32
    %broadcast_in_dim3A_3 = vector.broadcast %broadcast_in_dim3A : f32 to vector<16xf32>
    %scan3A = arith.constant 0 : i32
    %scan3A_4 = arith.constant 8 : i32
    %scan3A_5 = arith.addi %scan3A, %scan3A_4 : i32
    %scan3A_6 = arith.constant 1 : i32
    %scan3A_7:8 = scf.for %scan3A_116 = %scan3A to %scan3A_5 step %scan3A_6 iter_args(%scan3A_117 = %broadcast_in_dim3A_3, %scan3A_118 = %broadcast_in_dim3A_3, %scan3A_119 = %broadcast_in_dim3A_3, %scan3A_120 = %broadcast_in_dim3A_3, %scan3A_121 = %broadcast_in_dim3A_3, %scan3A_122 = %broadcast_in_dim3A_3, %scan3A_123 = %broadcast_in_dim3A_3, %scan3A_124 = %broadcast_in_dim3A_3) -> (vector<16xf32>, vector<16xf32>, vector<16xf32>, vector<16xf32>, vector<16xf32>, vector<16xf32>, vector<16xf32>, vector<16xf32>)  : i32 {
      %mul3A_125 = arith.constant 16 : i32
      %mul3A_126 = arith.muli %scan3A_116, %mul3A_125 : i32
      %get3A = arith.constant 0 : i32
      %get3A_127 = arith.index_cast %get3A : i32 to index
      %get3A_128 = arith.index_cast %mul3A_126 : i32 to index
      %get3A_129 = tpu.vector_load %arg8[%get3A_127, %get3A_128] {strides = array<i32>} : memref<8x128xf32, #tpu.memory_space<vmem>>, vector<1x16xf32>,
      %get3A_130 = vector.shape_cast %get3A_129 : vector<1x16xf32> to vector<16xf32>
      %mul3A_131 = arith.constant 16 : i32
      %mul3A_132 = arith.muli %scan3A_116, %mul3A_131 : i32
      %get3A_133 = arith.constant 1 : i32
      %get3A_134 = arith.index_cast %get3A_133 : i32 to index
      %get3A_135 = arith.index_cast %mul3A_132 : i32 to index
      %get3A_136 = tpu.vector_load %arg8[%get3A_134, %get3A_135] {strides = array<i32>} : memref<8x128xf32, #tpu.memory_space<vmem>>, vector<1x16xf32>,
      %get3A_137 = vector.shape_cast %get3A_136 : vector<1x16xf32> to vector<16xf32>
      %mul3A_138 = arith.constant 16 : i32
      %mul3A_139 = arith.muli %scan3A_116, %mul3A_138 : i32
      %get3A_140 = arith.constant 2 : i32
      %get3A_141 = arith.index_cast %get3A_140 : i32 to index
      %get3A_142 = arith.index_cast %mul3A_139 : i32 to index
      %get3A_143 = tpu.vector_load %arg8[%get3A_141, %get3A_142] {strides = array<i32>} : memref<8x128xf32, #tpu.memory_space<vmem>>, vector<1x16xf32>,
      %get3A_144 = vector.shape_cast %get3A_143 : vector<1x16xf32> to vector<16xf32>
      %mul3A_145 = arith.constant 16 : i32
      %mul3A_146 = arith.muli %scan3A_116, %mul3A_145 : i32
      %get3A_147 = arith.constant 3 : i32
      %get3A_148 = arith.index_cast %get3A_147 : i32 to index
      %get3A_149 = arith.index_cast %mul3A_146 : i32 to index
      %get3A_150 = tpu.vector_load %arg8[%get3A_148, %get3A_149] {strides = array<i32>} : memref<8x128xf32, #tpu.memory_space<vmem>>, vector<1x16xf32>,
      %get3A_151 = vector.shape_cast %get3A_150 : vector<1x16xf32> to vector<16xf32>
      %mul3A_152 = arith.constant 16 : i32
      %mul3A_153 = arith.muli %scan3A_116, %mul3A_152 : i32
      %get3A_154 = arith.constant 4 : i32
      %get3A_155 = arith.index_cast %get3A_154 : i32 to index
      %get3A_156 = arith.index_cast %mul3A_153 : i32 to index
      %get3A_157 = tpu.vector_load %arg8[%get3A_155, %get3A_156] {strides = array<i32>} : memref<8x128xf32, #tpu.memory_space<vmem>>, vector<1x16xf32>,
      %get3A_158 = vector.shape_cast %get3A_157 : vector<1x16xf32> to vector<16xf32>
      %mul3A_159 = arith.constant 16 : i32
      %mul3A_160 = arith.muli %scan3A_116, %mul3A_159 : i32
      %get3A_161 = arith.constant 5 : i32
      %get3A_162 = arith.index_cast %get3A_161 : i32 to index
      %get3A_163 = arith.index_cast %mul3A_160 : i32 to index
      %get3A_164 = tpu.vector_load %arg8[%get3A_162, %get3A_163] {strides = array<i32>} : memref<8x128xf32, #tpu.memory_space<vmem>>, vector<1x16xf32>,
      %get3A_165 = vector.shape_cast %get3A_164 : vector<1x16xf32> to vector<16xf32>
      %mul3A_166 = arith.constant 16 : i32
      %mul3A_167 = arith.muli %scan3A_116, %mul3A_166 : i32
      %get3A_168 = arith.constant 6 : i32
      %get3A_169 = arith.index_cast %get3A_168 : i32 to index
      %get3A_170 = arith.index_cast %mul3A_167 : i32 to index
      %get3A_171 = tpu.vector_load %arg8[%get3A_169, %get3A_170] {strides = array<i32>} : memref<8x128xf32, #tpu.memory_space<vmem>>, vector<1x16xf32>,
      %get3A_172 = vector.shape_cast %get3A_171 : vector<1x16xf32> to vector<16xf32>
      %mul3A_173 = arith.constant 16 : i32
      %mul3A_174 = arith.muli %scan3A_116, %mul3A_173 : i32
      %get3A_175 = arith.constant 7 : i32
      %get3A_176 = arith.index_cast %get3A_175 : i32 to index
      %get3A_177 = arith.index_cast %mul3A_174 : i32 to index
      %get3A_178 = tpu.vector_load %arg8[%get3A_176, %get3A_177] {strides = array<i32>} : memref<8x128xf32, #tpu.memory_space<vmem>>, vector<1x16xf32>,
      %get3A_179 = vector.shape_cast %get3A_178 : vector<1x16xf32> to vector<16xf32>
      %max3A = arith.maximumf %get3A_130, %get3A_137 : vector<16xf32>
      %max3A_180 = arith.maximumf %max3A, %get3A_144 : vector<16xf32>
      %max3A_181 = arith.maximumf %max3A_180, %get3A_151 : vector<16xf32>
      %max3A_182 = arith.maximumf %max3A_181, %get3A_158 : vector<16xf32>
      %max3A_183 = arith.maximumf %max3A_182, %get3A_165 : vector<16xf32>
      %max3A_184 = arith.maximumf %max3A_183, %get3A_172 : vector<16xf32>
      %max3A_185 = arith.maximumf %max3A_184, %get3A_179 : vector<16xf32>
      %sub3A = arith.subf %get3A_130, %max3A_185 : vector<16xf32>
      %exp3A = math.exp %sub3A : vector<16xf32>
      %sub3A_186 = arith.subf %get3A_137, %max3A_185 : vector<16xf32>
      %exp3A_187 = math.exp %sub3A_186 : vector<16xf32>
      %sub3A_188 = arith.subf %get3A_144, %max3A_185 : vector<16xf32>
      %exp3A_189 = math.exp %sub3A_188 : vector<16xf32>
      %sub3A_190 = arith.subf %get3A_151, %max3A_185 : vector<16xf32>
      %exp3A_191 = math.exp %sub3A_190 : vector<16xf32>
      %sub3A_192 = arith.subf %get3A_158, %max3A_185 : vector<16xf32>
      %exp3A_193 = math.exp %sub3A_192 : vector<16xf32>
      %sub3A_194 = arith.subf %get3A_165, %max3A_185 : vector<16xf32>
      %exp3A_195 = math.exp %sub3A_194 : vector<16xf32>
      %sub3A_196 = arith.subf %get3A_172, %max3A_185 : vector<16xf32>
      %exp3A_197 = math.exp %sub3A_196 : vector<16xf32>
      %sub3A_198 = arith.subf %get3A_179, %max3A_185 : vector<16xf32>
      %exp3A_199 = math.exp %sub3A_198 : vector<16xf32>
      %add3A_200 = arith.addf %exp3A, %exp3A_187 : vector<16xf32>
      %add3A_201 = arith.addf %add3A_200, %exp3A_189 : vector<16xf32>
      %add3A_202 = arith.addf %add3A_201, %exp3A_191 : vector<16xf32>
      %add3A_203 = arith.addf %add3A_202, %exp3A_193 : vector<16xf32>
      %add3A_204 = arith.addf %add3A_203, %exp3A_195 : vector<16xf32>
      %add3A_205 = arith.addf %add3A_204, %exp3A_197 : vector<16xf32>
      %add3A_206 = arith.addf %add3A_205, %exp3A_199 : vector<16xf32>
      %div3A = arith.divf %exp3A, %add3A_206 : vector<16xf32>
      %div3A_207 = arith.divf %exp3A_187, %add3A_206 : vector<16xf32>
      %div3A_208 = arith.divf %exp3A_189, %add3A_206 : vector<16xf32>
      %div3A_209 = arith.divf %exp3A_191, %add3A_206 : vector<16xf32>
      %div3A_210 = arith.divf %exp3A_193, %add3A_206 : vector<16xf32>
      %div3A_211 = arith.divf %exp3A_195, %add3A_206 : vector<16xf32>
      %div3A_212 = arith.divf %exp3A_197, %add3A_206 : vector<16xf32>
      %div3A_213 = arith.divf %exp3A_199, %add3A_206 : vector<16xf32>
      %add3A_214 = arith.addf %scan3A_117, %div3A : vector<16xf32>
      %add3A_215 = arith.addf %scan3A_118, %div3A_207 : vector<16xf32>
      %add3A_216 = arith.addf %scan3A_119, %div3A_208 : vector<16xf32>
      %add3A_217 = arith.addf %scan3A_120, %div3A_209 : vector<16xf32>
      %add3A_218 = arith.addf %scan3A_121, %div3A_210 : vector<16xf32>
      %add3A_219 = arith.addf %scan3A_122, %div3A_211 : vector<16xf32>
      %add3A_220 = arith.addf %scan3A_123, %div3A_212 : vector<16xf32>
      %add3A_221 = arith.addf %scan3A_124, %div3A_213 : vector<16xf32>
      %broadcast_in_dim3A_222 = arith.constant 1.000000e+00 : f32
      %broadcast_in_dim3A_223 = vector.broadcast %broadcast_in_dim3A_222 : f32 to vector<16xf32>
      %broadcast_in_dim3A_224 = arith.constant 0.000000e+00 : f32
      %broadcast_in_dim3A_225 = vector.broadcast %broadcast_in_dim3A_224 : f32 to vector<16xf32>
      %gt3A = arith.cmpf ogt, %get3A_137, %get3A_130 : vector<16xf32>
      %select_n3A = arith.select %gt3A, %broadcast_in_dim3A_223, %broadcast_in_dim3A_225 : vector<16xi1>, vector<16xf32>
      %add3A_226 = arith.addf %broadcast_in_dim3A_225, %select_n3A : vector<16xf32>
      %gt3A_227 = arith.cmpf ogt, %get3A_144, %get3A_130 : vector<16xf32>
      %select_n3A_228 = arith.select %gt3A_227, %broadcast_in_dim3A_223, %broadcast_in_dim3A_225 : vector<16xi1>, vector<16xf32>
      %add3A_229 = arith.addf %add3A_226, %select_n3A_228 : vector<16xf32>
      %gt3A_230 = arith.cmpf ogt, %get3A_151, %get3A_130 : vector<16xf32>
      %select_n3A_231 = arith.select %gt3A_230, %broadcast_in_dim3A_223, %broadcast_in_dim3A_225 : vector<16xi1>, vector<16xf32>
      %add3A_232 = arith.addf %add3A_229, %select_n3A_231 : vector<16xf32>
      %gt3A_233 = arith.cmpf ogt, %get3A_158, %get3A_130 : vector<16xf32>
      %select_n3A_234 = arith.select %gt3A_233, %broadcast_in_dim3A_223, %broadcast_in_dim3A_225 : vector<16xi1>, vector<16xf32>
      %add3A_235 = arith.addf %add3A_232, %select_n3A_234 : vector<16xf32>
      %gt3A_236 = arith.cmpf ogt, %get3A_165, %get3A_130 : vector<16xf32>
      %select_n3A_237 = arith.select %gt3A_236, %broadcast_in_dim3A_223, %broadcast_in_dim3A_225 : vector<16xi1>, vector<16xf32>
      %add3A_238 = arith.addf %add3A_235, %select_n3A_237 : vector<16xf32>
      %gt3A_239 = arith.cmpf ogt, %get3A_172, %get3A_130 : vector<16xf32>
      %select_n3A_240 = arith.select %gt3A_239, %broadcast_in_dim3A_223, %broadcast_in_dim3A_225 : vector<16xi1>, vector<16xf32>
      %add3A_241 = arith.addf %add3A_238, %select_n3A_240 : vector<16xf32>
      %gt3A_242 = arith.cmpf ogt, %get3A_179, %get3A_130 : vector<16xf32>
      %select_n3A_243 = arith.select %gt3A_242, %broadcast_in_dim3A_223, %broadcast_in_dim3A_225 : vector<16xi1>, vector<16xf32>
      %add3A_244 = arith.addf %add3A_241, %select_n3A_243 : vector<16xf32>
      %lt3A = arith.constant 1.500000e+00 : f32
      %lt3A_245 = vector.broadcast %lt3A : f32 to vector<16xf32>
      %lt3A_246 = arith.cmpf olt, %add3A_244, %lt3A_245 : vector<16xf32>
      %gt3A_247 = arith.cmpf ogt, %get3A_130, %get3A_137 : vector<16xf32>
      %select_n3A_248 = arith.select %gt3A_247, %broadcast_in_dim3A_223, %broadcast_in_dim3A_225 : vector<16xi1>, vector<16xf32>
      %add3A_249 = arith.addf %broadcast_in_dim3A_225, %select_n3A_248 : vector<16xf32>
      %eq3A = arith.cmpf oeq, %get3A_130, %get3A_137 : vector<16xf32>
      %select_n3A_250 = arith.select %eq3A, %broadcast_in_dim3A_223, %broadcast_in_dim3A_225 : vector<16xi1>, vector<16xf32>
      %add3A_251 = arith.addf %add3A_249, %select_n3A_250 : vector<16xf32>
      %gt3A_252 = arith.cmpf ogt, %get3A_144, %get3A_137 : vector<16xf32>
      %select_n3A_253 = arith.select %gt3A_252, %broadcast_in_dim3A_223, %broadcast_in_dim3A_225 : vector<16xi1>, vector<16xf32>
      %add3A_254 = arith.addf %add3A_251, %select_n3A_253 : vector<16xf32>
      %gt3A_255 = arith.cmpf ogt, %get3A_151, %get3A_137 : vector<16xf32>
      %select_n3A_256 = arith.select %gt3A_255, %broadcast_in_dim3A_223, %broadcast_in_dim3A_225 : vector<16xi1>, vector<16xf32>
      %add3A_257 = arith.addf %add3A_254, %select_n3A_256 : vector<16xf32>
      %gt3A_258 = arith.cmpf ogt, %get3A_158, %get3A_137 : vector<16xf32>
      %select_n3A_259 = arith.select %gt3A_258, %broadcast_in_dim3A_223, %broadcast_in_dim3A_225 : vector<16xi1>, vector<16xf32>
      %add3A_260 = arith.addf %add3A_257, %select_n3A_259 : vector<16xf32>
      %gt3A_261 = arith.cmpf ogt, %get3A_165, %get3A_137 : vector<16xf32>
      %select_n3A_262 = arith.select %gt3A_261, %broadcast_in_dim3A_223, %broadcast_in_dim3A_225 : vector<16xi1>, vector<16xf32>
      %add3A_263 = arith.addf %add3A_260, %select_n3A_262 : vector<16xf32>
      %gt3A_264 = arith.cmpf ogt, %get3A_172, %get3A_137 : vector<16xf32>
      %select_n3A_265 = arith.select %gt3A_264, %broadcast_in_dim3A_223, %broadcast_in_dim3A_225 : vector<16xi1>, vector<16xf32>
      %add3A_266 = arith.addf %add3A_263, %select_n3A_265 : vector<16xf32>
      %gt3A_267 = arith.cmpf ogt, %get3A_179, %get3A_137 : vector<16xf32>
      %select_n3A_268 = arith.select %gt3A_267, %broadcast_in_dim3A_223, %broadcast_in_dim3A_225 : vector<16xi1>, vector<16xf32>
      %add3A_269 = arith.addf %add3A_266, %select_n3A_268 : vector<16xf32>
      %lt3A_270 = arith.constant 1.500000e+00 : f32
      %lt3A_271 = vector.broadcast %lt3A_270 : f32 to vector<16xf32>
      %lt3A_272 = arith.cmpf olt, %add3A_269, %lt3A_271 : vector<16xf32>
      %gt3A_273 = arith.cmpf ogt, %get3A_130, %get3A_144 : vector<16xf32>
      %select_n3A_274 = arith.select %gt3A_273, %broadcast_in_dim3A_223, %broadcast_in_dim3A_225 : vector<16xi1>, vector<16xf32>
      %add3A_275 = arith.addf %broadcast_in_dim3A_225, %select_n3A_274 : vector<16xf32>
      %eq3A_276 = arith.cmpf oeq, %get3A_130, %get3A_144 : vector<16xf32>
      %select_n3A_277 = arith.select %eq3A_276, %broadcast_in_dim3A_223, %broadcast_in_dim3A_225 : vector<16xi1>, vector<16xf32>
      %add3A_278 = arith.addf %add3A_275, %select_n3A_277 : vector<16xf32>
      %gt3A_279 = arith.cmpf ogt, %get3A_137, %get3A_144 : vector<16xf32>
      %select_n3A_280 = arith.select %gt3A_279, %broadcast_in_dim3A_223, %broadcast_in_dim3A_225 : vector<16xi1>, vector<16xf32>
      %add3A_281 = arith.addf %add3A_278, %select_n3A_280 : vector<16xf32>
      %eq3A_282 = arith.cmpf oeq, %get3A_137, %get3A_144 : vector<16xf32>
      %select_n3A_283 = arith.select %eq3A_282, %broadcast_in_dim3A_223, %broadcast_in_dim3A_225 : vector<16xi1>, vector<16xf32>
      %add3A_284 = arith.addf %add3A_281, %select_n3A_283 : vector<16xf32>
      %gt3A_285 = arith.cmpf ogt, %get3A_151, %get3A_144 : vector<16xf32>
      %select_n3A_286 = arith.select %gt3A_285, %broadcast_in_dim3A_223, %broadcast_in_dim3A_225 : vector<16xi1>, vector<16xf32>
      %add3A_287 = arith.addf %add3A_284, %select_n3A_286 : vector<16xf32>
      %gt3A_288 = arith.cmpf ogt, %get3A_158, %get3A_144 : vector<16xf32>
      %select_n3A_289 = arith.select %gt3A_288, %broadcast_in_dim3A_223, %broadcast_in_dim3A_225 : vector<16xi1>, vector<16xf32>
      %add3A_290 = arith.addf %add3A_287, %select_n3A_289 : vector<16xf32>
      %gt3A_291 = arith.cmpf ogt, %get3A_165, %get3A_144 : vector<16xf32>
      %select_n3A_292 = arith.select %gt3A_291, %broadcast_in_dim3A_223, %broadcast_in_dim3A_225 : vector<16xi1>, vector<16xf32>
      %add3A_293 = arith.addf %add3A_290, %select_n3A_292 : vector<16xf32>
      %gt3A_294 = arith.cmpf ogt, %get3A_172, %get3A_144 : vector<16xf32>
      %select_n3A_295 = arith.select %gt3A_294, %broadcast_in_dim3A_223, %broadcast_in_dim3A_225 : vector<16xi1>, vector<16xf32>
      %add3A_296 = arith.addf %add3A_293, %select_n3A_295 : vector<16xf32>
      %gt3A_297 = arith.cmpf ogt, %get3A_179, %get3A_144 : vector<16xf32>
      %select_n3A_298 = arith.select %gt3A_297, %broadcast_in_dim3A_223, %broadcast_in_dim3A_225 : vector<16xi1>, vector<16xf32>
      %add3A_299 = arith.addf %add3A_296, %select_n3A_298 : vector<16xf32>
      %lt3A_300 = arith.constant 1.500000e+00 : f32
      %lt3A_301 = vector.broadcast %lt3A_300 : f32 to vector<16xf32>
      %lt3A_302 = arith.cmpf olt, %add3A_299, %lt3A_301 : vector<16xf32>
      %gt3A_303 = arith.cmpf ogt, %get3A_130, %get3A_151 : vector<16xf32>
      %select_n3A_304 = arith.select %gt3A_303, %broadcast_in_dim3A_223, %broadcast_in_dim3A_225 : vector<16xi1>, vector<16xf32>
      %add3A_305 = arith.addf %broadcast_in_dim3A_225, %select_n3A_304 : vector<16xf32>
      %eq3A_306 = arith.cmpf oeq, %get3A_130, %get3A_151 : vector<16xf32>
      %select_n3A_307 = arith.select %eq3A_306, %broadcast_in_dim3A_223, %broadcast_in_dim3A_225 : vector<16xi1>, vector<16xf32>
      %add3A_308 = arith.addf %add3A_305, %select_n3A_307 : vector<16xf32>
      %gt3A_309 = arith.cmpf ogt, %get3A_137, %get3A_151 : vector<16xf32>
      %select_n3A_310 = arith.select %gt3A_309, %broadcast_in_dim3A_223, %broadcast_in_dim3A_225 : vector<16xi1>, vector<16xf32>
      %add3A_311 = arith.addf %add3A_308, %select_n3A_310 : vector<16xf32>
      %eq3A_312 = arith.cmpf oeq, %get3A_137, %get3A_151 : vector<16xf32>
      %select_n3A_313 = arith.select %eq3A_312, %broadcast_in_dim3A_223, %broadcast_in_dim3A_225 : vector<16xi1>, vector<16xf32>
      %add3A_314 = arith.addf %add3A_311, %select_n3A_313 : vector<16xf32>
      %gt3A_315 = arith.cmpf ogt, %get3A_144, %get3A_151 : vector<16xf32>
      %select_n3A_316 = arith.select %gt3A_315, %broadcast_in_dim3A_223, %broadcast_in_dim3A_225 : vector<16xi1>, vector<16xf32>
      %add3A_317 = arith.addf %add3A_314, %select_n3A_316 : vector<16xf32>
      %eq3A_318 = arith.cmpf oeq, %get3A_144, %get3A_151 : vector<16xf32>
      %select_n3A_319 = arith.select %eq3A_318, %broadcast_in_dim3A_223, %broadcast_in_dim3A_225 : vector<16xi1>, vector<16xf32>
      %add3A_320 = arith.addf %add3A_317, %select_n3A_319 : vector<16xf32>
      %gt3A_321 = arith.cmpf ogt, %get3A_158, %get3A_151 : vector<16xf32>
      %select_n3A_322 = arith.select %gt3A_321, %broadcast_in_dim3A_223, %broadcast_in_dim3A_225 : vector<16xi1>, vector<16xf32>
      %add3A_323 = arith.addf %add3A_320, %select_n3A_322 : vector<16xf32>
      %gt3A_324 = arith.cmpf ogt, %get3A_165, %get3A_151 : vector<16xf32>
      %select_n3A_325 = arith.select %gt3A_324, %broadcast_in_dim3A_223, %broadcast_in_dim3A_225 : vector<16xi1>, vector<16xf32>
      %add3A_326 = arith.addf %add3A_323, %select_n3A_325 : vector<16xf32>
      %gt3A_327 = arith.cmpf ogt, %get3A_172, %get3A_151 : vector<16xf32>
      %select_n3A_328 = arith.select %gt3A_327, %broadcast_in_dim3A_223, %broadcast_in_dim3A_225 : vector<16xi1>, vector<16xf32>
      %add3A_329 = arith.addf %add3A_326, %select_n3A_328 : vector<16xf32>
      %gt3A_330 = arith.cmpf ogt, %get3A_179, %get3A_151 : vector<16xf32>
      %select_n3A_331 = arith.select %gt3A_330, %broadcast_in_dim3A_223, %broadcast_in_dim3A_225 : vector<16xi1>, vector<16xf32>
      %add3A_332 = arith.addf %add3A_329, %select_n3A_331 : vector<16xf32>
      %lt3A_333 = arith.constant 1.500000e+00 : f32
      %lt3A_334 = vector.broadcast %lt3A_333 : f32 to vector<16xf32>
      %lt3A_335 = arith.cmpf olt, %add3A_332, %lt3A_334 : vector<16xf32>
      %gt3A_336 = arith.cmpf ogt, %get3A_130, %get3A_158 : vector<16xf32>
      %select_n3A_337 = arith.select %gt3A_336, %broadcast_in_dim3A_223, %broadcast_in_dim3A_225 : vector<16xi1>, vector<16xf32>
      %add3A_338 = arith.addf %broadcast_in_dim3A_225, %select_n3A_337 : vector<16xf32>
      %eq3A_339 = arith.cmpf oeq, %get3A_130, %get3A_158 : vector<16xf32>
      %select_n3A_340 = arith.select %eq3A_339, %broadcast_in_dim3A_223, %broadcast_in_dim3A_225 : vector<16xi1>, vector<16xf32>
      %add3A_341 = arith.addf %add3A_338, %select_n3A_340 : vector<16xf32>
      %gt3A_342 = arith.cmpf ogt, %get3A_137, %get3A_158 : vector<16xf32>
      %select_n3A_343 = arith.select %gt3A_342, %broadcast_in_dim3A_223, %broadcast_in_dim3A_225 : vector<16xi1>, vector<16xf32>
      %add3A_344 = arith.addf %add3A_341, %select_n3A_343 : vector<16xf32>
      %eq3A_345 = arith.cmpf oeq, %get3A_137, %get3A_158 : vector<16xf32>
      %select_n3A_346 = arith.select %eq3A_345, %broadcast_in_dim3A_223, %broadcast_in_dim3A_225 : vector<16xi1>, vector<16xf32>
      %add3A_347 = arith.addf %add3A_344, %select_n3A_346 : vector<16xf32>
      %gt3A_348 = arith.cmpf ogt, %get3A_144, %get3A_158 : vector<16xf32>
      %select_n3A_349 = arith.select %gt3A_348, %broadcast_in_dim3A_223, %broadcast_in_dim3A_225 : vector<16xi1>, vector<16xf32>
      %add3A_350 = arith.addf %add3A_347, %select_n3A_349 : vector<16xf32>
      %eq3A_351 = arith.cmpf oeq, %get3A_144, %get3A_158 : vector<16xf32>
      %select_n3A_352 = arith.select %eq3A_351, %broadcast_in_dim3A_223, %broadcast_in_dim3A_225 : vector<16xi1>, vector<16xf32>
      %add3A_353 = arith.addf %add3A_350, %select_n3A_352 : vector<16xf32>
      %gt3A_354 = arith.cmpf ogt, %get3A_151, %get3A_158 : vector<16xf32>
      %select_n3A_355 = arith.select %gt3A_354, %broadcast_in_dim3A_223, %broadcast_in_dim3A_225 : vector<16xi1>, vector<16xf32>
      %add3A_356 = arith.addf %add3A_353, %select_n3A_355 : vector<16xf32>
      %eq3A_357 = arith.cmpf oeq, %get3A_151, %get3A_158 : vector<16xf32>
      %select_n3A_358 = arith.select %eq3A_357, %broadcast_in_dim3A_223, %broadcast_in_dim3A_225 : vector<16xi1>, vector<16xf32>
      %add3A_359 = arith.addf %add3A_356, %select_n3A_358 : vector<16xf32>
      %gt3A_360 = arith.cmpf ogt, %get3A_165, %get3A_158 : vector<16xf32>
      %select_n3A_361 = arith.select %gt3A_360, %broadcast_in_dim3A_223, %broadcast_in_dim3A_225 : vector<16xi1>, vector<16xf32>
      %add3A_362 = arith.addf %add3A_359, %select_n3A_361 : vector<16xf32>
      %gt3A_363 = arith.cmpf ogt, %get3A_172, %get3A_158 : vector<16xf32>
      %select_n3A_364 = arith.select %gt3A_363, %broadcast_in_dim3A_223, %broadcast_in_dim3A_225 : vector<16xi1>, vector<16xf32>
      %add3A_365 = arith.addf %add3A_362, %select_n3A_364 : vector<16xf32>
      %gt3A_366 = arith.cmpf ogt, %get3A_179, %get3A_158 : vector<16xf32>
      %select_n3A_367 = arith.select %gt3A_366, %broadcast_in_dim3A_223, %broadcast_in_dim3A_225 : vector<16xi1>, vector<16xf32>
      %add3A_368 = arith.addf %add3A_365, %select_n3A_367 : vector<16xf32>
      %lt3A_369 = arith.constant 1.500000e+00 : f32
      %lt3A_370 = vector.broadcast %lt3A_369 : f32 to vector<16xf32>
      %lt3A_371 = arith.cmpf olt, %add3A_368, %lt3A_370 : vector<16xf32>
      %gt3A_372 = arith.cmpf ogt, %get3A_130, %get3A_165 : vector<16xf32>
      %select_n3A_373 = arith.select %gt3A_372, %broadcast_in_dim3A_223, %broadcast_in_dim3A_225 : vector<16xi1>, vector<16xf32>
      %add3A_374 = arith.addf %broadcast_in_dim3A_225, %select_n3A_373 : vector<16xf32>
      %eq3A_375 = arith.cmpf oeq, %get3A_130, %get3A_165 : vector<16xf32>
      %select_n3A_376 = arith.select %eq3A_375, %broadcast_in_dim3A_223, %broadcast_in_dim3A_225 : vector<16xi1>, vector<16xf32>
      %add3A_377 = arith.addf %add3A_374, %select_n3A_376 : vector<16xf32>
      %gt3A_378 = arith.cmpf ogt, %get3A_137, %get3A_165 : vector<16xf32>
      %select_n3A_379 = arith.select %gt3A_378, %broadcast_in_dim3A_223, %broadcast_in_dim3A_225 : vector<16xi1>, vector<16xf32>
      %add3A_380 = arith.addf %add3A_377, %select_n3A_379 : vector<16xf32>
      %eq3A_381 = arith.cmpf oeq, %get3A_137, %get3A_165 : vector<16xf32>
      %select_n3A_382 = arith.select %eq3A_381, %broadcast_in_dim3A_223, %broadcast_in_dim3A_225 : vector<16xi1>, vector<16xf32>
      %add3A_383 = arith.addf %add3A_380, %select_n3A_382 : vector<16xf32>
      %gt3A_384 = arith.cmpf ogt, %get3A_144, %get3A_165 : vector<16xf32>
      %select_n3A_385 = arith.select %gt3A_384, %broadcast_in_dim3A_223, %broadcast_in_dim3A_225 : vector<16xi1>, vector<16xf32>
      %add3A_386 = arith.addf %add3A_383, %select_n3A_385 : vector<16xf32>
      %eq3A_387 = arith.cmpf oeq, %get3A_144, %get3A_165 : vector<16xf32>
      %select_n3A_388 = arith.select %eq3A_387, %broadcast_in_dim3A_223, %broadcast_in_dim3A_225 : vector<16xi1>, vector<16xf32>
      %add3A_389 = arith.addf %add3A_386, %select_n3A_388 : vector<16xf32>
      %gt3A_390 = arith.cmpf ogt, %get3A_151, %get3A_165 : vector<16xf32>
      %select_n3A_391 = arith.select %gt3A_390, %broadcast_in_dim3A_223, %broadcast_in_dim3A_225 : vector<16xi1>, vector<16xf32>
      %add3A_392 = arith.addf %add3A_389, %select_n3A_391 : vector<16xf32>
      %eq3A_393 = arith.cmpf oeq, %get3A_151, %get3A_165 : vector<16xf32>
      %select_n3A_394 = arith.select %eq3A_393, %broadcast_in_dim3A_223, %broadcast_in_dim3A_225 : vector<16xi1>, vector<16xf32>
      %add3A_395 = arith.addf %add3A_392, %select_n3A_394 : vector<16xf32>
      %gt3A_396 = arith.cmpf ogt, %get3A_158, %get3A_165 : vector<16xf32>
      %select_n3A_397 = arith.select %gt3A_396, %broadcast_in_dim3A_223, %broadcast_in_dim3A_225 : vector<16xi1>, vector<16xf32>
      %add3A_398 = arith.addf %add3A_395, %select_n3A_397 : vector<16xf32>
      %eq3A_399 = arith.cmpf oeq, %get3A_158, %get3A_165 : vector<16xf32>
      %select_n3A_400 = arith.select %eq3A_399, %broadcast_in_dim3A_223, %broadcast_in_dim3A_225 : vector<16xi1>, vector<16xf32>
      %add3A_401 = arith.addf %add3A_398, %select_n3A_400 : vector<16xf32>
      %gt3A_402 = arith.cmpf ogt, %get3A_172, %get3A_165 : vector<16xf32>
      %select_n3A_403 = arith.select %gt3A_402, %broadcast_in_dim3A_223, %broadcast_in_dim3A_225 : vector<16xi1>, vector<16xf32>
      %add3A_404 = arith.addf %add3A_401, %select_n3A_403 : vector<16xf32>
      %gt3A_405 = arith.cmpf ogt, %get3A_179, %get3A_165 : vector<16xf32>
      %select_n3A_406 = arith.select %gt3A_405, %broadcast_in_dim3A_223, %broadcast_in_dim3A_225 : vector<16xi1>, vector<16xf32>
      %add3A_407 = arith.addf %add3A_404, %select_n3A_406 : vector<16xf32>
      %lt3A_408 = arith.constant 1.500000e+00 : f32
      %lt3A_409 = vector.broadcast %lt3A_408 : f32 to vector<16xf32>
      %lt3A_410 = arith.cmpf olt, %add3A_407, %lt3A_409 : vector<16xf32>
      %gt3A_411 = arith.cmpf ogt, %get3A_130, %get3A_172 : vector<16xf32>
      %select_n3A_412 = arith.select %gt3A_411, %broadcast_in_dim3A_223, %broadcast_in_dim3A_225 : vector<16xi1>, vector<16xf32>
      %add3A_413 = arith.addf %broadcast_in_dim3A_225, %select_n3A_412 : vector<16xf32>
      %eq3A_414 = arith.cmpf oeq, %get3A_130, %get3A_172 : vector<16xf32>
      %select_n3A_415 = arith.select %eq3A_414, %broadcast_in_dim3A_223, %broadcast_in_dim3A_225 : vector<16xi1>, vector<16xf32>
      %add3A_416 = arith.addf %add3A_413, %select_n3A_415 : vector<16xf32>
      %gt3A_417 = arith.cmpf ogt, %get3A_137, %get3A_172 : vector<16xf32>
      %select_n3A_418 = arith.select %gt3A_417, %broadcast_in_dim3A_223, %broadcast_in_dim3A_225 : vector<16xi1>, vector<16xf32>
      %add3A_419 = arith.addf %add3A_416, %select_n3A_418 : vector<16xf32>
      %eq3A_420 = arith.cmpf oeq, %get3A_137, %get3A_172 : vector<16xf32>
      %select_n3A_421 = arith.select %eq3A_420, %broadcast_in_dim3A_223, %broadcast_in_dim3A_225 : vector<16xi1>, vector<16xf32>
      %add3A_422 = arith.addf %add3A_419, %select_n3A_421 : vector<16xf32>
      %gt3A_423 = arith.cmpf ogt, %get3A_144, %get3A_172 : vector<16xf32>
      %select_n3A_424 = arith.select %gt3A_423, %broadcast_in_dim3A_223, %broadcast_in_dim3A_225 : vector<16xi1>, vector<16xf32>
      %add3A_425 = arith.addf %add3A_422, %select_n3A_424 : vector<16xf32>
      %eq3A_426 = arith.cmpf oeq, %get3A_144, %get3A_172 : vector<16xf32>
      %select_n3A_427 = arith.select %eq3A_426, %broadcast_in_dim3A_223, %broadcast_in_dim3A_225 : vector<16xi1>, vector<16xf32>
      %add3A_428 = arith.addf %add3A_425, %select_n3A_427 : vector<16xf32>
      %gt3A_429 = arith.cmpf ogt, %get3A_151, %get3A_172 : vector<16xf32>
      %select_n3A_430 = arith.select %gt3A_429, %broadcast_in_dim3A_223, %broadcast_in_dim3A_225 : vector<16xi1>, vector<16xf32>
      %add3A_431 = arith.addf %add3A_428, %select_n3A_430 : vector<16xf32>
      %eq3A_432 = arith.cmpf oeq, %get3A_151, %get3A_172 : vector<16xf32>
      %select_n3A_433 = arith.select %eq3A_432, %broadcast_in_dim3A_223, %broadcast_in_dim3A_225 : vector<16xi1>, vector<16xf32>
      %add3A_434 = arith.addf %add3A_431, %select_n3A_433 : vector<16xf32>
      %gt3A_435 = arith.cmpf ogt, %get3A_158, %get3A_172 : vector<16xf32>
      %select_n3A_436 = arith.select %gt3A_435, %broadcast_in_dim3A_223, %broadcast_in_dim3A_225 : vector<16xi1>, vector<16xf32>
      %add3A_437 = arith.addf %add3A_434, %select_n3A_436 : vector<16xf32>
      %eq3A_438 = arith.cmpf oeq, %get3A_158, %get3A_172 : vector<16xf32>
      %select_n3A_439 = arith.select %eq3A_438, %broadcast_in_dim3A_223, %broadcast_in_dim3A_225 : vector<16xi1>, vector<16xf32>
      %add3A_440 = arith.addf %add3A_437, %select_n3A_439 : vector<16xf32>
      %gt3A_441 = arith.cmpf ogt, %get3A_165, %get3A_172 : vector<16xf32>
      %select_n3A_442 = arith.select %gt3A_441, %broadcast_in_dim3A_223, %broadcast_in_dim3A_225 : vector<16xi1>, vector<16xf32>
      %add3A_443 = arith.addf %add3A_440, %select_n3A_442 : vector<16xf32>
      %eq3A_444 = arith.cmpf oeq, %get3A_165, %get3A_172 : vector<16xf32>
      %select_n3A_445 = arith.select %eq3A_444, %broadcast_in_dim3A_223, %broadcast_in_dim3A_225 : vector<16xi1>, vector<16xf32>
      %add3A_446 = arith.addf %add3A_443, %select_n3A_445 : vector<16xf32>
      %gt3A_447 = arith.cmpf ogt, %get3A_179, %get3A_172 : vector<16xf32>
      %select_n3A_448 = arith.select %gt3A_447, %broadcast_in_dim3A_223, %broadcast_in_dim3A_225 : vector<16xi1>, vector<16xf32>
      %add3A_449 = arith.addf %add3A_446, %select_n3A_448 : vector<16xf32>
      %lt3A_450 = arith.constant 1.500000e+00 : f32
      %lt3A_451 = vector.broadcast %lt3A_450 : f32 to vector<16xf32>
      %lt3A_452 = arith.cmpf olt, %add3A_449, %lt3A_451 : vector<16xf32>
      %gt3A_453 = arith.cmpf ogt, %get3A_130, %get3A_179 : vector<16xf32>
      %select_n3A_454 = arith.select %gt3A_453, %broadcast_in_dim3A_223, %broadcast_in_dim3A_225 : vector<16xi1>, vector<16xf32>
      %add3A_455 = arith.addf %broadcast_in_dim3A_225, %select_n3A_454 : vector<16xf32>
      %eq3A_456 = arith.cmpf oeq, %get3A_130, %get3A_179 : vector<16xf32>
      %select_n3A_457 = arith.select %eq3A_456, %broadcast_in_dim3A_223, %broadcast_in_dim3A_225 : vector<16xi1>, vector<16xf32>
      %add3A_458 = arith.addf %add3A_455, %select_n3A_457 : vector<16xf32>
      %gt3A_459 = arith.cmpf ogt, %get3A_137, %get3A_179 : vector<16xf32>
      %select_n3A_460 = arith.select %gt3A_459, %broadcast_in_dim3A_223, %broadcast_in_dim3A_225 : vector<16xi1>, vector<16xf32>
      %add3A_461 = arith.addf %add3A_458, %select_n3A_460 : vector<16xf32>
      %eq3A_462 = arith.cmpf oeq, %get3A_137, %get3A_179 : vector<16xf32>
      %select_n3A_463 = arith.select %eq3A_462, %broadcast_in_dim3A_223, %broadcast_in_dim3A_225 : vector<16xi1>, vector<16xf32>
      %add3A_464 = arith.addf %add3A_461, %select_n3A_463 : vector<16xf32>
      %gt3A_465 = arith.cmpf ogt, %get3A_144, %get3A_179 : vector<16xf32>
      %select_n3A_466 = arith.select %gt3A_465, %broadcast_in_dim3A_223, %broadcast_in_dim3A_225 : vector<16xi1>, vector<16xf32>
      %add3A_467 = arith.addf %add3A_464, %select_n3A_466 : vector<16xf32>
      %eq3A_468 = arith.cmpf oeq, %get3A_144, %get3A_179 : vector<16xf32>
      %select_n3A_469 = arith.select %eq3A_468, %broadcast_in_dim3A_223, %broadcast_in_dim3A_225 : vector<16xi1>, vector<16xf32>
      %add3A_470 = arith.addf %add3A_467, %select_n3A_469 : vector<16xf32>
      %gt3A_471 = arith.cmpf ogt, %get3A_151, %get3A_179 : vector<16xf32>
      %select_n3A_472 = arith.select %gt3A_471, %broadcast_in_dim3A_223, %broadcast_in_dim3A_225 : vector<16xi1>, vector<16xf32>
      %add3A_473 = arith.addf %add3A_470, %select_n3A_472 : vector<16xf32>
      %eq3A_474 = arith.cmpf oeq, %get3A_151, %get3A_179 : vector<16xf32>
      %select_n3A_475 = arith.select %eq3A_474, %broadcast_in_dim3A_223, %broadcast_in_dim3A_225 : vector<16xi1>, vector<16xf32>
      %add3A_476 = arith.addf %add3A_473, %select_n3A_475 : vector<16xf32>
      %gt3A_477 = arith.cmpf ogt, %get3A_158, %get3A_179 : vector<16xf32>
      %select_n3A_478 = arith.select %gt3A_477, %broadcast_in_dim3A_223, %broadcast_in_dim3A_225 : vector<16xi1>, vector<16xf32>
      %add3A_479 = arith.addf %add3A_476, %select_n3A_478 : vector<16xf32>
      %eq3A_480 = arith.cmpf oeq, %get3A_158, %get3A_179 : vector<16xf32>
      %select_n3A_481 = arith.select %eq3A_480, %broadcast_in_dim3A_223, %broadcast_in_dim3A_225 : vector<16xi1>, vector<16xf32>
      %add3A_482 = arith.addf %add3A_479, %select_n3A_481 : vector<16xf32>
      %gt3A_483 = arith.cmpf ogt, %get3A_165, %get3A_179 : vector<16xf32>
      %select_n3A_484 = arith.select %gt3A_483, %broadcast_in_dim3A_223, %broadcast_in_dim3A_225 : vector<16xi1>, vector<16xf32>
      %add3A_485 = arith.addf %add3A_482, %select_n3A_484 : vector<16xf32>
      %eq3A_486 = arith.cmpf oeq, %get3A_165, %get3A_179 : vector<16xf32>
      %select_n3A_487 = arith.select %eq3A_486, %broadcast_in_dim3A_223, %broadcast_in_dim3A_225 : vector<16xi1>, vector<16xf32>
      %add3A_488 = arith.addf %add3A_485, %select_n3A_487 : vector<16xf32>
      %gt3A_489 = arith.cmpf ogt, %get3A_172, %get3A_179 : vector<16xf32>
      %select_n3A_490 = arith.select %gt3A_489, %broadcast_in_dim3A_223, %broadcast_in_dim3A_225 : vector<16xi1>, vector<16xf32>
      %add3A_491 = arith.addf %add3A_488, %select_n3A_490 : vector<16xf32>
      %eq3A_492 = arith.cmpf oeq, %get3A_172, %get3A_179 : vector<16xf32>
      %select_n3A_493 = arith.select %eq3A_492, %broadcast_in_dim3A_223, %broadcast_in_dim3A_225 : vector<16xi1>, vector<16xf32>
      %add3A_494 = arith.addf %add3A_491, %select_n3A_493 : vector<16xf32>
      %lt3A_495 = arith.constant 1.500000e+00 : f32
      %lt3A_496 = vector.broadcast %lt3A_495 : f32 to vector<16xf32>
      %lt3A_497 = arith.cmpf olt, %add3A_494, %lt3A_496 : vector<16xf32>
      %select_n3A_498 = arith.select %lt3A_246, %div3A, %broadcast_in_dim3A_225 : vector<16xi1>, vector<16xf32>
      %add3A_499 = arith.addf %broadcast_in_dim3A_225, %select_n3A_498 : vector<16xf32>
      %select_n3A_500 = arith.select %lt3A_272, %div3A_207, %broadcast_in_dim3A_225 : vector<16xi1>, vector<16xf32>
      %add3A_501 = arith.addf %add3A_499, %select_n3A_500 : vector<16xf32>
      %select_n3A_502 = arith.select %lt3A_302, %div3A_208, %broadcast_in_dim3A_225 : vector<16xi1>, vector<16xf32>
      %add3A_503 = arith.addf %add3A_501, %select_n3A_502 : vector<16xf32>
      %select_n3A_504 = arith.select %lt3A_335, %div3A_209, %broadcast_in_dim3A_225 : vector<16xi1>, vector<16xf32>
      %add3A_505 = arith.addf %add3A_503, %select_n3A_504 : vector<16xf32>
      %select_n3A_506 = arith.select %lt3A_371, %div3A_210, %broadcast_in_dim3A_225 : vector<16xi1>, vector<16xf32>
      %add3A_507 = arith.addf %add3A_505, %select_n3A_506 : vector<16xf32>
      %select_n3A_508 = arith.select %lt3A_410, %div3A_211, %broadcast_in_dim3A_225 : vector<16xi1>, vector<16xf32>
      %add3A_509 = arith.addf %add3A_507, %select_n3A_508 : vector<16xf32>
      %select_n3A_510 = arith.select %lt3A_452, %div3A_212, %broadcast_in_dim3A_225 : vector<16xi1>, vector<16xf32>
      %add3A_511 = arith.addf %add3A_509, %select_n3A_510 : vector<16xf32>
      %select_n3A_512 = arith.select %lt3A_497, %div3A_213, %broadcast_in_dim3A_225 : vector<16xi1>, vector<16xf32>
      %add3A_513 = arith.addf %add3A_511, %select_n3A_512 : vector<16xf32>
      %div3A_514 = arith.divf %div3A, %add3A_513 : vector<16xf32>
      %select_n3A_515 = arith.select %lt3A_246, %div3A_514, %broadcast_in_dim3A_225 : vector<16xi1>, vector<16xf32>
      %div3A_516 = arith.divf %div3A_207, %add3A_513 : vector<16xf32>
      %select_n3A_517 = arith.select %lt3A_272, %div3A_516, %broadcast_in_dim3A_225 : vector<16xi1>, vector<16xf32>
      %div3A_518 = arith.divf %div3A_208, %add3A_513 : vector<16xf32>
      %select_n3A_519 = arith.select %lt3A_302, %div3A_518, %broadcast_in_dim3A_225 : vector<16xi1>, vector<16xf32>
      %div3A_520 = arith.divf %div3A_209, %add3A_513 : vector<16xf32>
      %select_n3A_521 = arith.select %lt3A_335, %div3A_520, %broadcast_in_dim3A_225 : vector<16xi1>, vector<16xf32>
      %div3A_522 = arith.divf %div3A_210, %add3A_513 : vector<16xf32>
      %select_n3A_523 = arith.select %lt3A_371, %div3A_522, %broadcast_in_dim3A_225 : vector<16xi1>, vector<16xf32>
      %div3A_524 = arith.divf %div3A_211, %add3A_513 : vector<16xf32>
      %select_n3A_525 = arith.select %lt3A_410, %div3A_524, %broadcast_in_dim3A_225 : vector<16xi1>, vector<16xf32>
      %div3A_526 = arith.divf %div3A_212, %add3A_513 : vector<16xf32>
      %select_n3A_527 = arith.select %lt3A_452, %div3A_526, %broadcast_in_dim3A_225 : vector<16xi1>, vector<16xf32>
      %div3A_528 = arith.divf %div3A_213, %add3A_513 : vector<16xf32>
      %select_n3A_529 = arith.select %lt3A_497, %div3A_528, %broadcast_in_dim3A_225 : vector<16xi1>, vector<16xf32>
      %mul3A_530 = arith.constant 16 : i32
      %mul3A_531 = arith.muli %scan3A_116, %mul3A_530 : i32
      %swap3A_532 = arith.constant 0 : i32
      %swap3A_533 = arith.index_cast %swap3A_532 : i32 to index
      %swap3A_534 = arith.index_cast %mul3A_531 : i32 to index
      %swap3A_535 = tpu.vector_load %arg9[%swap3A_533, %swap3A_534] {strides = array<i32>} : memref<8x128xf32, #tpu.memory_space<vmem>>, vector<1x16xf32>,
      %swap3A_536 = vector.shape_cast %swap3A_535 : vector<1x16xf32> to vector<16xf32>
      %swap3A_537 = vector.shape_cast %select_n3A_515 : vector<16xf32> to vector<1x16xf32>
      tpu.vector_store %arg9[%swap3A_533, %swap3A_534], %swap3A_537 {strides = array<i32>} : memref<8x128xf32, #tpu.memory_space<vmem>>, vector<1x16xf32>,
      %mul3A_538 = arith.constant 16 : i32
      %mul3A_539 = arith.muli %scan3A_116, %mul3A_538 : i32
      %swap3A_540 = arith.constant 1 : i32
      %swap3A_541 = arith.index_cast %swap3A_540 : i32 to index
      %swap3A_542 = arith.index_cast %mul3A_539 : i32 to index
      %swap3A_543 = tpu.vector_load %arg9[%swap3A_541, %swap3A_542] {strides = array<i32>} : memref<8x128xf32, #tpu.memory_space<vmem>>, vector<1x16xf32>,
      %swap3A_544 = vector.shape_cast %swap3A_543 : vector<1x16xf32> to vector<16xf32>
      %swap3A_545 = vector.shape_cast %select_n3A_517 : vector<16xf32> to vector<1x16xf32>
      tpu.vector_store %arg9[%swap3A_541, %swap3A_542], %swap3A_545 {strides = array<i32>} : memref<8x128xf32, #tpu.memory_space<vmem>>, vector<1x16xf32>,
      %mul3A_546 = arith.constant 16 : i32
      %mul3A_547 = arith.muli %scan3A_116, %mul3A_546 : i32
      %swap3A_548 = arith.constant 2 : i32
      %swap3A_549 = arith.index_cast %swap3A_548 : i32 to index
      %swap3A_550 = arith.index_cast %mul3A_547 : i32 to index
      %swap3A_551 = tpu.vector_load %arg9[%swap3A_549, %swap3A_550] {strides = array<i32>} : memref<8x128xf32, #tpu.memory_space<vmem>>, vector<1x16xf32>,
      %swap3A_552 = vector.shape_cast %swap3A_551 : vector<1x16xf32> to vector<16xf32>
      %swap3A_553 = vector.shape_cast %select_n3A_519 : vector<16xf32> to vector<1x16xf32>
      tpu.vector_store %arg9[%swap3A_549, %swap3A_550], %swap3A_553 {strides = array<i32>} : memref<8x128xf32, #tpu.memory_space<vmem>>, vector<1x16xf32>,
      %mul3A_554 = arith.constant 16 : i32
      %mul3A_555 = arith.muli %scan3A_116, %mul3A_554 : i32
      %swap3A_556 = arith.constant 3 : i32
      %swap3A_557 = arith.index_cast %swap3A_556 : i32 to index
      %swap3A_558 = arith.index_cast %mul3A_555 : i32 to index
      %swap3A_559 = tpu.vector_load %arg9[%swap3A_557, %swap3A_558] {strides = array<i32>} : memref<8x128xf32, #tpu.memory_space<vmem>>, vector<1x16xf32>,
      %swap3A_560 = vector.shape_cast %swap3A_559 : vector<1x16xf32> to vector<16xf32>
      %swap3A_561 = vector.shape_cast %select_n3A_521 : vector<16xf32> to vector<1x16xf32>
      tpu.vector_store %arg9[%swap3A_557, %swap3A_558], %swap3A_561 {strides = array<i32>} : memref<8x128xf32, #tpu.memory_space<vmem>>, vector<1x16xf32>,
      %mul3A_562 = arith.constant 16 : i32
      %mul3A_563 = arith.muli %scan3A_116, %mul3A_562 : i32
      %swap3A_564 = arith.constant 4 : i32
      %swap3A_565 = arith.index_cast %swap3A_564 : i32 to index
      %swap3A_566 = arith.index_cast %mul3A_563 : i32 to index
      %swap3A_567 = tpu.vector_load %arg9[%swap3A_565, %swap3A_566] {strides = array<i32>} : memref<8x128xf32, #tpu.memory_space<vmem>>, vector<1x16xf32>,
      %swap3A_568 = vector.shape_cast %swap3A_567 : vector<1x16xf32> to vector<16xf32>
      %swap3A_569 = vector.shape_cast %select_n3A_523 : vector<16xf32> to vector<1x16xf32>
      tpu.vector_store %arg9[%swap3A_565, %swap3A_566], %swap3A_569 {strides = array<i32>} : memref<8x128xf32, #tpu.memory_space<vmem>>, vector<1x16xf32>,
      %mul3A_570 = arith.constant 16 : i32
      %mul3A_571 = arith.muli %scan3A_116, %mul3A_570 : i32
      %swap3A_572 = arith.constant 5 : i32
      %swap3A_573 = arith.index_cast %swap3A_572 : i32 to index
      %swap3A_574 = arith.index_cast %mul3A_571 : i32 to index
      %swap3A_575 = tpu.vector_load %arg9[%swap3A_573, %swap3A_574] {strides = array<i32>} : memref<8x128xf32, #tpu.memory_space<vmem>>, vector<1x16xf32>,
      %swap3A_576 = vector.shape_cast %swap3A_575 : vector<1x16xf32> to vector<16xf32>
      %swap3A_577 = vector.shape_cast %select_n3A_525 : vector<16xf32> to vector<1x16xf32>
      tpu.vector_store %arg9[%swap3A_573, %swap3A_574], %swap3A_577 {strides = array<i32>} : memref<8x128xf32, #tpu.memory_space<vmem>>, vector<1x16xf32>,
      %mul3A_578 = arith.constant 16 : i32
      %mul3A_579 = arith.muli %scan3A_116, %mul3A_578 : i32
      %swap3A_580 = arith.constant 6 : i32
      %swap3A_581 = arith.index_cast %swap3A_580 : i32 to index
      %swap3A_582 = arith.index_cast %mul3A_579 : i32 to index
      %swap3A_583 = tpu.vector_load %arg9[%swap3A_581, %swap3A_582] {strides = array<i32>} : memref<8x128xf32, #tpu.memory_space<vmem>>, vector<1x16xf32>,
      %swap3A_584 = vector.shape_cast %swap3A_583 : vector<1x16xf32> to vector<16xf32>
      %swap3A_585 = vector.shape_cast %select_n3A_527 : vector<16xf32> to vector<1x16xf32>
      tpu.vector_store %arg9[%swap3A_581, %swap3A_582], %swap3A_585 {strides = array<i32>} : memref<8x128xf32, #tpu.memory_space<vmem>>, vector<1x16xf32>,
      %mul3A_586 = arith.constant 16 : i32
      %mul3A_587 = arith.muli %scan3A_116, %mul3A_586 : i32
      %swap3A_588 = arith.constant 7 : i32
      %swap3A_589 = arith.index_cast %swap3A_588 : i32 to index
      %swap3A_590 = arith.index_cast %mul3A_587 : i32 to index
      %swap3A_591 = tpu.vector_load %arg9[%swap3A_589, %swap3A_590] {strides = array<i32>} : memref<8x128xf32, #tpu.memory_space<vmem>>, vector<1x16xf32>,
      %swap3A_592 = vector.shape_cast %swap3A_591 : vector<1x16xf32> to vector<16xf32>
      %swap3A_593 = vector.shape_cast %select_n3A_529 : vector<16xf32> to vector<1x16xf32>
      tpu.vector_store %arg9[%swap3A_589, %swap3A_590], %swap3A_593 {strides = array<i32>} : memref<8x128xf32, #tpu.memory_space<vmem>>, vector<1x16xf32>,
      scf.yield %add3A_214, %add3A_215, %add3A_216, %add3A_217, %add3A_218, %add3A_219, %add3A_220, %add3A_221 : vector<16xf32>, vector<16xf32>, vector<16xf32>, vector<16xf32>, vector<16xf32>, vector<16xf32>, vector<16xf32>, vector<16xf32>
    }
    %scan3A_8 = arith.constant 8 : i32
    %swap3A = arith.constant 0 : i32
    %swap3A_9 = arith.index_cast %swap3A : i32 to index
    %swap3A_10 = arith.constant 0 : index
    %swap3A_11 = tpu.vector_load %arg12[%swap3A_9, %swap3A_10] {strides = array<i32>} : memref<8x16xf32, #tpu.memory_space<vmem>>, vector<1x16xf32>,
    %swap3A_12 = vector.shape_cast %swap3A_11 : vector<1x16xf32> to vector<16xf32>
    %swap3A_13 = vector.shape_cast %scan3A_7#0 : vector<16xf32> to vector<1x16xf32>
    tpu.vector_store %arg12[%swap3A_9, %swap3A_10], %swap3A_13 {strides = array<i32>} : memref<8x16xf32, #tpu.memory_space<vmem>>, vector<1x16xf32>,
    %swap3A_14 = arith.constant 1 : i32
    %swap3A_15 = arith.index_cast %swap3A_14 : i32 to index
    %swap3A_16 = arith.constant 0 : index
    %swap3A_17 = tpu.vector_load %arg12[%swap3A_15, %swap3A_16] {strides = array<i32>} : memref<8x16xf32, #tpu.memory_space<vmem>>, vector<1x16xf32>,
    %swap3A_18 = vector.shape_cast %swap3A_17 : vector<1x16xf32> to vector<16xf32>
    %swap3A_19 = vector.shape_cast %scan3A_7#1 : vector<16xf32> to vector<1x16xf32>
    tpu.vector_store %arg12[%swap3A_15, %swap3A_16], %swap3A_19 {strides = array<i32>} : memref<8x16xf32, #tpu.memory_space<vmem>>, vector<1x16xf32>,
    %swap3A_20 = arith.constant 2 : i32
    %swap3A_21 = arith.index_cast %swap3A_20 : i32 to index
    %swap3A_22 = arith.constant 0 : index
    %swap3A_23 = tpu.vector_load %arg12[%swap3A_21, %swap3A_22] {strides = array<i32>} : memref<8x16xf32, #tpu.memory_space<vmem>>, vector<1x16xf32>,
    %swap3A_24 = vector.shape_cast %swap3A_23 : vector<1x16xf32> to vector<16xf32>
    %swap3A_25 = vector.shape_cast %scan3A_7#2 : vector<16xf32> to vector<1x16xf32>
    tpu.vector_store %arg12[%swap3A_21, %swap3A_22], %swap3A_25 {strides = array<i32>} : memref<8x16xf32, #tpu.memory_space<vmem>>, vector<1x16xf32>,
    %swap3A_26 = arith.constant 3 : i32
    %swap3A_27 = arith.index_cast %swap3A_26 : i32 to index
    %swap3A_28 = arith.constant 0 : index
    %swap3A_29 = tpu.vector_load %arg12[%swap3A_27, %swap3A_28] {strides = array<i32>} : memref<8x16xf32, #tpu.memory_space<vmem>>, vector<1x16xf32>,
    %swap3A_30 = vector.shape_cast %swap3A_29 : vector<1x16xf32> to vector<16xf32>
    %swap3A_31 = vector.shape_cast %scan3A_7#3 : vector<16xf32> to vector<1x16xf32>
    tpu.vector_store %arg12[%swap3A_27, %swap3A_28], %swap3A_31 {strides = array<i32>} : memref<8x16xf32, #tpu.memory_space<vmem>>, vector<1x16xf32>,
    %swap3A_32 = arith.constant 4 : i32
    %swap3A_33 = arith.index_cast %swap3A_32 : i32 to index
    %swap3A_34 = arith.constant 0 : index
    %swap3A_35 = tpu.vector_load %arg12[%swap3A_33, %swap3A_34] {strides = array<i32>} : memref<8x16xf32, #tpu.memory_space<vmem>>, vector<1x16xf32>,
    %swap3A_36 = vector.shape_cast %swap3A_35 : vector<1x16xf32> to vector<16xf32>
    %swap3A_37 = vector.shape_cast %scan3A_7#4 : vector<16xf32> to vector<1x16xf32>
    tpu.vector_store %arg12[%swap3A_33, %swap3A_34], %swap3A_37 {strides = array<i32>} : memref<8x16xf32, #tpu.memory_space<vmem>>, vector<1x16xf32>,
    %swap3A_38 = arith.constant 5 : i32
    %swap3A_39 = arith.index_cast %swap3A_38 : i32 to index
    %swap3A_40 = arith.constant 0 : index
    %swap3A_41 = tpu.vector_load %arg12[%swap3A_39, %swap3A_40] {strides = array<i32>} : memref<8x16xf32, #tpu.memory_space<vmem>>, vector<1x16xf32>,
    %swap3A_42 = vector.shape_cast %swap3A_41 : vector<1x16xf32> to vector<16xf32>
    %swap3A_43 = vector.shape_cast %scan3A_7#5 : vector<16xf32> to vector<1x16xf32>
    tpu.vector_store %arg12[%swap3A_39, %swap3A_40], %swap3A_43 {strides = array<i32>} : memref<8x16xf32, #tpu.memory_space<vmem>>, vector<1x16xf32>,
    %swap3A_44 = arith.constant 6 : i32
    %swap3A_45 = arith.index_cast %swap3A_44 : i32 to index
    %swap3A_46 = arith.constant 0 : index
    %swap3A_47 = tpu.vector_load %arg12[%swap3A_45, %swap3A_46] {strides = array<i32>} : memref<8x16xf32, #tpu.memory_space<vmem>>, vector<1x16xf32>,
    %swap3A_48 = vector.shape_cast %swap3A_47 : vector<1x16xf32> to vector<16xf32>
    %swap3A_49 = vector.shape_cast %scan3A_7#6 : vector<16xf32> to vector<1x16xf32>
    tpu.vector_store %arg12[%swap3A_45, %swap3A_46], %swap3A_49 {strides = array<i32>} : memref<8x16xf32, #tpu.memory_space<vmem>>, vector<1x16xf32>,
    %swap3A_50 = arith.constant 7 : i32
    %swap3A_51 = arith.index_cast %swap3A_50 : i32 to index
    %swap3A_52 = arith.constant 0 : index
    %swap3A_53 = tpu.vector_load %arg12[%swap3A_51, %swap3A_52] {strides = array<i32>} : memref<8x16xf32, #tpu.memory_space<vmem>>, vector<1x16xf32>,
    %swap3A_54 = vector.shape_cast %swap3A_53 : vector<1x16xf32> to vector<16xf32>
    %swap3A_55 = vector.shape_cast %scan3A_7#7 : vector<16xf32> to vector<1x16xf32>
    tpu.vector_store %arg12[%swap3A_51, %swap3A_52], %swap3A_55 {strides = array<i32>} : memref<8x16xf32, #tpu.memory_space<vmem>>, vector<1x16xf32>,
    "tpu.region"() ({
      %run_scoped3A = tpu.sem_alloc : memref<!tpu.dma_semaphore, #tpu.memory_space<semaphore_mem>>
      %dma_start3A = arith.constant 0 : i32
      %dma_start3A_116 = tpu.memref_slice %arg4[%dma_start3A, %mul3A_2] : memref<8x4096xf32, #tpu.memory_space<hbm>> -> memref<8x128xf32, #tpu.memory_space<hbm>>
      %dma_start3A_117 = arith.constant 0 : i32
      %dma_start3A_118 = tpu.memref_slice %arg4[%dma_start3A_117, %mul3A_2] : memref<8x4096xf32, #tpu.memory_space<hbm>> -> memref<8x128xf32, #tpu.memory_space<hbm>>
      tpu.enqueue_dma source(%arg9 : memref<8x128xf32, #tpu.memory_space<vmem>>) target(%dma_start3A_118 : memref<8x128xf32, #tpu.memory_space<hbm>>) target_semaphore(%run_scoped3A : memref<!tpu.dma_semaphore, #tpu.memory_space<semaphore_mem>>)
      %dma_wait3A = arith.constant 0 : i32
      %dma_wait3A_119 = tpu.memref_slice %arg4[%dma_wait3A, %mul3A_2] : memref<8x4096xf32, #tpu.memory_space<hbm>> -> memref<8x128xf32, #tpu.memory_space<hbm>>
      %dma_wait3A_120 = arith.constant 0 : i32
      %dma_wait3A_121 = tpu.memref_slice %arg4[%dma_wait3A_120, %mul3A_2] : memref<8x4096xf32, #tpu.memory_space<hbm>> -> memref<8x128xf32, #tpu.memory_space<hbm>>
      tpu.wait_dma2 semaphore(%run_scoped3A : memref<!tpu.dma_semaphore, #tpu.memory_space<semaphore_mem>>) src(%arg9 : memref<8x128xf32, #tpu.memory_space<vmem>>) dst(%dma_wait3A_121 : memref<8x128xf32, #tpu.memory_space<hbm>>)
      tpu.yield
    }) : () -> ()
    %mul3A_56 = arith.constant 8 : i32
    %mul3A_57 = arith.muli %add3A, %mul3A_56 : i32
    "tpu.region"() ({
      %run_scoped3A = tpu.sem_alloc : memref<!tpu.dma_semaphore, #tpu.memory_space<semaphore_mem>>
      %dma_start3A = arith.constant 0 : i32
      %dma_start3A_116 = tpu.memref_slice %arg6[%mul3A_57, %dma_start3A] : memref<256x16xf32, #tpu.memory_space<hbm>> -> memref<8x16xf32, #tpu.memory_space<hbm>>
      %dma_start3A_117 = arith.constant 0 : i32
      %dma_start3A_118 = tpu.memref_slice %arg6[%mul3A_57, %dma_start3A_117] : memref<256x16xf32, #tpu.memory_space<hbm>> -> memref<8x16xf32, #tpu.memory_space<hbm>>
      tpu.enqueue_dma source(%arg12 : memref<8x16xf32, #tpu.memory_space<vmem>>) target(%dma_start3A_118 : memref<8x16xf32, #tpu.memory_space<hbm>>) target_semaphore(%run_scoped3A : memref<!tpu.dma_semaphore, #tpu.memory_space<semaphore_mem>>)
      %dma_wait3A = arith.constant 0 : i32
      %dma_wait3A_119 = tpu.memref_slice %arg6[%mul3A_57, %dma_wait3A] : memref<256x16xf32, #tpu.memory_space<hbm>> -> memref<8x16xf32, #tpu.memory_space<hbm>>
      %dma_wait3A_120 = arith.constant 0 : i32
      %dma_wait3A_121 = tpu.memref_slice %arg6[%mul3A_57, %dma_wait3A_120] : memref<256x16xf32, #tpu.memory_space<hbm>> -> memref<8x16xf32, #tpu.memory_space<hbm>>
      tpu.wait_dma2 semaphore(%run_scoped3A : memref<!tpu.dma_semaphore, #tpu.memory_space<semaphore_mem>>) src(%arg12 : memref<8x16xf32, #tpu.memory_space<vmem>>) dst(%dma_wait3A_121 : memref<8x16xf32, #tpu.memory_space<hbm>>)
      tpu.yield
    }) : () -> ()
    "tpu.region"() ({
      %run_scoped3A = tpu.sem_alloc : memref<!tpu.dma_semaphore, #tpu.memory_space<semaphore_mem>>
      %dma_start3A = arith.constant 0 : i32
      %dma_start3A_116 = tpu.memref_slice %arg3[%dma_start3A, %mul3A_2] : memref<8x4096xf32, #tpu.memory_space<hbm>> -> memref<8x128xf32, #tpu.memory_space<hbm>>
      %dma_start3A_117 = arith.constant 0 : i32
      %dma_start3A_118 = tpu.memref_slice %arg3[%dma_start3A_117, %mul3A_2] : memref<8x4096xf32, #tpu.memory_space<hbm>> -> memref<8x128xf32, #tpu.memory_space<hbm>>
      tpu.enqueue_dma source(%dma_start3A_118 : memref<8x128xf32, #tpu.memory_space<hbm>>) target(%arg10 : memref<8x128xf32, #tpu.memory_space<vmem>>) target_semaphore(%run_scoped3A : memref<!tpu.dma_semaphore, #tpu.memory_space<semaphore_mem>>)
      %dma_wait3A = arith.constant 0 : i32
      %dma_wait3A_119 = tpu.memref_slice %arg3[%dma_wait3A, %mul3A_2] : memref<8x4096xf32, #tpu.memory_space<hbm>> -> memref<8x128xf32, #tpu.memory_space<hbm>>
      %dma_wait3A_120 = arith.constant 0 : i32
      %dma_wait3A_121 = tpu.memref_slice %arg3[%dma_wait3A_120, %mul3A_2] : memref<8x4096xf32, #tpu.memory_space<hbm>> -> memref<8x128xf32, #tpu.memory_space<hbm>>
      tpu.wait_dma2 semaphore(%run_scoped3A : memref<!tpu.dma_semaphore, #tpu.memory_space<semaphore_mem>>) src(%dma_wait3A_121 : memref<8x128xf32, #tpu.memory_space<hbm>>) dst(%arg10 : memref<8x128xf32, #tpu.memory_space<vmem>>)
      tpu.yield
    }) : () -> ()
    %broadcast_in_dim3A_58 = arith.constant 0.000000e+00 : f32
    %broadcast_in_dim3A_59 = vector.broadcast %broadcast_in_dim3A_58 : f32 to vector<16xf32>
    %scan3A_60 = arith.constant 0 : i32
    %scan3A_61 = arith.constant 8 : i32
    %scan3A_62 = arith.addi %scan3A_60, %scan3A_61 : i32
    %scan3A_63 = arith.constant 1 : i32
    %scan3A_64:8 = scf.for %scan3A_116 = %scan3A_60 to %scan3A_62 step %scan3A_63 iter_args(%scan3A_117 = %broadcast_in_dim3A_59, %scan3A_118 = %broadcast_in_dim3A_59, %scan3A_119 = %broadcast_in_dim3A_59, %scan3A_120 = %broadcast_in_dim3A_59, %scan3A_121 = %broadcast_in_dim3A_59, %scan3A_122 = %broadcast_in_dim3A_59, %scan3A_123 = %broadcast_in_dim3A_59, %scan3A_124 = %broadcast_in_dim3A_59) -> (vector<16xf32>, vector<16xf32>, vector<16xf32>, vector<16xf32>, vector<16xf32>, vector<16xf32>, vector<16xf32>, vector<16xf32>)  : i32 {
      %mul3A_125 = arith.constant 16 : i32
      %mul3A_126 = arith.muli %scan3A_116, %mul3A_125 : i32
      %get3A = arith.constant 0 : i32
      %get3A_127 = arith.index_cast %get3A : i32 to index
      %get3A_128 = arith.index_cast %mul3A_126 : i32 to index
      %get3A_129 = tpu.vector_load %arg10[%get3A_127, %get3A_128] {strides = array<i32>} : memref<8x128xf32, #tpu.memory_space<vmem>>, vector<1x16xf32>,
      %get3A_130 = vector.shape_cast %get3A_129 : vector<1x16xf32> to vector<16xf32>
      %mul3A_131 = arith.constant 16 : i32
      %mul3A_132 = arith.muli %scan3A_116, %mul3A_131 : i32
      %get3A_133 = arith.constant 1 : i32
      %get3A_134 = arith.index_cast %get3A_133 : i32 to index
      %get3A_135 = arith.index_cast %mul3A_132 : i32 to index
      %get3A_136 = tpu.vector_load %arg10[%get3A_134, %get3A_135] {strides = array<i32>} : memref<8x128xf32, #tpu.memory_space<vmem>>, vector<1x16xf32>,
      %get3A_137 = vector.shape_cast %get3A_136 : vector<1x16xf32> to vector<16xf32>
      %mul3A_138 = arith.constant 16 : i32
      %mul3A_139 = arith.muli %scan3A_116, %mul3A_138 : i32
      %get3A_140 = arith.constant 2 : i32
      %get3A_141 = arith.index_cast %get3A_140 : i32 to index
      %get3A_142 = arith.index_cast %mul3A_139 : i32 to index
      %get3A_143 = tpu.vector_load %arg10[%get3A_141, %get3A_142] {strides = array<i32>} : memref<8x128xf32, #tpu.memory_space<vmem>>, vector<1x16xf32>,
      %get3A_144 = vector.shape_cast %get3A_143 : vector<1x16xf32> to vector<16xf32>
      %mul3A_145 = arith.constant 16 : i32
      %mul3A_146 = arith.muli %scan3A_116, %mul3A_145 : i32
      %get3A_147 = arith.constant 3 : i32
      %get3A_148 = arith.index_cast %get3A_147 : i32 to index
      %get3A_149 = arith.index_cast %mul3A_146 : i32 to index
      %get3A_150 = tpu.vector_load %arg10[%get3A_148, %get3A_149] {strides = array<i32>} : memref<8x128xf32, #tpu.memory_space<vmem>>, vector<1x16xf32>,
      %get3A_151 = vector.shape_cast %get3A_150 : vector<1x16xf32> to vector<16xf32>
      %mul3A_152 = arith.constant 16 : i32
      %mul3A_153 = arith.muli %scan3A_116, %mul3A_152 : i32
      %get3A_154 = arith.constant 4 : i32
      %get3A_155 = arith.index_cast %get3A_154 : i32 to index
      %get3A_156 = arith.index_cast %mul3A_153 : i32 to index
      %get3A_157 = tpu.vector_load %arg10[%get3A_155, %get3A_156] {strides = array<i32>} : memref<8x128xf32, #tpu.memory_space<vmem>>, vector<1x16xf32>,
      %get3A_158 = vector.shape_cast %get3A_157 : vector<1x16xf32> to vector<16xf32>
      %mul3A_159 = arith.constant 16 : i32
      %mul3A_160 = arith.muli %scan3A_116, %mul3A_159 : i32
      %get3A_161 = arith.constant 5 : i32
      %get3A_162 = arith.index_cast %get3A_161 : i32 to index
      %get3A_163 = arith.index_cast %mul3A_160 : i32 to index
      %get3A_164 = tpu.vector_load %arg10[%get3A_162, %get3A_163] {strides = array<i32>} : memref<8x128xf32, #tpu.memory_space<vmem>>, vector<1x16xf32>,
      %get3A_165 = vector.shape_cast %get3A_164 : vector<1x16xf32> to vector<16xf32>
      %mul3A_166 = arith.constant 16 : i32
      %mul3A_167 = arith.muli %scan3A_116, %mul3A_166 : i32
      %get3A_168 = arith.constant 6 : i32
      %get3A_169 = arith.index_cast %get3A_168 : i32 to index
      %get3A_170 = arith.index_cast %mul3A_167 : i32 to index
      %get3A_171 = tpu.vector_load %arg10[%get3A_169, %get3A_170] {strides = array<i32>} : memref<8x128xf32, #tpu.memory_space<vmem>>, vector<1x16xf32>,
      %get3A_172 = vector.shape_cast %get3A_171 : vector<1x16xf32> to vector<16xf32>
      %mul3A_173 = arith.constant 16 : i32
      %mul3A_174 = arith.muli %scan3A_116, %mul3A_173 : i32
      %get3A_175 = arith.constant 7 : i32
      %get3A_176 = arith.index_cast %get3A_175 : i32 to index
      %get3A_177 = arith.index_cast %mul3A_174 : i32 to index
      %get3A_178 = tpu.vector_load %arg10[%get3A_176, %get3A_177] {strides = array<i32>} : memref<8x128xf32, #tpu.memory_space<vmem>>, vector<1x16xf32>,
      %get3A_179 = vector.shape_cast %get3A_178 : vector<1x16xf32> to vector<16xf32>
      %max3A = arith.maximumf %get3A_130, %get3A_137 : vector<16xf32>
      %max3A_180 = arith.maximumf %max3A, %get3A_144 : vector<16xf32>
      %max3A_181 = arith.maximumf %max3A_180, %get3A_151 : vector<16xf32>
      %max3A_182 = arith.maximumf %max3A_181, %get3A_158 : vector<16xf32>
      %max3A_183 = arith.maximumf %max3A_182, %get3A_165 : vector<16xf32>
      %max3A_184 = arith.maximumf %max3A_183, %get3A_172 : vector<16xf32>
      %max3A_185 = arith.maximumf %max3A_184, %get3A_179 : vector<16xf32>
      %sub3A = arith.subf %get3A_130, %max3A_185 : vector<16xf32>
      %exp3A = math.exp %sub3A : vector<16xf32>
      %sub3A_186 = arith.subf %get3A_137, %max3A_185 : vector<16xf32>
      %exp3A_187 = math.exp %sub3A_186 : vector<16xf32>
      %sub3A_188 = arith.subf %get3A_144, %max3A_185 : vector<16xf32>
      %exp3A_189 = math.exp %sub3A_188 : vector<16xf32>
      %sub3A_190 = arith.subf %get3A_151, %max3A_185 : vector<16xf32>
      %exp3A_191 = math.exp %sub3A_190 : vector<16xf32>
      %sub3A_192 = arith.subf %get3A_158, %max3A_185 : vector<16xf32>
      %exp3A_193 = math.exp %sub3A_192 : vector<16xf32>
      %sub3A_194 = arith.subf %get3A_165, %max3A_185 : vector<16xf32>
      %exp3A_195 = math.exp %sub3A_194 : vector<16xf32>
      %sub3A_196 = arith.subf %get3A_172, %max3A_185 : vector<16xf32>
      %exp3A_197 = math.exp %sub3A_196 : vector<16xf32>
      %sub3A_198 = arith.subf %get3A_179, %max3A_185 : vector<16xf32>
      %exp3A_199 = math.exp %sub3A_198 : vector<16xf32>
      %add3A_200 = arith.addf %exp3A, %exp3A_187 : vector<16xf32>
      %add3A_201 = arith.addf %add3A_200, %exp3A_189 : vector<16xf32>
      %add3A_202 = arith.addf %add3A_201, %exp3A_191 : vector<16xf32>
      %add3A_203 = arith.addf %add3A_202, %exp3A_193 : vector<16xf32>
      %add3A_204 = arith.addf %add3A_203, %exp3A_195 : vector<16xf32>
      %add3A_205 = arith.addf %add3A_204, %exp3A_197 : vector<16xf32>
      %add3A_206 = arith.addf %add3A_205, %exp3A_199 : vector<16xf32>
      %div3A = arith.divf %exp3A, %add3A_206 : vector<16xf32>
      %div3A_207 = arith.divf %exp3A_187, %add3A_206 : vector<16xf32>
      %div3A_208 = arith.divf %exp3A_189, %add3A_206 : vector<16xf32>
      %div3A_209 = arith.divf %exp3A_191, %add3A_206 : vector<16xf32>
      %div3A_210 = arith.divf %exp3A_193, %add3A_206 : vector<16xf32>
      %div3A_211 = arith.divf %exp3A_195, %add3A_206 : vector<16xf32>
      %div3A_212 = arith.divf %exp3A_197, %add3A_206 : vector<16xf32>
      %div3A_213 = arith.divf %exp3A_199, %add3A_206 : vector<16xf32>
      %add3A_214 = arith.addf %scan3A_117, %div3A : vector<16xf32>
      %add3A_215 = arith.addf %scan3A_118, %div3A_207 : vector<16xf32>
      %add3A_216 = arith.addf %scan3A_119, %div3A_208 : vector<16xf32>
      %add3A_217 = arith.addf %scan3A_120, %div3A_209 : vector<16xf32>
      %add3A_218 = arith.addf %scan3A_121, %div3A_210 : vector<16xf32>
      %add3A_219 = arith.addf %scan3A_122, %div3A_211 : vector<16xf32>
      %add3A_220 = arith.addf %scan3A_123, %div3A_212 : vector<16xf32>
      %add3A_221 = arith.addf %scan3A_124, %div3A_213 : vector<16xf32>
      %broadcast_in_dim3A_222 = arith.constant 1.000000e+00 : f32
      %broadcast_in_dim3A_223 = vector.broadcast %broadcast_in_dim3A_222 : f32 to vector<16xf32>
      %broadcast_in_dim3A_224 = arith.constant 0.000000e+00 : f32
      %broadcast_in_dim3A_225 = vector.broadcast %broadcast_in_dim3A_224 : f32 to vector<16xf32>
      %gt3A = arith.cmpf ogt, %get3A_137, %get3A_130 : vector<16xf32>
      %select_n3A = arith.select %gt3A, %broadcast_in_dim3A_223, %broadcast_in_dim3A_225 : vector<16xi1>, vector<16xf32>
      %add3A_226 = arith.addf %broadcast_in_dim3A_225, %select_n3A : vector<16xf32>
      %gt3A_227 = arith.cmpf ogt, %get3A_144, %get3A_130 : vector<16xf32>
      %select_n3A_228 = arith.select %gt3A_227, %broadcast_in_dim3A_223, %broadcast_in_dim3A_225 : vector<16xi1>, vector<16xf32>
      %add3A_229 = arith.addf %add3A_226, %select_n3A_228 : vector<16xf32>
      %gt3A_230 = arith.cmpf ogt, %get3A_151, %get3A_130 : vector<16xf32>
      %select_n3A_231 = arith.select %gt3A_230, %broadcast_in_dim3A_223, %broadcast_in_dim3A_225 : vector<16xi1>, vector<16xf32>
      %add3A_232 = arith.addf %add3A_229, %select_n3A_231 : vector<16xf32>
      %gt3A_233 = arith.cmpf ogt, %get3A_158, %get3A_130 : vector<16xf32>
      %select_n3A_234 = arith.select %gt3A_233, %broadcast_in_dim3A_223, %broadcast_in_dim3A_225 : vector<16xi1>, vector<16xf32>
      %add3A_235 = arith.addf %add3A_232, %select_n3A_234 : vector<16xf32>
      %gt3A_236 = arith.cmpf ogt, %get3A_165, %get3A_130 : vector<16xf32>
      %select_n3A_237 = arith.select %gt3A_236, %broadcast_in_dim3A_223, %broadcast_in_dim3A_225 : vector<16xi1>, vector<16xf32>
      %add3A_238 = arith.addf %add3A_235, %select_n3A_237 : vector<16xf32>
      %gt3A_239 = arith.cmpf ogt, %get3A_172, %get3A_130 : vector<16xf32>
      %select_n3A_240 = arith.select %gt3A_239, %broadcast_in_dim3A_223, %broadcast_in_dim3A_225 : vector<16xi1>, vector<16xf32>
      %add3A_241 = arith.addf %add3A_238, %select_n3A_240 : vector<16xf32>
      %gt3A_242 = arith.cmpf ogt, %get3A_179, %get3A_130 : vector<16xf32>
      %select_n3A_243 = arith.select %gt3A_242, %broadcast_in_dim3A_223, %broadcast_in_dim3A_225 : vector<16xi1>, vector<16xf32>
      %add3A_244 = arith.addf %add3A_241, %select_n3A_243 : vector<16xf32>
      %lt3A = arith.constant 1.500000e+00 : f32
      %lt3A_245 = vector.broadcast %lt3A : f32 to vector<16xf32>
      %lt3A_246 = arith.cmpf olt, %add3A_244, %lt3A_245 : vector<16xf32>
      %gt3A_247 = arith.cmpf ogt, %get3A_130, %get3A_137 : vector<16xf32>
      %select_n3A_248 = arith.select %gt3A_247, %broadcast_in_dim3A_223, %broadcast_in_dim3A_225 : vector<16xi1>, vector<16xf32>
      %add3A_249 = arith.addf %broadcast_in_dim3A_225, %select_n3A_248 : vector<16xf32>
      %eq3A = arith.cmpf oeq, %get3A_130, %get3A_137 : vector<16xf32>
      %select_n3A_250 = arith.select %eq3A, %broadcast_in_dim3A_223, %broadcast_in_dim3A_225 : vector<16xi1>, vector<16xf32>
      %add3A_251 = arith.addf %add3A_249, %select_n3A_250 : vector<16xf32>
      %gt3A_252 = arith.cmpf ogt, %get3A_144, %get3A_137 : vector<16xf32>
      %select_n3A_253 = arith.select %gt3A_252, %broadcast_in_dim3A_223, %broadcast_in_dim3A_225 : vector<16xi1>, vector<16xf32>
      %add3A_254 = arith.addf %add3A_251, %select_n3A_253 : vector<16xf32>
      %gt3A_255 = arith.cmpf ogt, %get3A_151, %get3A_137 : vector<16xf32>
      %select_n3A_256 = arith.select %gt3A_255, %broadcast_in_dim3A_223, %broadcast_in_dim3A_225 : vector<16xi1>, vector<16xf32>
      %add3A_257 = arith.addf %add3A_254, %select_n3A_256 : vector<16xf32>
      %gt3A_258 = arith.cmpf ogt, %get3A_158, %get3A_137 : vector<16xf32>
      %select_n3A_259 = arith.select %gt3A_258, %broadcast_in_dim3A_223, %broadcast_in_dim3A_225 : vector<16xi1>, vector<16xf32>
      %add3A_260 = arith.addf %add3A_257, %select_n3A_259 : vector<16xf32>
      %gt3A_261 = arith.cmpf ogt, %get3A_165, %get3A_137 : vector<16xf32>
      %select_n3A_262 = arith.select %gt3A_261, %broadcast_in_dim3A_223, %broadcast_in_dim3A_225 : vector<16xi1>, vector<16xf32>
      %add3A_263 = arith.addf %add3A_260, %select_n3A_262 : vector<16xf32>
      %gt3A_264 = arith.cmpf ogt, %get3A_172, %get3A_137 : vector<16xf32>
      %select_n3A_265 = arith.select %gt3A_264, %broadcast_in_dim3A_223, %broadcast_in_dim3A_225 : vector<16xi1>, vector<16xf32>
      %add3A_266 = arith.addf %add3A_263, %select_n3A_265 : vector<16xf32>
      %gt3A_267 = arith.cmpf ogt, %get3A_179, %get3A_137 : vector<16xf32>
      %select_n3A_268 = arith.select %gt3A_267, %broadcast_in_dim3A_223, %broadcast_in_dim3A_225 : vector<16xi1>, vector<16xf32>
      %add3A_269 = arith.addf %add3A_266, %select_n3A_268 : vector<16xf32>
      %lt3A_270 = arith.constant 1.500000e+00 : f32
      %lt3A_271 = vector.broadcast %lt3A_270 : f32 to vector<16xf32>
      %lt3A_272 = arith.cmpf olt, %add3A_269, %lt3A_271 : vector<16xf32>
      %gt3A_273 = arith.cmpf ogt, %get3A_130, %get3A_144 : vector<16xf32>
      %select_n3A_274 = arith.select %gt3A_273, %broadcast_in_dim3A_223, %broadcast_in_dim3A_225 : vector<16xi1>, vector<16xf32>
      %add3A_275 = arith.addf %broadcast_in_dim3A_225, %select_n3A_274 : vector<16xf32>
      %eq3A_276 = arith.cmpf oeq, %get3A_130, %get3A_144 : vector<16xf32>
      %select_n3A_277 = arith.select %eq3A_276, %broadcast_in_dim3A_223, %broadcast_in_dim3A_225 : vector<16xi1>, vector<16xf32>
      %add3A_278 = arith.addf %add3A_275, %select_n3A_277 : vector<16xf32>
      %gt3A_279 = arith.cmpf ogt, %get3A_137, %get3A_144 : vector<16xf32>
      %select_n3A_280 = arith.select %gt3A_279, %broadcast_in_dim3A_223, %broadcast_in_dim3A_225 : vector<16xi1>, vector<16xf32>
      %add3A_281 = arith.addf %add3A_278, %select_n3A_280 : vector<16xf32>
      %eq3A_282 = arith.cmpf oeq, %get3A_137, %get3A_144 : vector<16xf32>
      %select_n3A_283 = arith.select %eq3A_282, %broadcast_in_dim3A_223, %broadcast_in_dim3A_225 : vector<16xi1>, vector<16xf32>
      %add3A_284 = arith.addf %add3A_281, %select_n3A_283 : vector<16xf32>
      %gt3A_285 = arith.cmpf ogt, %get3A_151, %get3A_144 : vector<16xf32>
      %select_n3A_286 = arith.select %gt3A_285, %broadcast_in_dim3A_223, %broadcast_in_dim3A_225 : vector<16xi1>, vector<16xf32>
      %add3A_287 = arith.addf %add3A_284, %select_n3A_286 : vector<16xf32>
      %gt3A_288 = arith.cmpf ogt, %get3A_158, %get3A_144 : vector<16xf32>
      %select_n3A_289 = arith.select %gt3A_288, %broadcast_in_dim3A_223, %broadcast_in_dim3A_225 : vector<16xi1>, vector<16xf32>
      %add3A_290 = arith.addf %add3A_287, %select_n3A_289 : vector<16xf32>
      %gt3A_291 = arith.cmpf ogt, %get3A_165, %get3A_144 : vector<16xf32>
      %select_n3A_292 = arith.select %gt3A_291, %broadcast_in_dim3A_223, %broadcast_in_dim3A_225 : vector<16xi1>, vector<16xf32>
      %add3A_293 = arith.addf %add3A_290, %select_n3A_292 : vector<16xf32>
      %gt3A_294 = arith.cmpf ogt, %get3A_172, %get3A_144 : vector<16xf32>
      %select_n3A_295 = arith.select %gt3A_294, %broadcast_in_dim3A_223, %broadcast_in_dim3A_225 : vector<16xi1>, vector<16xf32>
      %add3A_296 = arith.addf %add3A_293, %select_n3A_295 : vector<16xf32>
      %gt3A_297 = arith.cmpf ogt, %get3A_179, %get3A_144 : vector<16xf32>
      %select_n3A_298 = arith.select %gt3A_297, %broadcast_in_dim3A_223, %broadcast_in_dim3A_225 : vector<16xi1>, vector<16xf32>
      %add3A_299 = arith.addf %add3A_296, %select_n3A_298 : vector<16xf32>
      %lt3A_300 = arith.constant 1.500000e+00 : f32
      %lt3A_301 = vector.broadcast %lt3A_300 : f32 to vector<16xf32>
      %lt3A_302 = arith.cmpf olt, %add3A_299, %lt3A_301 : vector<16xf32>
      %gt3A_303 = arith.cmpf ogt, %get3A_130, %get3A_151 : vector<16xf32>
      %select_n3A_304 = arith.select %gt3A_303, %broadcast_in_dim3A_223, %broadcast_in_dim3A_225 : vector<16xi1>, vector<16xf32>
      %add3A_305 = arith.addf %broadcast_in_dim3A_225, %select_n3A_304 : vector<16xf32>
      %eq3A_306 = arith.cmpf oeq, %get3A_130, %get3A_151 : vector<16xf32>
      %select_n3A_307 = arith.select %eq3A_306, %broadcast_in_dim3A_223, %broadcast_in_dim3A_225 : vector<16xi1>, vector<16xf32>
      %add3A_308 = arith.addf %add3A_305, %select_n3A_307 : vector<16xf32>
      %gt3A_309 = arith.cmpf ogt, %get3A_137, %get3A_151 : vector<16xf32>
      %select_n3A_310 = arith.select %gt3A_309, %broadcast_in_dim3A_223, %broadcast_in_dim3A_225 : vector<16xi1>, vector<16xf32>
      %add3A_311 = arith.addf %add3A_308, %select_n3A_310 : vector<16xf32>
      %eq3A_312 = arith.cmpf oeq, %get3A_137, %get3A_151 : vector<16xf32>
      %select_n3A_313 = arith.select %eq3A_312, %broadcast_in_dim3A_223, %broadcast_in_dim3A_225 : vector<16xi1>, vector<16xf32>
      %add3A_314 = arith.addf %add3A_311, %select_n3A_313 : vector<16xf32>
      %gt3A_315 = arith.cmpf ogt, %get3A_144, %get3A_151 : vector<16xf32>
      %select_n3A_316 = arith.select %gt3A_315, %broadcast_in_dim3A_223, %broadcast_in_dim3A_225 : vector<16xi1>, vector<16xf32>
      %add3A_317 = arith.addf %add3A_314, %select_n3A_316 : vector<16xf32>
      %eq3A_318 = arith.cmpf oeq, %get3A_144, %get3A_151 : vector<16xf32>
      %select_n3A_319 = arith.select %eq3A_318, %broadcast_in_dim3A_223, %broadcast_in_dim3A_225 : vector<16xi1>, vector<16xf32>
      %add3A_320 = arith.addf %add3A_317, %select_n3A_319 : vector<16xf32>
      %gt3A_321 = arith.cmpf ogt, %get3A_158, %get3A_151 : vector<16xf32>
      %select_n3A_322 = arith.select %gt3A_321, %broadcast_in_dim3A_223, %broadcast_in_dim3A_225 : vector<16xi1>, vector<16xf32>
      %add3A_323 = arith.addf %add3A_320, %select_n3A_322 : vector<16xf32>
      %gt3A_324 = arith.cmpf ogt, %get3A_165, %get3A_151 : vector<16xf32>
      %select_n3A_325 = arith.select %gt3A_324, %broadcast_in_dim3A_223, %broadcast_in_dim3A_225 : vector<16xi1>, vector<16xf32>
      %add3A_326 = arith.addf %add3A_323, %select_n3A_325 : vector<16xf32>
      %gt3A_327 = arith.cmpf ogt, %get3A_172, %get3A_151 : vector<16xf32>
      %select_n3A_328 = arith.select %gt3A_327, %broadcast_in_dim3A_223, %broadcast_in_dim3A_225 : vector<16xi1>, vector<16xf32>
      %add3A_329 = arith.addf %add3A_326, %select_n3A_328 : vector<16xf32>
      %gt3A_330 = arith.cmpf ogt, %get3A_179, %get3A_151 : vector<16xf32>
      %select_n3A_331 = arith.select %gt3A_330, %broadcast_in_dim3A_223, %broadcast_in_dim3A_225 : vector<16xi1>, vector<16xf32>
      %add3A_332 = arith.addf %add3A_329, %select_n3A_331 : vector<16xf32>
      %lt3A_333 = arith.constant 1.500000e+00 : f32
      %lt3A_334 = vector.broadcast %lt3A_333 : f32 to vector<16xf32>
      %lt3A_335 = arith.cmpf olt, %add3A_332, %lt3A_334 : vector<16xf32>
      %gt3A_336 = arith.cmpf ogt, %get3A_130, %get3A_158 : vector<16xf32>
      %select_n3A_337 = arith.select %gt3A_336, %broadcast_in_dim3A_223, %broadcast_in_dim3A_225 : vector<16xi1>, vector<16xf32>
      %add3A_338 = arith.addf %broadcast_in_dim3A_225, %select_n3A_337 : vector<16xf32>
      %eq3A_339 = arith.cmpf oeq, %get3A_130, %get3A_158 : vector<16xf32>
      %select_n3A_340 = arith.select %eq3A_339, %broadcast_in_dim3A_223, %broadcast_in_dim3A_225 : vector<16xi1>, vector<16xf32>
      %add3A_341 = arith.addf %add3A_338, %select_n3A_340 : vector<16xf32>
      %gt3A_342 = arith.cmpf ogt, %get3A_137, %get3A_158 : vector<16xf32>
      %select_n3A_343 = arith.select %gt3A_342, %broadcast_in_dim3A_223, %broadcast_in_dim3A_225 : vector<16xi1>, vector<16xf32>
      %add3A_344 = arith.addf %add3A_341, %select_n3A_343 : vector<16xf32>
      %eq3A_345 = arith.cmpf oeq, %get3A_137, %get3A_158 : vector<16xf32>
      %select_n3A_346 = arith.select %eq3A_345, %broadcast_in_dim3A_223, %broadcast_in_dim3A_225 : vector<16xi1>, vector<16xf32>
      %add3A_347 = arith.addf %add3A_344, %select_n3A_346 : vector<16xf32>
      %gt3A_348 = arith.cmpf ogt, %get3A_144, %get3A_158 : vector<16xf32>
      %select_n3A_349 = arith.select %gt3A_348, %broadcast_in_dim3A_223, %broadcast_in_dim3A_225 : vector<16xi1>, vector<16xf32>
      %add3A_350 = arith.addf %add3A_347, %select_n3A_349 : vector<16xf32>
      %eq3A_351 = arith.cmpf oeq, %get3A_144, %get3A_158 : vector<16xf32>
      %select_n3A_352 = arith.select %eq3A_351, %broadcast_in_dim3A_223, %broadcast_in_dim3A_225 : vector<16xi1>, vector<16xf32>
      %add3A_353 = arith.addf %add3A_350, %select_n3A_352 : vector<16xf32>
      %gt3A_354 = arith.cmpf ogt, %get3A_151, %get3A_158 : vector<16xf32>
      %select_n3A_355 = arith.select %gt3A_354, %broadcast_in_dim3A_223, %broadcast_in_dim3A_225 : vector<16xi1>, vector<16xf32>
      %add3A_356 = arith.addf %add3A_353, %select_n3A_355 : vector<16xf32>
      %eq3A_357 = arith.cmpf oeq, %get3A_151, %get3A_158 : vector<16xf32>
      %select_n3A_358 = arith.select %eq3A_357, %broadcast_in_dim3A_223, %broadcast_in_dim3A_225 : vector<16xi1>, vector<16xf32>
      %add3A_359 = arith.addf %add3A_356, %select_n3A_358 : vector<16xf32>
      %gt3A_360 = arith.cmpf ogt, %get3A_165, %get3A_158 : vector<16xf32>
      %select_n3A_361 = arith.select %gt3A_360, %broadcast_in_dim3A_223, %broadcast_in_dim3A_225 : vector<16xi1>, vector<16xf32>
      %add3A_362 = arith.addf %add3A_359, %select_n3A_361 : vector<16xf32>
      %gt3A_363 = arith.cmpf ogt, %get3A_172, %get3A_158 : vector<16xf32>
      %select_n3A_364 = arith.select %gt3A_363, %broadcast_in_dim3A_223, %broadcast_in_dim3A_225 : vector<16xi1>, vector<16xf32>
      %add3A_365 = arith.addf %add3A_362, %select_n3A_364 : vector<16xf32>
      %gt3A_366 = arith.cmpf ogt, %get3A_179, %get3A_158 : vector<16xf32>
      %select_n3A_367 = arith.select %gt3A_366, %broadcast_in_dim3A_223, %broadcast_in_dim3A_225 : vector<16xi1>, vector<16xf32>
      %add3A_368 = arith.addf %add3A_365, %select_n3A_367 : vector<16xf32>
      %lt3A_369 = arith.constant 1.500000e+00 : f32
      %lt3A_370 = vector.broadcast %lt3A_369 : f32 to vector<16xf32>
      %lt3A_371 = arith.cmpf olt, %add3A_368, %lt3A_370 : vector<16xf32>
      %gt3A_372 = arith.cmpf ogt, %get3A_130, %get3A_165 : vector<16xf32>
      %select_n3A_373 = arith.select %gt3A_372, %broadcast_in_dim3A_223, %broadcast_in_dim3A_225 : vector<16xi1>, vector<16xf32>
      %add3A_374 = arith.addf %broadcast_in_dim3A_225, %select_n3A_373 : vector<16xf32>
      %eq3A_375 = arith.cmpf oeq, %get3A_130, %get3A_165 : vector<16xf32>
      %select_n3A_376 = arith.select %eq3A_375, %broadcast_in_dim3A_223, %broadcast_in_dim3A_225 : vector<16xi1>, vector<16xf32>
      %add3A_377 = arith.addf %add3A_374, %select_n3A_376 : vector<16xf32>
      %gt3A_378 = arith.cmpf ogt, %get3A_137, %get3A_165 : vector<16xf32>
      %select_n3A_379 = arith.select %gt3A_378, %broadcast_in_dim3A_223, %broadcast_in_dim3A_225 : vector<16xi1>, vector<16xf32>
      %add3A_380 = arith.addf %add3A_377, %select_n3A_379 : vector<16xf32>
      %eq3A_381 = arith.cmpf oeq, %get3A_137, %get3A_165 : vector<16xf32>
      %select_n3A_382 = arith.select %eq3A_381, %broadcast_in_dim3A_223, %broadcast_in_dim3A_225 : vector<16xi1>, vector<16xf32>
      %add3A_383 = arith.addf %add3A_380, %select_n3A_382 : vector<16xf32>
      %gt3A_384 = arith.cmpf ogt, %get3A_144, %get3A_165 : vector<16xf32>
      %select_n3A_385 = arith.select %gt3A_384, %broadcast_in_dim3A_223, %broadcast_in_dim3A_225 : vector<16xi1>, vector<16xf32>
      %add3A_386 = arith.addf %add3A_383, %select_n3A_385 : vector<16xf32>
      %eq3A_387 = arith.cmpf oeq, %get3A_144, %get3A_165 : vector<16xf32>
      %select_n3A_388 = arith.select %eq3A_387, %broadcast_in_dim3A_223, %broadcast_in_dim3A_225 : vector<16xi1>, vector<16xf32>
      %add3A_389 = arith.addf %add3A_386, %select_n3A_388 : vector<16xf32>
      %gt3A_390 = arith.cmpf ogt, %get3A_151, %get3A_165 : vector<16xf32>
      %select_n3A_391 = arith.select %gt3A_390, %broadcast_in_dim3A_223, %broadcast_in_dim3A_225 : vector<16xi1>, vector<16xf32>
      %add3A_392 = arith.addf %add3A_389, %select_n3A_391 : vector<16xf32>
      %eq3A_393 = arith.cmpf oeq, %get3A_151, %get3A_165 : vector<16xf32>
      %select_n3A_394 = arith.select %eq3A_393, %broadcast_in_dim3A_223, %broadcast_in_dim3A_225 : vector<16xi1>, vector<16xf32>
      %add3A_395 = arith.addf %add3A_392, %select_n3A_394 : vector<16xf32>
      %gt3A_396 = arith.cmpf ogt, %get3A_158, %get3A_165 : vector<16xf32>
      %select_n3A_397 = arith.select %gt3A_396, %broadcast_in_dim3A_223, %broadcast_in_dim3A_225 : vector<16xi1>, vector<16xf32>
      %add3A_398 = arith.addf %add3A_395, %select_n3A_397 : vector<16xf32>
      %eq3A_399 = arith.cmpf oeq, %get3A_158, %get3A_165 : vector<16xf32>
      %select_n3A_400 = arith.select %eq3A_399, %broadcast_in_dim3A_223, %broadcast_in_dim3A_225 : vector<16xi1>, vector<16xf32>
      %add3A_401 = arith.addf %add3A_398, %select_n3A_400 : vector<16xf32>
      %gt3A_402 = arith.cmpf ogt, %get3A_172, %get3A_165 : vector<16xf32>
      %select_n3A_403 = arith.select %gt3A_402, %broadcast_in_dim3A_223, %broadcast_in_dim3A_225 : vector<16xi1>, vector<16xf32>
      %add3A_404 = arith.addf %add3A_401, %select_n3A_403 : vector<16xf32>
      %gt3A_405 = arith.cmpf ogt, %get3A_179, %get3A_165 : vector<16xf32>
      %select_n3A_406 = arith.select %gt3A_405, %broadcast_in_dim3A_223, %broadcast_in_dim3A_225 : vector<16xi1>, vector<16xf32>
      %add3A_407 = arith.addf %add3A_404, %select_n3A_406 : vector<16xf32>
      %lt3A_408 = arith.constant 1.500000e+00 : f32
      %lt3A_409 = vector.broadcast %lt3A_408 : f32 to vector<16xf32>
      %lt3A_410 = arith.cmpf olt, %add3A_407, %lt3A_409 : vector<16xf32>
      %gt3A_411 = arith.cmpf ogt, %get3A_130, %get3A_172 : vector<16xf32>
      %select_n3A_412 = arith.select %gt3A_411, %broadcast_in_dim3A_223, %broadcast_in_dim3A_225 : vector<16xi1>, vector<16xf32>
      %add3A_413 = arith.addf %broadcast_in_dim3A_225, %select_n3A_412 : vector<16xf32>
      %eq3A_414 = arith.cmpf oeq, %get3A_130, %get3A_172 : vector<16xf32>
      %select_n3A_415 = arith.select %eq3A_414, %broadcast_in_dim3A_223, %broadcast_in_dim3A_225 : vector<16xi1>, vector<16xf32>
      %add3A_416 = arith.addf %add3A_413, %select_n3A_415 : vector<16xf32>
      %gt3A_417 = arith.cmpf ogt, %get3A_137, %get3A_172 : vector<16xf32>
      %select_n3A_418 = arith.select %gt3A_417, %broadcast_in_dim3A_223, %broadcast_in_dim3A_225 : vector<16xi1>, vector<16xf32>
      %add3A_419 = arith.addf %add3A_416, %select_n3A_418 : vector<16xf32>
      %eq3A_420 = arith.cmpf oeq, %get3A_137, %get3A_172 : vector<16xf32>
      %select_n3A_421 = arith.select %eq3A_420, %broadcast_in_dim3A_223, %broadcast_in_dim3A_225 : vector<16xi1>, vector<16xf32>
      %add3A_422 = arith.addf %add3A_419, %select_n3A_421 : vector<16xf32>
      %gt3A_423 = arith.cmpf ogt, %get3A_144, %get3A_172 : vector<16xf32>
      %select_n3A_424 = arith.select %gt3A_423, %broadcast_in_dim3A_223, %broadcast_in_dim3A_225 : vector<16xi1>, vector<16xf32>
      %add3A_425 = arith.addf %add3A_422, %select_n3A_424 : vector<16xf32>
      %eq3A_426 = arith.cmpf oeq, %get3A_144, %get3A_172 : vector<16xf32>
      %select_n3A_427 = arith.select %eq3A_426, %broadcast_in_dim3A_223, %broadcast_in_dim3A_225 : vector<16xi1>, vector<16xf32>
      %add3A_428 = arith.addf %add3A_425, %select_n3A_427 : vector<16xf32>
      %gt3A_429 = arith.cmpf ogt, %get3A_151, %get3A_172 : vector<16xf32>
      %select_n3A_430 = arith.select %gt3A_429, %broadcast_in_dim3A_223, %broadcast_in_dim3A_225 : vector<16xi1>, vector<16xf32>
      %add3A_431 = arith.addf %add3A_428, %select_n3A_430 : vector<16xf32>
      %eq3A_432 = arith.cmpf oeq, %get3A_151, %get3A_172 : vector<16xf32>
      %select_n3A_433 = arith.select %eq3A_432, %broadcast_in_dim3A_223, %broadcast_in_dim3A_225 : vector<16xi1>, vector<16xf32>
      %add3A_434 = arith.addf %add3A_431, %select_n3A_433 : vector<16xf32>
      %gt3A_435 = arith.cmpf ogt, %get3A_158, %get3A_172 : vector<16xf32>
      %select_n3A_436 = arith.select %gt3A_435, %broadcast_in_dim3A_223, %broadcast_in_dim3A_225 : vector<16xi1>, vector<16xf32>
      %add3A_437 = arith.addf %add3A_434, %select_n3A_436 : vector<16xf32>
      %eq3A_438 = arith.cmpf oeq, %get3A_158, %get3A_172 : vector<16xf32>
      %select_n3A_439 = arith.select %eq3A_438, %broadcast_in_dim3A_223, %broadcast_in_dim3A_225 : vector<16xi1>, vector<16xf32>
      %add3A_440 = arith.addf %add3A_437, %select_n3A_439 : vector<16xf32>
      %gt3A_441 = arith.cmpf ogt, %get3A_165, %get3A_172 : vector<16xf32>
      %select_n3A_442 = arith.select %gt3A_441, %broadcast_in_dim3A_223, %broadcast_in_dim3A_225 : vector<16xi1>, vector<16xf32>
      %add3A_443 = arith.addf %add3A_440, %select_n3A_442 : vector<16xf32>
      %eq3A_444 = arith.cmpf oeq, %get3A_165, %get3A_172 : vector<16xf32>
      %select_n3A_445 = arith.select %eq3A_444, %broadcast_in_dim3A_223, %broadcast_in_dim3A_225 : vector<16xi1>, vector<16xf32>
      %add3A_446 = arith.addf %add3A_443, %select_n3A_445 : vector<16xf32>
      %gt3A_447 = arith.cmpf ogt, %get3A_179, %get3A_172 : vector<16xf32>
      %select_n3A_448 = arith.select %gt3A_447, %broadcast_in_dim3A_223, %broadcast_in_dim3A_225 : vector<16xi1>, vector<16xf32>
      %add3A_449 = arith.addf %add3A_446, %select_n3A_448 : vector<16xf32>
      %lt3A_450 = arith.constant 1.500000e+00 : f32
      %lt3A_451 = vector.broadcast %lt3A_450 : f32 to vector<16xf32>
      %lt3A_452 = arith.cmpf olt, %add3A_449, %lt3A_451 : vector<16xf32>
      %gt3A_453 = arith.cmpf ogt, %get3A_130, %get3A_179 : vector<16xf32>
      %select_n3A_454 = arith.select %gt3A_453, %broadcast_in_dim3A_223, %broadcast_in_dim3A_225 : vector<16xi1>, vector<16xf32>
      %add3A_455 = arith.addf %broadcast_in_dim3A_225, %select_n3A_454 : vector<16xf32>
      %eq3A_456 = arith.cmpf oeq, %get3A_130, %get3A_179 : vector<16xf32>
      %select_n3A_457 = arith.select %eq3A_456, %broadcast_in_dim3A_223, %broadcast_in_dim3A_225 : vector<16xi1>, vector<16xf32>
      %add3A_458 = arith.addf %add3A_455, %select_n3A_457 : vector<16xf32>
      %gt3A_459 = arith.cmpf ogt, %get3A_137, %get3A_179 : vector<16xf32>
      %select_n3A_460 = arith.select %gt3A_459, %broadcast_in_dim3A_223, %broadcast_in_dim3A_225 : vector<16xi1>, vector<16xf32>
      %add3A_461 = arith.addf %add3A_458, %select_n3A_460 : vector<16xf32>
      %eq3A_462 = arith.cmpf oeq, %get3A_137, %get3A_179 : vector<16xf32>
      %select_n3A_463 = arith.select %eq3A_462, %broadcast_in_dim3A_223, %broadcast_in_dim3A_225 : vector<16xi1>, vector<16xf32>
      %add3A_464 = arith.addf %add3A_461, %select_n3A_463 : vector<16xf32>
      %gt3A_465 = arith.cmpf ogt, %get3A_144, %get3A_179 : vector<16xf32>
      %select_n3A_466 = arith.select %gt3A_465, %broadcast_in_dim3A_223, %broadcast_in_dim3A_225 : vector<16xi1>, vector<16xf32>
      %add3A_467 = arith.addf %add3A_464, %select_n3A_466 : vector<16xf32>
      %eq3A_468 = arith.cmpf oeq, %get3A_144, %get3A_179 : vector<16xf32>
      %select_n3A_469 = arith.select %eq3A_468, %broadcast_in_dim3A_223, %broadcast_in_dim3A_225 : vector<16xi1>, vector<16xf32>
      %add3A_470 = arith.addf %add3A_467, %select_n3A_469 : vector<16xf32>
      %gt3A_471 = arith.cmpf ogt, %get3A_151, %get3A_179 : vector<16xf32>
      %select_n3A_472 = arith.select %gt3A_471, %broadcast_in_dim3A_223, %broadcast_in_dim3A_225 : vector<16xi1>, vector<16xf32>
      %add3A_473 = arith.addf %add3A_470, %select_n3A_472 : vector<16xf32>
      %eq3A_474 = arith.cmpf oeq, %get3A_151, %get3A_179 : vector<16xf32>
      %select_n3A_475 = arith.select %eq3A_474, %broadcast_in_dim3A_223, %broadcast_in_dim3A_225 : vector<16xi1>, vector<16xf32>
      %add3A_476 = arith.addf %add3A_473, %select_n3A_475 : vector<16xf32>
      %gt3A_477 = arith.cmpf ogt, %get3A_158, %get3A_179 : vector<16xf32>
      %select_n3A_478 = arith.select %gt3A_477, %broadcast_in_dim3A_223, %broadcast_in_dim3A_225 : vector<16xi1>, vector<16xf32>
      %add3A_479 = arith.addf %add3A_476, %select_n3A_478 : vector<16xf32>
      %eq3A_480 = arith.cmpf oeq, %get3A_158, %get3A_179 : vector<16xf32>
      %select_n3A_481 = arith.select %eq3A_480, %broadcast_in_dim3A_223, %broadcast_in_dim3A_225 : vector<16xi1>, vector<16xf32>
      %add3A_482 = arith.addf %add3A_479, %select_n3A_481 : vector<16xf32>
      %gt3A_483 = arith.cmpf ogt, %get3A_165, %get3A_179 : vector<16xf32>
      %select_n3A_484 = arith.select %gt3A_483, %broadcast_in_dim3A_223, %broadcast_in_dim3A_225 : vector<16xi1>, vector<16xf32>
      %add3A_485 = arith.addf %add3A_482, %select_n3A_484 : vector<16xf32>
      %eq3A_486 = arith.cmpf oeq, %get3A_165, %get3A_179 : vector<16xf32>
      %select_n3A_487 = arith.select %eq3A_486, %broadcast_in_dim3A_223, %broadcast_in_dim3A_225 : vector<16xi1>, vector<16xf32>
      %add3A_488 = arith.addf %add3A_485, %select_n3A_487 : vector<16xf32>
      %gt3A_489 = arith.cmpf ogt, %get3A_172, %get3A_179 : vector<16xf32>
      %select_n3A_490 = arith.select %gt3A_489, %broadcast_in_dim3A_223, %broadcast_in_dim3A_225 : vector<16xi1>, vector<16xf32>
      %add3A_491 = arith.addf %add3A_488, %select_n3A_490 : vector<16xf32>
      %eq3A_492 = arith.cmpf oeq, %get3A_172, %get3A_179 : vector<16xf32>
      %select_n3A_493 = arith.select %eq3A_492, %broadcast_in_dim3A_223, %broadcast_in_dim3A_225 : vector<16xi1>, vector<16xf32>
      %add3A_494 = arith.addf %add3A_491, %select_n3A_493 : vector<16xf32>
      %lt3A_495 = arith.constant 1.500000e+00 : f32
      %lt3A_496 = vector.broadcast %lt3A_495 : f32 to vector<16xf32>
      %lt3A_497 = arith.cmpf olt, %add3A_494, %lt3A_496 : vector<16xf32>
      %select_n3A_498 = arith.select %lt3A_246, %div3A, %broadcast_in_dim3A_225 : vector<16xi1>, vector<16xf32>
      %add3A_499 = arith.addf %broadcast_in_dim3A_225, %select_n3A_498 : vector<16xf32>
      %select_n3A_500 = arith.select %lt3A_272, %div3A_207, %broadcast_in_dim3A_225 : vector<16xi1>, vector<16xf32>
      %add3A_501 = arith.addf %add3A_499, %select_n3A_500 : vector<16xf32>
      %select_n3A_502 = arith.select %lt3A_302, %div3A_208, %broadcast_in_dim3A_225 : vector<16xi1>, vector<16xf32>
      %add3A_503 = arith.addf %add3A_501, %select_n3A_502 : vector<16xf32>
      %select_n3A_504 = arith.select %lt3A_335, %div3A_209, %broadcast_in_dim3A_225 : vector<16xi1>, vector<16xf32>
      %add3A_505 = arith.addf %add3A_503, %select_n3A_504 : vector<16xf32>
      %select_n3A_506 = arith.select %lt3A_371, %div3A_210, %broadcast_in_dim3A_225 : vector<16xi1>, vector<16xf32>
      %add3A_507 = arith.addf %add3A_505, %select_n3A_506 : vector<16xf32>
      %select_n3A_508 = arith.select %lt3A_410, %div3A_211, %broadcast_in_dim3A_225 : vector<16xi1>, vector<16xf32>
      %add3A_509 = arith.addf %add3A_507, %select_n3A_508 : vector<16xf32>
      %select_n3A_510 = arith.select %lt3A_452, %div3A_212, %broadcast_in_dim3A_225 : vector<16xi1>, vector<16xf32>
      %add3A_511 = arith.addf %add3A_509, %select_n3A_510 : vector<16xf32>
      %select_n3A_512 = arith.select %lt3A_497, %div3A_213, %broadcast_in_dim3A_225 : vector<16xi1>, vector<16xf32>
      %add3A_513 = arith.addf %add3A_511, %select_n3A_512 : vector<16xf32>
      %div3A_514 = arith.divf %div3A, %add3A_513 : vector<16xf32>
      %select_n3A_515 = arith.select %lt3A_246, %div3A_514, %broadcast_in_dim3A_225 : vector<16xi1>, vector<16xf32>
      %div3A_516 = arith.divf %div3A_207, %add3A_513 : vector<16xf32>
      %select_n3A_517 = arith.select %lt3A_272, %div3A_516, %broadcast_in_dim3A_225 : vector<16xi1>, vector<16xf32>
      %div3A_518 = arith.divf %div3A_208, %add3A_513 : vector<16xf32>
      %select_n3A_519 = arith.select %lt3A_302, %div3A_518, %broadcast_in_dim3A_225 : vector<16xi1>, vector<16xf32>
      %div3A_520 = arith.divf %div3A_209, %add3A_513 : vector<16xf32>
      %select_n3A_521 = arith.select %lt3A_335, %div3A_520, %broadcast_in_dim3A_225 : vector<16xi1>, vector<16xf32>
      %div3A_522 = arith.divf %div3A_210, %add3A_513 : vector<16xf32>
      %select_n3A_523 = arith.select %lt3A_371, %div3A_522, %broadcast_in_dim3A_225 : vector<16xi1>, vector<16xf32>
      %div3A_524 = arith.divf %div3A_211, %add3A_513 : vector<16xf32>
      %select_n3A_525 = arith.select %lt3A_410, %div3A_524, %broadcast_in_dim3A_225 : vector<16xi1>, vector<16xf32>
      %div3A_526 = arith.divf %div3A_212, %add3A_513 : vector<16xf32>
      %select_n3A_527 = arith.select %lt3A_452, %div3A_526, %broadcast_in_dim3A_225 : vector<16xi1>, vector<16xf32>
      %div3A_528 = arith.divf %div3A_213, %add3A_513 : vector<16xf32>
      %select_n3A_529 = arith.select %lt3A_497, %div3A_528, %broadcast_in_dim3A_225 : vector<16xi1>, vector<16xf32>
      %mul3A_530 = arith.constant 16 : i32
      %mul3A_531 = arith.muli %scan3A_116, %mul3A_530 : i32
      %swap3A_532 = arith.constant 0 : i32
      %swap3A_533 = arith.index_cast %swap3A_532 : i32 to index
      %swap3A_534 = arith.index_cast %mul3A_531 : i32 to index
      %swap3A_535 = tpu.vector_load %arg11[%swap3A_533, %swap3A_534] {strides = array<i32>} : memref<8x128xf32, #tpu.memory_space<vmem>>, vector<1x16xf32>,
      %swap3A_536 = vector.shape_cast %swap3A_535 : vector<1x16xf32> to vector<16xf32>
      %swap3A_537 = vector.shape_cast %select_n3A_515 : vector<16xf32> to vector<1x16xf32>
      tpu.vector_store %arg11[%swap3A_533, %swap3A_534], %swap3A_537 {strides = array<i32>} : memref<8x128xf32, #tpu.memory_space<vmem>>, vector<1x16xf32>,
      %mul3A_538 = arith.constant 16 : i32
      %mul3A_539 = arith.muli %scan3A_116, %mul3A_538 : i32
      %swap3A_540 = arith.constant 1 : i32
      %swap3A_541 = arith.index_cast %swap3A_540 : i32 to index
      %swap3A_542 = arith.index_cast %mul3A_539 : i32 to index
      %swap3A_543 = tpu.vector_load %arg11[%swap3A_541, %swap3A_542] {strides = array<i32>} : memref<8x128xf32, #tpu.memory_space<vmem>>, vector<1x16xf32>,
      %swap3A_544 = vector.shape_cast %swap3A_543 : vector<1x16xf32> to vector<16xf32>
      %swap3A_545 = vector.shape_cast %select_n3A_517 : vector<16xf32> to vector<1x16xf32>
      tpu.vector_store %arg11[%swap3A_541, %swap3A_542], %swap3A_545 {strides = array<i32>} : memref<8x128xf32, #tpu.memory_space<vmem>>, vector<1x16xf32>,
      %mul3A_546 = arith.constant 16 : i32
      %mul3A_547 = arith.muli %scan3A_116, %mul3A_546 : i32
      %swap3A_548 = arith.constant 2 : i32
      %swap3A_549 = arith.index_cast %swap3A_548 : i32 to index
      %swap3A_550 = arith.index_cast %mul3A_547 : i32 to index
      %swap3A_551 = tpu.vector_load %arg11[%swap3A_549, %swap3A_550] {strides = array<i32>} : memref<8x128xf32, #tpu.memory_space<vmem>>, vector<1x16xf32>,
      %swap3A_552 = vector.shape_cast %swap3A_551 : vector<1x16xf32> to vector<16xf32>
      %swap3A_553 = vector.shape_cast %select_n3A_519 : vector<16xf32> to vector<1x16xf32>
      tpu.vector_store %arg11[%swap3A_549, %swap3A_550], %swap3A_553 {strides = array<i32>} : memref<8x128xf32, #tpu.memory_space<vmem>>, vector<1x16xf32>,
      %mul3A_554 = arith.constant 16 : i32
      %mul3A_555 = arith.muli %scan3A_116, %mul3A_554 : i32
      %swap3A_556 = arith.constant 3 : i32
      %swap3A_557 = arith.index_cast %swap3A_556 : i32 to index
      %swap3A_558 = arith.index_cast %mul3A_555 : i32 to index
      %swap3A_559 = tpu.vector_load %arg11[%swap3A_557, %swap3A_558] {strides = array<i32>} : memref<8x128xf32, #tpu.memory_space<vmem>>, vector<1x16xf32>,
      %swap3A_560 = vector.shape_cast %swap3A_559 : vector<1x16xf32> to vector<16xf32>
      %swap3A_561 = vector.shape_cast %select_n3A_521 : vector<16xf32> to vector<1x16xf32>
      tpu.vector_store %arg11[%swap3A_557, %swap3A_558], %swap3A_561 {strides = array<i32>} : memref<8x128xf32, #tpu.memory_space<vmem>>, vector<1x16xf32>,
      %mul3A_562 = arith.constant 16 : i32
      %mul3A_563 = arith.muli %scan3A_116, %mul3A_562 : i32
      %swap3A_564 = arith.constant 4 : i32
      %swap3A_565 = arith.index_cast %swap3A_564 : i32 to index
      %swap3A_566 = arith.index_cast %mul3A_563 : i32 to index
      %swap3A_567 = tpu.vector_load %arg11[%swap3A_565, %swap3A_566] {strides = array<i32>} : memref<8x128xf32, #tpu.memory_space<vmem>>, vector<1x16xf32>,
      %swap3A_568 = vector.shape_cast %swap3A_567 : vector<1x16xf32> to vector<16xf32>
      %swap3A_569 = vector.shape_cast %select_n3A_523 : vector<16xf32> to vector<1x16xf32>
      tpu.vector_store %arg11[%swap3A_565, %swap3A_566], %swap3A_569 {strides = array<i32>} : memref<8x128xf32, #tpu.memory_space<vmem>>, vector<1x16xf32>,
      %mul3A_570 = arith.constant 16 : i32
      %mul3A_571 = arith.muli %scan3A_116, %mul3A_570 : i32
      %swap3A_572 = arith.constant 5 : i32
      %swap3A_573 = arith.index_cast %swap3A_572 : i32 to index
      %swap3A_574 = arith.index_cast %mul3A_571 : i32 to index
      %swap3A_575 = tpu.vector_load %arg11[%swap3A_573, %swap3A_574] {strides = array<i32>} : memref<8x128xf32, #tpu.memory_space<vmem>>, vector<1x16xf32>,
      %swap3A_576 = vector.shape_cast %swap3A_575 : vector<1x16xf32> to vector<16xf32>
      %swap3A_577 = vector.shape_cast %select_n3A_525 : vector<16xf32> to vector<1x16xf32>
      tpu.vector_store %arg11[%swap3A_573, %swap3A_574], %swap3A_577 {strides = array<i32>} : memref<8x128xf32, #tpu.memory_space<vmem>>, vector<1x16xf32>,
      %mul3A_578 = arith.constant 16 : i32
      %mul3A_579 = arith.muli %scan3A_116, %mul3A_578 : i32
      %swap3A_580 = arith.constant 6 : i32
      %swap3A_581 = arith.index_cast %swap3A_580 : i32 to index
      %swap3A_582 = arith.index_cast %mul3A_579 : i32 to index
      %swap3A_583 = tpu.vector_load %arg11[%swap3A_581, %swap3A_582] {strides = array<i32>} : memref<8x128xf32, #tpu.memory_space<vmem>>, vector<1x16xf32>,
      %swap3A_584 = vector.shape_cast %swap3A_583 : vector<1x16xf32> to vector<16xf32>
      %swap3A_585 = vector.shape_cast %select_n3A_527 : vector<16xf32> to vector<1x16xf32>
      tpu.vector_store %arg11[%swap3A_581, %swap3A_582], %swap3A_585 {strides = array<i32>} : memref<8x128xf32, #tpu.memory_space<vmem>>, vector<1x16xf32>,
      %mul3A_586 = arith.constant 16 : i32
      %mul3A_587 = arith.muli %scan3A_116, %mul3A_586 : i32
      %swap3A_588 = arith.constant 7 : i32
      %swap3A_589 = arith.index_cast %swap3A_588 : i32 to index
      %swap3A_590 = arith.index_cast %mul3A_587 : i32 to index
      %swap3A_591 = tpu.vector_load %arg11[%swap3A_589, %swap3A_590] {strides = array<i32>} : memref<8x128xf32, #tpu.memory_space<vmem>>, vector<1x16xf32>,
      %swap3A_592 = vector.shape_cast %swap3A_591 : vector<1x16xf32> to vector<16xf32>
      %swap3A_593 = vector.shape_cast %select_n3A_529 : vector<16xf32> to vector<1x16xf32>
      tpu.vector_store %arg11[%swap3A_589, %swap3A_590], %swap3A_593 {strides = array<i32>} : memref<8x128xf32, #tpu.memory_space<vmem>>, vector<1x16xf32>,
      scf.yield %add3A_214, %add3A_215, %add3A_216, %add3A_217, %add3A_218, %add3A_219, %add3A_220, %add3A_221 : vector<16xf32>, vector<16xf32>, vector<16xf32>, vector<16xf32>, vector<16xf32>, vector<16xf32>, vector<16xf32>, vector<16xf32>
    }
    %scan3A_65 = arith.constant 8 : i32
    %swap3A_66 = arith.constant 0 : i32
    %swap3A_67 = arith.index_cast %swap3A_66 : i32 to index
    %swap3A_68 = arith.constant 0 : index
    %swap3A_69 = tpu.vector_load %arg13[%swap3A_67, %swap3A_68] {strides = array<i32>} : memref<8x16xf32, #tpu.memory_space<vmem>>, vector<1x16xf32>,
    %swap3A_70 = vector.shape_cast %swap3A_69 : vector<1x16xf32> to vector<16xf32>
    %swap3A_71 = vector.shape_cast %scan3A_64#0 : vector<16xf32> to vector<1x16xf32>
    tpu.vector_store %arg13[%swap3A_67, %swap3A_68], %swap3A_71 {strides = array<i32>} : memref<8x16xf32, #tpu.memory_space<vmem>>, vector<1x16xf32>,
    %swap3A_72 = arith.constant 1 : i32
    %swap3A_73 = arith.index_cast %swap3A_72 : i32 to index
    %swap3A_74 = arith.constant 0 : index
    %swap3A_75 = tpu.vector_load %arg13[%swap3A_73, %swap3A_74] {strides = array<i32>} : memref<8x16xf32, #tpu.memory_space<vmem>>, vector<1x16xf32>,
    %swap3A_76 = vector.shape_cast %swap3A_75 : vector<1x16xf32> to vector<16xf32>
    %swap3A_77 = vector.shape_cast %scan3A_64#1 : vector<16xf32> to vector<1x16xf32>
    tpu.vector_store %arg13[%swap3A_73, %swap3A_74], %swap3A_77 {strides = array<i32>} : memref<8x16xf32, #tpu.memory_space<vmem>>, vector<1x16xf32>,
    %swap3A_78 = arith.constant 2 : i32
    %swap3A_79 = arith.index_cast %swap3A_78 : i32 to index
    %swap3A_80 = arith.constant 0 : index
    %swap3A_81 = tpu.vector_load %arg13[%swap3A_79, %swap3A_80] {strides = array<i32>} : memref<8x16xf32, #tpu.memory_space<vmem>>, vector<1x16xf32>,
    %swap3A_82 = vector.shape_cast %swap3A_81 : vector<1x16xf32> to vector<16xf32>
    %swap3A_83 = vector.shape_cast %scan3A_64#2 : vector<16xf32> to vector<1x16xf32>
    tpu.vector_store %arg13[%swap3A_79, %swap3A_80], %swap3A_83 {strides = array<i32>} : memref<8x16xf32, #tpu.memory_space<vmem>>, vector<1x16xf32>,
    %swap3A_84 = arith.constant 3 : i32
    %swap3A_85 = arith.index_cast %swap3A_84 : i32 to index
    %swap3A_86 = arith.constant 0 : index
    %swap3A_87 = tpu.vector_load %arg13[%swap3A_85, %swap3A_86] {strides = array<i32>} : memref<8x16xf32, #tpu.memory_space<vmem>>, vector<1x16xf32>,
    %swap3A_88 = vector.shape_cast %swap3A_87 : vector<1x16xf32> to vector<16xf32>
    %swap3A_89 = vector.shape_cast %scan3A_64#3 : vector<16xf32> to vector<1x16xf32>
    tpu.vector_store %arg13[%swap3A_85, %swap3A_86], %swap3A_89 {strides = array<i32>} : memref<8x16xf32, #tpu.memory_space<vmem>>, vector<1x16xf32>,
    %swap3A_90 = arith.constant 4 : i32
    %swap3A_91 = arith.index_cast %swap3A_90 : i32 to index
    %swap3A_92 = arith.constant 0 : index
    %swap3A_93 = tpu.vector_load %arg13[%swap3A_91, %swap3A_92] {strides = array<i32>} : memref<8x16xf32, #tpu.memory_space<vmem>>, vector<1x16xf32>,
    %swap3A_94 = vector.shape_cast %swap3A_93 : vector<1x16xf32> to vector<16xf32>
    %swap3A_95 = vector.shape_cast %scan3A_64#4 : vector<16xf32> to vector<1x16xf32>
    tpu.vector_store %arg13[%swap3A_91, %swap3A_92], %swap3A_95 {strides = array<i32>} : memref<8x16xf32, #tpu.memory_space<vmem>>, vector<1x16xf32>,
    %swap3A_96 = arith.constant 5 : i32
    %swap3A_97 = arith.index_cast %swap3A_96 : i32 to index
    %swap3A_98 = arith.constant 0 : index
    %swap3A_99 = tpu.vector_load %arg13[%swap3A_97, %swap3A_98] {strides = array<i32>} : memref<8x16xf32, #tpu.memory_space<vmem>>, vector<1x16xf32>,
    %swap3A_100 = vector.shape_cast %swap3A_99 : vector<1x16xf32> to vector<16xf32>
    %swap3A_101 = vector.shape_cast %scan3A_64#5 : vector<16xf32> to vector<1x16xf32>
    tpu.vector_store %arg13[%swap3A_97, %swap3A_98], %swap3A_101 {strides = array<i32>} : memref<8x16xf32, #tpu.memory_space<vmem>>, vector<1x16xf32>,
    %swap3A_102 = arith.constant 6 : i32
    %swap3A_103 = arith.index_cast %swap3A_102 : i32 to index
    %swap3A_104 = arith.constant 0 : index
    %swap3A_105 = tpu.vector_load %arg13[%swap3A_103, %swap3A_104] {strides = array<i32>} : memref<8x16xf32, #tpu.memory_space<vmem>>, vector<1x16xf32>,
    %swap3A_106 = vector.shape_cast %swap3A_105 : vector<1x16xf32> to vector<16xf32>
    %swap3A_107 = vector.shape_cast %scan3A_64#6 : vector<16xf32> to vector<1x16xf32>
    tpu.vector_store %arg13[%swap3A_103, %swap3A_104], %swap3A_107 {strides = array<i32>} : memref<8x16xf32, #tpu.memory_space<vmem>>, vector<1x16xf32>,
    %swap3A_108 = arith.constant 7 : i32
    %swap3A_109 = arith.index_cast %swap3A_108 : i32 to index
    %swap3A_110 = arith.constant 0 : index
    %swap3A_111 = tpu.vector_load %arg13[%swap3A_109, %swap3A_110] {strides = array<i32>} : memref<8x16xf32, #tpu.memory_space<vmem>>, vector<1x16xf32>,
    %swap3A_112 = vector.shape_cast %swap3A_111 : vector<1x16xf32> to vector<16xf32>
    %swap3A_113 = vector.shape_cast %scan3A_64#7 : vector<16xf32> to vector<1x16xf32>
    tpu.vector_store %arg13[%swap3A_109, %swap3A_110], %swap3A_113 {strides = array<i32>} : memref<8x16xf32, #tpu.memory_space<vmem>>, vector<1x16xf32>,
    "tpu.region"() ({
      %run_scoped3A = tpu.sem_alloc : memref<!tpu.dma_semaphore, #tpu.memory_space<semaphore_mem>>
      %dma_start3A = arith.constant 0 : i32
      %dma_start3A_116 = tpu.memref_slice %arg5[%dma_start3A, %mul3A_2] : memref<8x4096xf32, #tpu.memory_space<hbm>> -> memref<8x128xf32, #tpu.memory_space<hbm>>
      %dma_start3A_117 = arith.constant 0 : i32
      %dma_start3A_118 = tpu.memref_slice %arg5[%dma_start3A_117, %mul3A_2] : memref<8x4096xf32, #tpu.memory_space<hbm>> -> memref<8x128xf32, #tpu.memory_space<hbm>>
      tpu.enqueue_dma source(%arg11 : memref<8x128xf32, #tpu.memory_space<vmem>>) target(%dma_start3A_118 : memref<8x128xf32, #tpu.memory_space<hbm>>) target_semaphore(%run_scoped3A : memref<!tpu.dma_semaphore, #tpu.memory_space<semaphore_mem>>)
      %dma_wait3A = arith.constant 0 : i32
      %dma_wait3A_119 = tpu.memref_slice %arg5[%dma_wait3A, %mul3A_2] : memref<8x4096xf32, #tpu.memory_space<hbm>> -> memref<8x128xf32, #tpu.memory_space<hbm>>
      %dma_wait3A_120 = arith.constant 0 : i32
      %dma_wait3A_121 = tpu.memref_slice %arg5[%dma_wait3A_120, %mul3A_2] : memref<8x4096xf32, #tpu.memory_space<hbm>> -> memref<8x128xf32, #tpu.memory_space<hbm>>
      tpu.wait_dma2 semaphore(%run_scoped3A : memref<!tpu.dma_semaphore, #tpu.memory_space<semaphore_mem>>) src(%arg11 : memref<8x128xf32, #tpu.memory_space<vmem>>) dst(%dma_wait3A_121 : memref<8x128xf32, #tpu.memory_space<hbm>>)
      tpu.yield
    }) : () -> ()
    %mul3A_114 = arith.constant 8 : i32
    %mul3A_115 = arith.muli %add3A, %mul3A_114 : i32
    "tpu.region"() ({
      %run_scoped3A = tpu.sem_alloc : memref<!tpu.dma_semaphore, #tpu.memory_space<semaphore_mem>>
      %dma_start3A = arith.constant 0 : i32
      %dma_start3A_116 = tpu.memref_slice %arg7[%mul3A_115, %dma_start3A] : memref<256x16xf32, #tpu.memory_space<hbm>> -> memref<8x16xf32, #tpu.memory_space<hbm>>
      %dma_start3A_117 = arith.constant 0 : i32
      %dma_start3A_118 = tpu.memref_slice %arg7[%mul3A_115, %dma_start3A_117] : memref<256x16xf32, #tpu.memory_space<hbm>> -> memref<8x16xf32, #tpu.memory_space<hbm>>
      tpu.enqueue_dma source(%arg13 : memref<8x16xf32, #tpu.memory_space<vmem>>) target(%dma_start3A_118 : memref<8x16xf32, #tpu.memory_space<hbm>>) target_semaphore(%run_scoped3A : memref<!tpu.dma_semaphore, #tpu.memory_space<semaphore_mem>>)
      %dma_wait3A = arith.constant 0 : i32
      %dma_wait3A_119 = tpu.memref_slice %arg7[%mul3A_115, %dma_wait3A] : memref<256x16xf32, #tpu.memory_space<hbm>> -> memref<8x16xf32, #tpu.memory_space<hbm>>
      %dma_wait3A_120 = arith.constant 0 : i32
      %dma_wait3A_121 = tpu.memref_slice %arg7[%mul3A_115, %dma_wait3A_120] : memref<256x16xf32, #tpu.memory_space<hbm>> -> memref<8x16xf32, #tpu.memory_space<hbm>>
      tpu.wait_dma2 semaphore(%run_scoped3A : memref<!tpu.dma_semaphore, #tpu.memory_space<semaphore_mem>>) src(%arg13 : memref<8x16xf32, #tpu.memory_space<vmem>>) dst(%dma_wait3A_121 : memref<8x16xf32, #tpu.memory_space<hbm>>)
      tpu.yield
    }) : () -> ()
    return
  }
}

module attributes {stable_mosaic.version = 14 : i64} {
  func.func @_tc_a_body(%arg0: i32, %arg1: memref<1024x2048xf32, #tpu.memory_space<vmem>>, %arg2: memref<64x2048xf32, #tpu.memory_space<vmem>>, %arg3: memref<1024x64xf32, #tpu.memory_space<vmem>>) attributes {dimension_semantics = [#tpu.dimension_semantics<arbitrary>], iteration_bounds = array<i64: 4>, scalar_prefetch = 0 : i64, scratch_operands = 0 : i64, tpu.core_type = #tpu.core_type<tc>, window_params = [{transform_indices = @transform_0, window_bounds = array<i64: 1024, 2048>}, {pipeline_mode = #tpu.pipeline_mode<synchronous>, transform_indices = @transform_1, window_bounds = array<i64: 64, 2048>}, {transform_indices = @transform_2, window_bounds = array<i64: 1024, 64>}]} {
    %get3A = arith.constant 0 : index
    %get3A_0 = arith.constant 0 : index
    %get3A_1 = vector.load %arg1[%get3A, %get3A_0] : memref<1024x2048xf32, #tpu.memory_space<vmem>>, vector<1024x2048xf32>
    %get3A_2 = arith.constant 0 : index
    %get3A_3 = arith.constant 0 : index
    %get3A_4 = vector.load %arg2[%get3A_2, %get3A_3] : memref<64x2048xf32, #tpu.memory_space<vmem>>, vector<64x2048xf32>
    %dot_general3A = arith.constant dense<0.000000e+00> : vector<1024x64xf32>
    %dot_general3A_5 = tpu.matmul %get3A_1, %get3A_4, %dot_general3A {dimension_numbers = #tpu.dot_dimension_numbers<[1], [1], [0], [0], [0, 0, 1, 0], [], []>, transpose_lhs_hint = false} : vector<1024x2048xf32>, vector<64x2048xf32>, vector<1024x64xf32> -> vector<1024x64xf32>
    %swap3A = arith.constant 0 : index
    %swap3A_6 = arith.constant 0 : index
    %swap3A_7 = vector.load %arg3[%swap3A, %swap3A_6] : memref<1024x64xf32, #tpu.memory_space<vmem>>, vector<1024x64xf32>
    tpu.vector_store %arg3[%swap3A, %swap3A_6], %dot_general3A_5 {strides = array<i32>} : memref<1024x64xf32, #tpu.memory_space<vmem>>, vector<1024x64xf32>,
    return
  }
  func.func @transform_0(%arg0: i32) -> (i32, i32) {
    %c0_i32 = arith.constant 0 : i32
    %c0_i32_0 = arith.constant 0 : i32
    return %arg0, %c0_i32 : i32, i32
  }
  func.func @transform_1(%arg0: i32) -> (i32, i32) {
    %c0_i32 = arith.constant 0 : i32
    %c0_i32_0 = arith.constant 0 : i32
    %c0_i32_1 = arith.constant 0 : i32
    return %c0_i32, %c0_i32_0 : i32, i32
  }
  func.func @transform_2(%arg0: i32) -> (i32, i32) {
    %c0_i32 = arith.constant 0 : i32
    %c0_i32_0 = arith.constant 0 : i32
    return %arg0, %c0_i32 : i32, i32
  }
}

module attributes {stable_mosaic.version = 14 : i64} {
  func.func @_tc_body(%arg0: i32, %arg1: memref<1024x64xf32, #tpu.memory_space<vmem>>, %arg2: memref<8x1024xf32, #tpu.memory_space<vmem>>, %arg3: memref<8x1024xf32, #tpu.memory_space<vmem>>, %arg4: memref<64x2048xf32, #tpu.memory_space<vmem>>, %arg5: memref<256x16xf32, #tpu.memory_space<vmem>>, %arg6: memref<256x16xf32, #tpu.memory_space<vmem>>, %arg7: memref<1024x2048xf32, #tpu.memory_space<vmem>>, %arg8: memref<1x1xf32, #tpu.memory_space<vmem>>, %arg9: memref<1x1xf32, #tpu.memory_space<vmem>>) attributes {dimension_semantics = [#tpu.dimension_semantics<arbitrary>], iteration_bounds = array<i64: 4>, scalar_prefetch = 0 : i64, scratch_operands = 0 : i64, tpu.core_type = #tpu.core_type<tc>, window_params = [{transform_indices = @transform_0, window_bounds = array<i64: 1024, 64>}, {transform_indices = @transform_1, window_bounds = array<i64: 8, 1024>}, {transform_indices = @transform_2, window_bounds = array<i64: 8, 1024>}, {pipeline_mode = #tpu.pipeline_mode<synchronous>, transform_indices = @transform_3, window_bounds = array<i64: 64, 2048>}, {pipeline_mode = #tpu.pipeline_mode<synchronous>, transform_indices = @transform_4, window_bounds = array<i64: 256, 16>}, {pipeline_mode = #tpu.pipeline_mode<synchronous>, transform_indices = @transform_5, window_bounds = array<i64: 256, 16>}, {transform_indices = @transform_6, window_bounds = array<i64: 1024, 2048>}, {pipeline_mode = #tpu.pipeline_mode<synchronous>, transform_indices = @transform_7, window_bounds = array<i64: 1, 1>}, {pipeline_mode = #tpu.pipeline_mode<synchronous>, transform_indices = @transform_8, window_bounds = array<i64: 1, 1>}]} {
    %iota3A = tpu.iota {dimensions = array<i32: 0>} : vector<8x64xi32>
    %iota3A_0 = tpu.iota {dimensions = array<i32: 1>} : vector<8x64xi32>
    %jit3A = arith.constant 8 : i32
    %div3A = vector.broadcast %jit3A : i32 to vector<8x64xi32>
    %div3A_1 = arith.divsi %iota3A_0, %div3A : vector<8x64xi32>
    %sign3A = arith.constant 0 : i32
    %sign3A_2 = vector.broadcast %sign3A : i32 to vector<8x64xi32>
    %sign3A_3 = arith.cmpi sgt, %iota3A_0, %sign3A_2 : vector<8x64xi32>
    %sign3A_4 = arith.extui %sign3A_3 : vector<8x64xi1> to vector<8x64xi32>
    %sign3A_5 = arith.constant 0 : i32
    %sign3A_6 = vector.broadcast %sign3A_5 : i32 to vector<8x64xi32>
    %sign3A_7 = arith.cmpi slt, %iota3A_0, %sign3A_6 : vector<8x64xi32>
    %sign3A_8 = arith.extui %sign3A_7 : vector<8x64xi1> to vector<8x64xi32>
    %sign3A_9 = arith.subi %sign3A_4, %sign3A_8 : vector<8x64xi32>
    %sign3A_10 = arith.constant 0 : i32
    %sign3A_11 = arith.cmpi sgt, %jit3A, %sign3A_10 : i32
    %sign3A_12 = arith.extui %sign3A_11 : i1 to i32
    %sign3A_13 = arith.constant 0 : i32
    %sign3A_14 = arith.cmpi slt, %jit3A, %sign3A_13 : i32
    %sign3A_15 = arith.extui %sign3A_14 : i1 to i32
    %sign3A_16 = arith.subi %sign3A_12, %sign3A_15 : i32
    %ne3A = vector.broadcast %sign3A_16 : i32 to vector<8x64xi32>
    %ne3A_17 = arith.cmpi ne, %sign3A_9, %ne3A : vector<8x64xi32>
    %rem3A = vector.broadcast %jit3A : i32 to vector<8x64xi32>
    %rem3A_18 = arith.remsi %iota3A_0, %rem3A : vector<8x64xi32>
    %ne3A_19 = arith.constant 0 : i32
    %ne3A_20 = vector.broadcast %ne3A_19 : i32 to vector<8x64xi32>
    %ne3A_21 = arith.cmpi ne, %rem3A_18, %ne3A_20 : vector<8x64xi32>
    %and3A = arith.andi %ne3A_17, %ne3A_21 : vector<8x64xi1>
    %sub3A = arith.constant 1 : i32
    %sub3A_22 = vector.broadcast %sub3A : i32 to vector<8x64xi32>
    %sub3A_23 = arith.subi %div3A_1, %sub3A_22 : vector<8x64xi32>
    %select_n3A = arith.select %and3A, %sub3A_23, %div3A_1 : vector<8x64xi1>, vector<8x64xi32>
    %eq3A = arith.cmpi eq, %select_n3A, %iota3A : vector<8x64xi32>
    %jit3A_24 = arith.constant 1.000000e+00 : f32
    %jit3A_25 = arith.constant 0.000000e+00 : f32
    %broadcast_in_dim3A = vector.broadcast %jit3A_24 : f32 to vector<8x64xf32>
    %broadcast_in_dim3A_26 = vector.broadcast %jit3A_25 : f32 to vector<8x64xf32>
    %select_n3A_27 = arith.select %eq3A, %broadcast_in_dim3A, %broadcast_in_dim3A_26 : vector<8x64xi1>, vector<8x64xf32>
    %iota3A_28 = tpu.iota {dimensions = array<i32: 0>} : vector<64x64xi32>
    %iota3A_29 = tpu.iota {dimensions = array<i32: 1>} : vector<64x64xi32>
    %jit3A_30 = arith.constant 8 : i32
    %eq3A_31 = arith.constant 0 : i32
    %eq3A_32 = arith.cmpi eq, %jit3A_30, %eq3A_31 : i32
    %jit3A_33 = arith.constant 1 : i32
    %select_n3A_34 = arith.select %eq3A_32, %jit3A_33, %jit3A_30 : i32
    %rem3A_35 = vector.broadcast %select_n3A_34 : i32 to vector<64x64xi32>
    %rem3A_36 = arith.remsi %iota3A_28, %rem3A_35 : vector<64x64xi32>
    %ne3A_37 = arith.constant 0 : i32
    %ne3A_38 = vector.broadcast %ne3A_37 : i32 to vector<64x64xi32>
    %ne3A_39 = arith.cmpi ne, %rem3A_36, %ne3A_38 : vector<64x64xi32>
    %lt3A = arith.constant 0 : i32
    %lt3A_40 = vector.broadcast %lt3A : i32 to vector<64x64xi32>
    %lt3A_41 = arith.cmpi slt, %rem3A_36, %lt3A_40 : vector<64x64xi32>
    %lt3A_42 = arith.constant 0 : i32
    %lt3A_43 = arith.cmpi slt, %select_n3A_34, %lt3A_42 : i32
    %ne3A_44 = vector.broadcast %lt3A_43 : i1 to vector<64x64xi1>
    %ne3A_45 = vector.broadcast %ne3A_44 : vector<64x64xi1> to vector<64x64xi1>
    %ne3A_46 = arith.xori %lt3A_41, %ne3A_45 : vector<64x64xi1>
    %and3A_47 = arith.andi %ne3A_46, %ne3A_39 : vector<64x64xi1>
    %add3A = vector.broadcast %select_n3A_34 : i32 to vector<64x64xi32>
    %add3A_48 = arith.addi %rem3A_36, %add3A : vector<64x64xi32>
    %select_n3A_49 = arith.select %and3A_47, %add3A_48, %rem3A_36 : vector<64x64xi1>, vector<64x64xi32>
    %jit3A_50 = arith.constant 8 : i32
    %eq3A_51 = arith.constant 0 : i32
    %eq3A_52 = arith.cmpi eq, %jit3A_50, %eq3A_51 : i32
    %jit3A_53 = arith.constant 1 : i32
    %select_n3A_54 = arith.select %eq3A_52, %jit3A_53, %jit3A_50 : i32
    %rem3A_55 = vector.broadcast %select_n3A_54 : i32 to vector<64x64xi32>
    %rem3A_56 = arith.remsi %iota3A_29, %rem3A_55 : vector<64x64xi32>
    %ne3A_57 = arith.constant 0 : i32
    %ne3A_58 = vector.broadcast %ne3A_57 : i32 to vector<64x64xi32>
    %ne3A_59 = arith.cmpi ne, %rem3A_56, %ne3A_58 : vector<64x64xi32>
    %lt3A_60 = arith.constant 0 : i32
    %lt3A_61 = vector.broadcast %lt3A_60 : i32 to vector<64x64xi32>
    %lt3A_62 = arith.cmpi slt, %rem3A_56, %lt3A_61 : vector<64x64xi32>
    %lt3A_63 = arith.constant 0 : i32
    %lt3A_64 = arith.cmpi slt, %select_n3A_54, %lt3A_63 : i32
    %ne3A_65 = vector.broadcast %lt3A_64 : i1 to vector<64x64xi1>
    %ne3A_66 = vector.broadcast %ne3A_65 : vector<64x64xi1> to vector<64x64xi1>
    %ne3A_67 = arith.xori %lt3A_62, %ne3A_66 : vector<64x64xi1>
    %and3A_68 = arith.andi %ne3A_67, %ne3A_59 : vector<64x64xi1>
    %add3A_69 = vector.broadcast %select_n3A_54 : i32 to vector<64x64xi32>
    %add3A_70 = arith.addi %rem3A_56, %add3A_69 : vector<64x64xi32>
    %select_n3A_71 = arith.select %and3A_68, %add3A_70, %rem3A_56 : vector<64x64xi1>, vector<64x64xi32>
    %eq3A_72 = arith.cmpi eq, %select_n3A_49, %select_n3A_71 : vector<64x64xi32>
    %jit3A_73 = arith.constant 1.000000e+00 : f32
    %jit3A_74 = arith.constant 0.000000e+00 : f32
    %broadcast_in_dim3A_75 = vector.broadcast %jit3A_73 : f32 to vector<64x64xf32>
    %broadcast_in_dim3A_76 = vector.broadcast %jit3A_74 : f32 to vector<64x64xf32>
    %select_n3A_77 = arith.select %eq3A_72, %broadcast_in_dim3A_75, %broadcast_in_dim3A_76 : vector<64x64xi1>, vector<64x64xf32>
    %get3A = arith.constant 0 : index
    %get3A_78 = arith.constant 0 : index
    %get3A_79 = vector.load %arg2[%get3A, %get3A_78] : memref<8x1024xf32, #tpu.memory_space<vmem>>, vector<8x1024xf32>
    %dot_general3A = arith.constant dense<0.000000e+00> : vector<1024x64xf32>
    %dot_general3A_80 = tpu.matmul %get3A_79, %select_n3A_27, %dot_general3A {dimension_numbers = #tpu.dot_dimension_numbers<[0], [0], [1], [1], [0, 1, 1, 1], [], []>, precision = #tpu.contract_precision<fp32>, transpose_lhs_hint = false} : vector<8x1024xf32>, vector<8x64xf32>, vector<1024x64xf32> -> vector<1024x64xf32>
    %get3A_81 = arith.constant 0 : index
    %get3A_82 = arith.constant 0 : index
    %get3A_83 = vector.load %arg1[%get3A_81, %get3A_82] : memref<1024x64xf32, #tpu.memory_space<vmem>>, vector<1024x64xf32>
    %mul3A = arith.mulf %get3A_83, %dot_general3A_80 : vector<1024x64xf32>
    %dot_general3A_84 = arith.constant dense<0.000000e+00> : vector<1024x64xf32>
    %dot_general3A_85 = tpu.matmul %mul3A, %select_n3A_77, %dot_general3A_84 {dimension_numbers = #tpu.dot_dimension_numbers<[1], [0], [0], [1], [0, 0, 1, 1], [], []>, precision = #tpu.contract_precision<fp32>, transpose_lhs_hint = false} : vector<1024x64xf32>, vector<64x64xf32>, vector<1024x64xf32> -> vector<1024x64xf32>
    %get3A_86 = arith.constant 0 : index
    %get3A_87 = arith.constant 0 : index
    %get3A_88 = vector.load %arg3[%get3A_86, %get3A_87] : memref<8x1024xf32, #tpu.memory_space<vmem>>, vector<8x1024xf32>
    %dot_general3A_89 = arith.constant dense<0.000000e+00> : vector<1024x64xf32>
    %dot_general3A_90 = tpu.matmul %get3A_88, %select_n3A_27, %dot_general3A_89 {dimension_numbers = #tpu.dot_dimension_numbers<[0], [0], [1], [1], [0, 1, 1, 1], [], []>, precision = #tpu.contract_precision<fp32>, transpose_lhs_hint = false} : vector<8x1024xf32>, vector<8x64xf32>, vector<1024x64xf32> -> vector<1024x64xf32>
    %mul3A_91 = arith.mulf %dot_general3A_85, %dot_general3A_90 : vector<1024x64xf32>
    %get3A_92 = arith.constant 0 : index
    %get3A_93 = arith.constant 0 : index
    %get3A_94 = vector.load %arg4[%get3A_92, %get3A_93] : memref<64x2048xf32, #tpu.memory_space<vmem>>, vector<64x2048xf32>
    %dot_general3A_95 = arith.constant dense<0.000000e+00> : vector<1024x2048xf32>
    %dot_general3A_96 = tpu.matmul %mul3A_91, %get3A_94, %dot_general3A_95 {dimension_numbers = #tpu.dot_dimension_numbers<[1], [0], [0], [1], [0, 0, 1, 1], [], []>, transpose_lhs_hint = false} : vector<1024x64xf32>, vector<64x2048xf32>, vector<1024x2048xf32> -> vector<1024x2048xf32>
    %mul3A_97 = arith.constant 2.000000e+00 : f32
    %mul3A_98 = vector.broadcast %mul3A_97 : f32 to vector<1024x2048xf32>
    %mul3A_99 = arith.mulf %dot_general3A_96, %mul3A_98 : vector<1024x2048xf32>
    %swap3A = arith.constant 0 : index
    %swap3A_100 = arith.constant 0 : index
    %swap3A_101 = vector.load %arg7[%swap3A, %swap3A_100] : memref<1024x2048xf32, #tpu.memory_space<vmem>>, vector<1024x2048xf32>
    tpu.vector_store %arg7[%swap3A, %swap3A_100], %mul3A_99 {strides = array<i32>} : memref<1024x2048xf32, #tpu.memory_space<vmem>>, vector<1024x2048xf32>,
    %eq3A_102 = arith.constant 3 : i32
    %eq3A_103 = arith.cmpi eq, %arg0, %eq3A_102 : i32
    %convert_element_type3A = arith.extui %eq3A_103 : i1 to i32
    %cond3A = arith.constant 0 : i32
    %cond3A_104 = arith.cmpi ne, %convert_element_type3A, %cond3A : i32
    scf.if %cond3A_104 {
      %get3A_105 = arith.constant 0 : index
      %get3A_106 = arith.constant 0 : index
      %get3A_107 = vector.load %arg5[%get3A_105, %get3A_106] : memref<256x16xf32, #tpu.memory_space<vmem>>, vector<256x16xf32>
      %reshape3A = vector.shape_cast %get3A_107 : vector<256x16xf32> to vector<32x8x16xf32>
      %reduce_sum3A = arith.constant dense<0.000000e+00> : vector<32x8xf32>
      %reduce_sum3A_108 = vector.multi_reduction <add>, %reshape3A, %reduce_sum3A [2] : vector<32x8x16xf32> to vector<32x8xf32>
      %reduce_sum3A_109 = arith.constant dense<0.000000e+00> : vector<8xf32>
      %reduce_sum3A_110 = vector.multi_reduction <add>, %reduce_sum3A_108, %reduce_sum3A_109 [0] : vector<32x8xf32> to vector<8xf32>
      %broadcast_in_dim3A_111 = vector.shape_cast %reduce_sum3A_110 : vector<8xf32> to vector<1x8xf32>
      %div3A_112 = arith.constant 4.096000e+03 : f32
      %div3A_113 = vector.broadcast %div3A_112 : f32 to vector<1x8xf32>
      %div3A_114 = arith.divf %broadcast_in_dim3A_111, %div3A_113 : vector<1x8xf32>
      %reduce_sum3A_115 = vector.shape_cast %div3A_114 : vector<1x8xf32> to vector<1x1x8xf32>
      %reduce_sum3A_116 = arith.constant dense<0.000000e+00> : vector<1xf32>
      %reduce_sum3A_117 = vector.multi_reduction <add>, %reduce_sum3A_115, %reduce_sum3A_116 [1, 2] : vector<1x1x8xf32> to vector<1xf32>
      %reduce_sum3A_118 = vector.shape_cast %reduce_sum3A_117 : vector<1xf32> to vector<1x1x1xf32>
      %reduce_sum3A_119 = vector.extract %reduce_sum3A_118[0, 0, 0] : f32 from vector<1x1x1xf32>
      %div3A_120 = arith.constant 8.000000e+00 : f32
      %div3A_121 = arith.divf %reduce_sum3A_119, %div3A_120 : f32
      %sub3A_122 = vector.broadcast %div3A_121 : f32 to vector<1x8xf32>
      %sub3A_123 = arith.subf %div3A_114, %sub3A_122 : vector<1x8xf32>
      %mul3A_124 = arith.mulf %sub3A_123, %sub3A_123 : vector<1x8xf32>
      %reduce_sum3A_125 = vector.shape_cast %mul3A_124 : vector<1x8xf32> to vector<1x1x8xf32>
      %reduce_sum3A_126 = arith.constant dense<0.000000e+00> : vector<1xf32>
      %reduce_sum3A_127 = vector.multi_reduction <add>, %reduce_sum3A_125, %reduce_sum3A_126 [1, 2] : vector<1x1x8xf32> to vector<1xf32>
      %reduce_sum3A_128 = vector.shape_cast %reduce_sum3A_127 : vector<1xf32> to vector<1x1x1xf32>
      %reduce_sum3A_129 = vector.extract %reduce_sum3A_128[0, 0, 0] : f32 from vector<1x1x1xf32>
      %mul3A_130 = arith.constant 8.000000e+00 : f32
      %mul3A_131 = arith.mulf %mul3A_130, %reduce_sum3A_129 : f32
      %div3A_132 = arith.constant 7.000000e+00 : f32
      %div3A_133 = arith.divf %mul3A_131, %div3A_132 : f32
      %broadcast_in_dim3A_134 = vector.broadcast %div3A_133 : f32 to vector<1x1xf32>
      %swap3A_135 = arith.constant 0 : index
      %swap3A_136 = arith.constant 0 : index
      %swap3A_137 = vector.load %arg8[%swap3A_135, %swap3A_136] : memref<1x1xf32, #tpu.memory_space<vmem>>, vector<1x1xf32>
      tpu.vector_store %arg8[%swap3A_135, %swap3A_136], %broadcast_in_dim3A_134 {strides = array<i32>} : memref<1x1xf32, #tpu.memory_space<vmem>>, vector<1x1xf32>,
      %get3A_138 = arith.constant 0 : index
      %get3A_139 = arith.constant 0 : index
      %get3A_140 = vector.load %arg6[%get3A_138, %get3A_139] : memref<256x16xf32, #tpu.memory_space<vmem>>, vector<256x16xf32>
      %reshape3A_141 = vector.shape_cast %get3A_140 : vector<256x16xf32> to vector<32x8x16xf32>
      %reduce_sum3A_142 = arith.constant dense<0.000000e+00> : vector<32x8xf32>
      %reduce_sum3A_143 = vector.multi_reduction <add>, %reshape3A_141, %reduce_sum3A_142 [2] : vector<32x8x16xf32> to vector<32x8xf32>
      %reduce_sum3A_144 = arith.constant dense<0.000000e+00> : vector<8xf32>
      %reduce_sum3A_145 = vector.multi_reduction <add>, %reduce_sum3A_143, %reduce_sum3A_144 [0] : vector<32x8xf32> to vector<8xf32>
      %broadcast_in_dim3A_146 = vector.shape_cast %reduce_sum3A_145 : vector<8xf32> to vector<1x8xf32>
      %div3A_147 = arith.constant 4.096000e+03 : f32
      %div3A_148 = vector.broadcast %div3A_147 : f32 to vector<1x8xf32>
      %div3A_149 = arith.divf %broadcast_in_dim3A_146, %div3A_148 : vector<1x8xf32>
      %reduce_sum3A_150 = vector.shape_cast %div3A_149 : vector<1x8xf32> to vector<1x1x8xf32>
      %reduce_sum3A_151 = arith.constant dense<0.000000e+00> : vector<1xf32>
      %reduce_sum3A_152 = vector.multi_reduction <add>, %reduce_sum3A_150, %reduce_sum3A_151 [1, 2] : vector<1x1x8xf32> to vector<1xf32>
      %reduce_sum3A_153 = vector.shape_cast %reduce_sum3A_152 : vector<1xf32> to vector<1x1x1xf32>
      %reduce_sum3A_154 = vector.extract %reduce_sum3A_153[0, 0, 0] : f32 from vector<1x1x1xf32>
      %div3A_155 = arith.constant 8.000000e+00 : f32
      %div3A_156 = arith.divf %reduce_sum3A_154, %div3A_155 : f32
      %sub3A_157 = vector.broadcast %div3A_156 : f32 to vector<1x8xf32>
      %sub3A_158 = arith.subf %div3A_149, %sub3A_157 : vector<1x8xf32>
      %mul3A_159 = arith.mulf %sub3A_158, %sub3A_158 : vector<1x8xf32>
      %reduce_sum3A_160 = vector.shape_cast %mul3A_159 : vector<1x8xf32> to vector<1x1x8xf32>
      %reduce_sum3A_161 = arith.constant dense<0.000000e+00> : vector<1xf32>
      %reduce_sum3A_162 = vector.multi_reduction <add>, %reduce_sum3A_160, %reduce_sum3A_161 [1, 2] : vector<1x1x8xf32> to vector<1xf32>
      %reduce_sum3A_163 = vector.shape_cast %reduce_sum3A_162 : vector<1xf32> to vector<1x1x1xf32>
      %reduce_sum3A_164 = vector.extract %reduce_sum3A_163[0, 0, 0] : f32 from vector<1x1x1xf32>
      %mul3A_165 = arith.constant 8.000000e+00 : f32
      %mul3A_166 = arith.mulf %mul3A_165, %reduce_sum3A_164 : f32
      %div3A_167 = arith.constant 7.000000e+00 : f32
      %div3A_168 = arith.divf %mul3A_166, %div3A_167 : f32
      %broadcast_in_dim3A_169 = vector.broadcast %div3A_168 : f32 to vector<1x1xf32>
      %swap3A_170 = arith.constant 0 : index
      %swap3A_171 = arith.constant 0 : index
      %swap3A_172 = vector.load %arg9[%swap3A_170, %swap3A_171] : memref<1x1xf32, #tpu.memory_space<vmem>>, vector<1x1xf32>
      tpu.vector_store %arg9[%swap3A_170, %swap3A_171], %broadcast_in_dim3A_169 {strides = array<i32>} : memref<1x1xf32, #tpu.memory_space<vmem>>, vector<1x1xf32>,
    } else {
    }
    return
  }
  func.func @transform_0(%arg0: i32) -> (i32, i32) {
    %c0_i32 = arith.constant 0 : i32
    %c0_i32_0 = arith.constant 0 : i32
    return %arg0, %c0_i32 : i32, i32
  }
  func.func @transform_1(%arg0: i32) -> (i32, i32) {
    %c0_i32 = arith.constant 0 : i32
    %c0_i32_0 = arith.constant 0 : i32
    return %c0_i32, %arg0 : i32, i32
  }
  func.func @transform_2(%arg0: i32) -> (i32, i32) {
    %c0_i32 = arith.constant 0 : i32
    %c0_i32_0 = arith.constant 0 : i32
    return %c0_i32, %arg0 : i32, i32
  }
  func.func @transform_3(%arg0: i32) -> (i32, i32) {
    %c0_i32 = arith.constant 0 : i32
    %c0_i32_0 = arith.constant 0 : i32
    %c0_i32_1 = arith.constant 0 : i32
    return %c0_i32, %c0_i32_0 : i32, i32
  }
  func.func @transform_4(%arg0: i32) -> (i32, i32) {
    %c0_i32 = arith.constant 0 : i32
    %c0_i32_0 = arith.constant 0 : i32
    %c0_i32_1 = arith.constant 0 : i32
    return %c0_i32, %c0_i32_0 : i32, i32
  }
  func.func @transform_5(%arg0: i32) -> (i32, i32) {
    %c0_i32 = arith.constant 0 : i32
    %c0_i32_0 = arith.constant 0 : i32
    %c0_i32_1 = arith.constant 0 : i32
    return %c0_i32, %c0_i32_0 : i32, i32
  }
  func.func @transform_6(%arg0: i32) -> (i32, i32) {
    %c0_i32 = arith.constant 0 : i32
    %c0_i32_0 = arith.constant 0 : i32
    return %arg0, %c0_i32 : i32, i32
  }
  func.func @transform_7(%arg0: i32) -> (i32, i32) {
    %c0_i32 = arith.constant 0 : i32
    %c0_i32_0 = arith.constant 0 : i32
    %c0_i32_1 = arith.constant 0 : i32
    return %c0_i32, %c0_i32_0 : i32, i32
  }
  func.func @transform_8(%arg0: i32) -> (i32, i32) {
    %c0_i32 = arith.constant 0 : i32
    %c0_i32_0 = arith.constant 0 : i32
    %c0_i32_1 = arith.constant 0 : i32
    return %c0_i32, %c0_i32_0 : i32, i32
  }
}

</mosaic_0001>

<sc_bundles>
// kernel: kernel.5.cloned.1.call-start
scs
__scs_entry_jumppad:
0x0: {  	(pc) =	sbr.rel $0x88, $3  }
0x1: {  	(tag) =	ssettag $0x0;
	lr =	simm.s32 $0x1  }
0x2: {  	[smem:$0x3F9C] =	sst lr;
	_ =	strace $0xD0000000  }
0x3: {  	_ = 	snop  }
0x4: {  	_ = 	snop  }
0x5: {  	_ = 	snop  }
0x6: {  	_ = 	snop  }
0x7: {  	_ = 	snop  }
__scs_overlays_trampoline_lowered:
0x8: {  	[smem:$0x3FAB] =	sst s0  }
0x9: {  	[smem:$0x3FAC] =	sst s1  }
0xa: {  	[smem:$0x3FAD] =	sst s2  }
0xb: {  	[smem:$0x3FAE] =	sst s3  }
0xc: {  	[smem:$0x3FAF] =	sst s4  }
0xd: {  	[smem:$0x3FB0] =	sst s5  }
0xe: {  	[smem:$0x3FB1] =	sst s6  }
0xf: {  	[smem:$0x3FB2] =	sst s7  }
0x10: {  	[smem:$0x3FB3] =	sst s8  }
0x11: {  	[smem:$0x3FB4] =	sst s9;
	s0 =	simm.s32 @!p0 $0x0  }
0x12: {  	s1 =	sld [smem:$0x3F9A];
	s0 =	simm.s32 @p0 $0x1  }
0x13: {  	[smem:$0x3FB5] =	sst s0;
	s0 =	simm.s32 @!p1 $0x0  }
0x14: {  	s2 =	sld [smem:$0x3F99];
	s0 =	simm.s32 @p1 $0x1  }
0x15: {  	[smem:$0x3FB6] =	sst s0;
	s0 =	simm.s32 @!p2 $0x0  }
0x16: {  	s3 =	sld [smem:$0x3FDB];
	s0 =	simm.s32 @p2 $0x1  }
0x17: {  	s4 =	simm.s32 $0x1BF5;
	[smem:$0x3FB8] =	sst s0  }
0x18: {  	s0 =	sld [smem:$0x3F9B];
	_ =	swait.ge [sflag:s4], $0x0  }
0x19: {  	s7 =	sld [smem:$0x3F9C]  }
0x1a: {  	s8 =	sadd.s32 $0xFFFFE003, lr  }
0x1b: {  	s9 =	sadd.s32 $0xFFFFFEF7, lr;
	s5 =	simm.s32 $0xFFFFFFFF;
	p2 =	slt.u32 s8, $0xFFFFF086  }
0x1c: {  	p1 =	slt.u32 s9, $0xF7A;
	s5 =	simm.s32 @!p2 $0x0  }
0x1d: {  	s5 =	simm.s32 @p1 $0x1;
	p0 =	seq.s32 s7, s2  }
0x1e: {  	s7 =	smul.u32 @!p0 $0xF7A, s2;
	p2 =	seq.s32 @!p0 s5, $0x0  }
0x1f: {  	s9 =	smul.u32 $0xF7A, s1;
	s8 =	simm.s32 @!p0 $0x1BF5;
	p2 =	por !p2, p0  }
0x20: {  	[sflag:s8] =	ssyncset.s32 @!p0 $0xFFFFF086;
	s6 =	sadd.s32 @!p0 s3, s7;
	s7 =	simm.s32 @!p0 $0x108  }
0x21: {  	s3 =	sadd.s32 s3, s9;
	s6 =	sadd.s32 @!p0 $0x88, s6;
	s7 =	simm.s32 @p2 $0x1082  }
0x22: {  	[simem:s7], [sflag:s8] =	dma.local @!p0 [hbm:s6], $0xF7A  }
0x23: {  	s9 =	sor.u32 $0xD0000000, s2;
	s6 =	simm.s32 $0x108;
	_ =	swait.ge @!p0 [sflag:s8], $0x0  }
0x24: {  	s3 =	sadd.s32 $0x88, s3;
	s6 =	simm.s32 @!p1 $0x1082;
	[sflag:s4] =	ssyncset.s32 $0xFFFFF086  }
0x25: {  	[simem:s6], [sflag:s4] =	dma.local [hbm:s3], $0xF7A  }
0x26: {  	[smem:$0x3F9C] =	sst s1;
	(tag) =	ssettag s2;
	_ =	strace s9  }
0x27: {  	s1 =	sld [smem:$0x3FAC]  }
0x28: {  	s2 =	sld [smem:$0x3FAD]  }
0x29: {  	s4 =	sld [smem:$0x3FAF]  }
0x2a: {  	p0 =	seq.s32 s5, $0x0;
	s5 =	sld [smem:$0x3FB0]  }
0x2b: {  	s6 =	sld [smem:$0x3FB1]  }
0x2c: {  	s7 =	sld [smem:$0x3FB2]  }
0x2d: {  	s3 =	simm.s32 $0x108;
	s8 =	sld [smem:$0x3FB3]  }
0x2e: {  	s3 =	simm.s32 @!p0 $0x1082;
	s9 =	sld [smem:$0x3FB4]  }
0x2f: {  	lr =	sadd.s32 s0, s3;
	s0 =	sld [smem:$0x3FAB]  }
0x30: {  	s3 =	sld [smem:$0x3FAE]  }
0x31: {  	[smem:$0x3FB7] =	sst s10  }
0x32: {  	s10 =	sld [smem:$0x3FB5];
	_ =	sdelay $0x3  }
0x33: {  	p0 =	seq.s32 s10, $0x1;
	s10 =	sld [smem:$0x3FB7];
	_ =	sdelay $0x3  }
0x34: {  	[smem:$0x3FB7] =	sst s10  }
0x35: {  	s10 =	sld [smem:$0x3FB6];
	_ =	sdelay $0x3  }
0x36: {  	p1 =	seq.s32 s10, $0x1;
	s10 =	sld [smem:$0x3FB7];
	_ =	sdelay $0x3  }
0x37: {  	[smem:$0x3FB7] =	sst s10  }
0x38: {  	s10 =	sld [smem:$0x3FB8]  }
0x39: {  	_ = 	snop;
	(pc) =	sbr.ind lr, $3  }
0x3a: {  	_ = 	snop  }
0x3b: {  	_ = 	snop  }
0x3c: {  	p2 =	seq.s32 s10, $0x1;
	s10 =	sld [smem:$0x3FB7]  }
0x3d: {  	_ =	shalt  }
0x3e: {  	_ =	shalt  }
0x3f: {  	_ =	shalt  }
0x40: {  	_ =	shalt  }
0x41: {  	_ =	shalt  }
0x42: {  	_ =	shalt  }
0x43: {  	_ =	shalt  }
0x44: {  	_ =	shalt  }
0x45: {  	_ =	shalt  }
0x46: {  	_ =	shalt  }
0x47: {  	_ =	shalt  }
0x48: {  	_ =	shalt  }
0x49: {  	_ =	shalt  }
0x4a: {  	_ =	shalt  }
0x4b: {  	_ =	shalt  }
0x4c: {  	_ =	shalt  }
0x4d: {  	_ =	shalt  }
0x4e: {  	_ =	shalt  }
0x4f: {  	_ =	shalt  }
0x50: {  	_ =	shalt  }
0x51: {  	_ =	shalt  }
0x52: {  	_ =	shalt  }
0x53: {  	_ =	shalt  }
0x54: {  	_ =	shalt  }
0x55: {  	_ =	shalt  }
0x56: {  	_ =	shalt  }
0x57: {  	_ =	shalt  }
0x58: {  	_ =	shalt  }
0x59: {  	_ =	shalt  }
0x5a: {  	_ =	shalt  }
0x5b: {  	_ =	shalt  }
0x5c: {  	_ =	shalt  }
0x5d: {  	_ =	shalt  }
0x5e: {  	_ =	shalt  }
0x5f: {  	_ =	shalt  }
0x60: {  	_ =	shalt  }
0x61: {  	_ =	shalt  }
0x62: {  	_ =	shalt  }
0x63: {  	_ =	shalt  }
0x64: {  	_ =	shalt  }
0x65: {  	_ =	shalt  }
0x66: {  	_ =	shalt  }
0x67: {  	_ =	shalt  }
0x68: {  	_ =	shalt  }
0x69: {  	_ =	shalt  }
0x6a: {  	_ =	shalt  }
0x6b: {  	_ =	shalt  }
0x6c: {  	_ =	shalt  }
0x6d: {  	_ =	shalt  }
0x6e: {  	_ =	shalt  }
0x6f: {  	_ =	shalt  }
0x70: {  	_ =	shalt  }
0x71: {  	_ =	shalt  }
0x72: {  	_ =	shalt  }
0x73: {  	_ =	shalt  }
0x74: {  	_ =	shalt  }
0x75: {  	_ =	shalt  }
0x76: {  	_ =	shalt  }
0x77: {  	_ =	shalt  }
0x78: {  	_ =	shalt  }
0x79: {  	_ =	shalt  }
0x7a: {  	_ =	shalt  }
0x7b: {  	_ =	shalt  }
0x7c: {  	_ =	shalt  }
0x7d: {  	_ =	shalt  }
0x7e: {  	_ =	shalt  }
0x7f: {  	_ =	shalt  }
0x80: {  	_ =	shalt  }
0x81: {  	_ =	shalt  }
0x82: {  	_ =	shalt  }
0x83: {  	_ =	shalt  }
0x84: {  	_ =	shalt  }
0x85: {  	_ =	shalt  }
0x86: {  	_ =	shalt  }
0x87: {  	_ =	shalt  }
.Lfunc_end0:
.L_simem_size_0:
called_computation_lowered:
.L_overlay_start_0:
0x88: {  	s2 =	sld [smem:$0x3FD9]  }
0x89: {  	s3 =	sld [smem:$0x3FFE];
	_ =	sdelay $0x1  }
0x8a: {  	s1 =	srdreg.scid  }
0x8b: {  	s0 =	sand.u32 $0x1, s1  }
0x8c: {  	s14 =	sshll.u32 s0, $0xA;
	s2 =	sadd.s32 s3, s2  }
0x8d: {  	s2 =	sadd.s32 s2, s14  }
0x8e: {  	[smem:$0x3FC3] =	sst s2  }
0x8f: {  	_ = 	snop  }
0x90: {  	s2 =	sld [smem:$0x3FD0];
	_ =	sdelay $0x1  }
0x91: {  	s15 =	sld [smem:$0x3FC8]  }
0x92: {  	s5 =	simm.s32 $0xA;
	s6 =	simm.s32 $0x10;
	s4 =	sld [smem:$0x3FC7]  }
0x93: {  	[smem:s6], [sflag:s5] =	dma.local [hbm:s2], $0x1  }
0x94: {  	_ =	swait.eq [sflag:s5], $0x1  }
0x95: {  	[sflag:s5] =	ssyncset.done $0x0  }
0x96: {  	[sflag:s5] =	ssyncadd.s32 $0xFFFFFFFF  }
0x97: {  	s16 =	sld [smem:$0x10];
	(tm) =	ssettm $0x1  }
0x98: {  	s17 =	sld [smem:$0x3FFB];
	_ =	sdelay $0x3  }
0x99: {  	_ =	strace s17  }
0x9a: {  	s5 =	sld [smem:$0x3FFC];
	_ =	sdelay $0x3  }
0x9b: {  	_ =	strace s5  }
0x9c: {  	s5 =	sld [smem:$0x3FFD];
	_ =	sdelay $0x3  }
0x9d: {  	_ =	strace s5  }
0x9e: {  	_ =	strace $0x8FFFFFFF  }
0x9f: {  	s18 =	sld [smem:$0x3FDB];
	_ =	sdelay $0x1  }
0xa0: {  	s19 =	simm.s32 $_scs_section_size  }
0xa1: {  	s7 =	simm.s32 $_size__tile_overlayer_lowered;
	s8 =	simm.s32 $_tile_overlayer_lowered  }
0xa2: {  	s22 =	simm.s32 $0x1BFF;
	s21 =	sshll.u32 s8, $0x1;
	s5 =	sadd.s32 s19, s18  }
0xa3: {  	s9 =	simm.s32 $0x0;
	s20 =	sshll.u32 s7, $0x1;
	s7 =	sadd.s32 s21, s5  }
0xa4: {  	[timem:s9], [sflag:s22] =	dma.local [hbm:s7], s20  }
0xa5: {  	_ =	swait.ge [sflag:s22], s20  }
0xa6: {  	s6 =	ssub.s32 $0x0, s20;
	[sflag:s22] =	ssyncset.done $0x0  }
0xa7: {  	[sflag:s22] =	ssyncadd.s32 s6;
	_ =	sdelay $0x1  }
0xa8: {  	s23 =	simm.s32 $0x1B8B  }
0xa9: {  	_ =	swait.ge [sflag:s23], $0x1  }
0xaa: {  	[sflag:s23] =	ssyncset.done $0x0  }
0xab: {  	s25 =	simm.s32 $0x1B8E;
	s24 =	sld [smem:$0x3FFE];
	[sflag:s23] =	ssyncadd.s32 $0xFFFFFFFF  }
0xac: {  	s26 =	simm.s32 $execute0_lowered;
	[smem:$0x3FD2] =	sst s25  }
0xad: {  	s7 =	sshll.u32 s26, $0x1;
	_ =	strace $0x80000046;
	[dreg:$0x1] =	wrdreg $0xFFFFFFFF  }
0xae: {  	s28 =	simm.s32 $_size_execute0_lowered;
	s5 =	sadd.s32 s5, s7;
	[dreg:$0x0] =	wrdreg $0x0  }
0xaf: {  	s7 =	sshll.u32 s28, $0x1;
	[dreg:$0x2] =	wrdreg s5  }
0xb0: {  	[dreg:$0x3] =	wrdreg s7  }
0xb1: {  	[dreg:$0x4] =	wrdreg $0xC0  }
0xb2: {  	_ =	task [dreg:s9], $0x5FFFF  }
0xb3: {  	[dreg:$0x1] =	wrdreg $0xFFFFFFFF  }
0xb4: {  	[dreg:$0x0] =	wrdreg $0x60  }
0xb5: {  	[dreg:$0x2] =	wrdreg s15  }
0xb6: {  	[dreg:$0x3] =	wrdreg s4  }
0xb7: {  	[dreg:$0x4] =	wrdreg s16  }
0xb8: {  	[dreg:$0x5] =	wrdreg s24  }
0xb9: {  	[dreg:$0x6] =	wrdreg $0x9  }
0xba: {  	_ =	task.clear_ibuf [dreg:s9], $0x7FFFF;
	_ =	strace $0x90000046  }
0xbb: {  	s29 =	simm.s32 $0x9;
	_ =	strace $0x80000048  }
0xbc: {  	_ =	swait.ge [sflag:s29], $0x1  }
0xbd: {  	[sflag:s29] =	ssyncadd.s32 $0xFFFFFFFF  }
0xbe: {  	_ =	strace $0x90000048  }
0xbf: {  	_ =	sfence  }
0xc0: {  	s30 =	sld [smem:$0x0];
	_ =	sdelay $0x2  }
0xc1: {  	s31 =	sshll.u32 s1, $0xD;
	s1 =	sshrl.u32 s1, $0x2  }
0xc2: {  	s3 =	sand.u32 $0x4000, s31;
	s1 =	sadd.s32 s1, s30  }
0xc3: {  	s0 =	sor.u32 s3, s0;
	s1 =	sshll.u32 s1, $0x11  }
0xc4: {  	s0 =	sor.u32 s1, s0  }
0xc5: {  	s0 =	sadd.s32 $0x8F2B, s0  }
0xc6: {  	[sflag:s0] =	ssyncadd.remote.s32 $0x1  }
0xc7: {  	_ =	sfence.sel $0xFFFF  }
0xc8: {  	[dreg:$0x0] =	wrdreg $0xFFFFFFFF;
	(pc) =	sbr.abs _section_cstart, $3  }
0xc9: {  	[dreg:$0x1] =	wrdreg $0xFFFFFFFF  }
0xca: {  	_ =	task.clear_ibuf [dreg:s9], $0x2FFFF;
	_ =	strace $0x9FFFFFFF  }
0xcb: {  	(tm) =	ssettm $0x7FFFFFFF  }
tec
execute0_lowered:
.L_overlay_start_1:
0x0: {  	(tag) =	ssettag $0x1  }
0x1: {  	s3 =	rddreg [dreg:$0x0]  }
0x2: {  	s6 =	rddreg [dreg:$0x1]  }
0x3: {  	s4 =	rddreg [dreg:$0x2]  }
0x4: {  	s5 =	rddreg [dreg:$0x3];
	s2 =	srdreg.scid  }
0x5: {  	s0 =	rddreg [dreg:$0x4];
	s1 =	stileid.u32;
	s11 =	simm.s32 $0x400  }
0x6: {  	s12 =	simm.s32 $0x1000;
	s13 =	simm.s32 $0x800;
	s14 =	simm.s32 $0xC00  }
0x7: {  	s15 =	simm.s32 $0x1400;
	s16 =	simm.s32 $0x0;
	s7 =	sand.u32 $0x1, s2  }
0x8: {  	s2 =	simm.s32 $0x0;
	s8 =	sshll.u32 s1, $0x8;
	s9 =	sshll.u32 s7, $0x7  }
0x9: {  	[smem:$0x7FF] =	sst s2;
	s7 =	ssub.s32 $0x2, s7;
	s8 =	sor.u32 s9, s8  }
0xa: {  	_ =	strace $0x80000047;
	s31 =	sshrl.u32 s7, $0x1;
	s9 =	sadd.s32 s8, s5  }
0xb: {  	s10 =	ssub.s32 s7, s31;
	s3 =	sadd.s32 s3, s8;
	s4 =	sadd.s32 s4, s8  }
0xc: {  	s6 =	sadd.s32 s6, s8;
	s5 =	sadd.s32 $0x2600, s9;
	s7 =	sadd.s32 $0x1600, s9  }
0xd: {  	v0 =	vimm.f32 $0.0e+00;
	s8 =	sadd.s32 $0x3600, s9;
	s9 =	smax.u32 s10, $0x1;
	s10 =	simm.s32 $0x1  }
.LBB2_1:
0xe: {  	[tilespmem:s2], [sflag:$0x1] =	stream.linear.gather [hbm4b:s3+s2], $0x400, $0x38;
	[tilespmem:$0x1800] =	vst v63  }
0xf: {  	_ =	swait.ge [sflag:s10], $0x400  }
0x10: {  	[sflag:s10] =	ssyncset.done $0x0  }
0x11: {  	s17 =	simm.s32 $0xFFFFFF80;
	[sflag:s10] =	ssyncadd.s32 $0xFFFFFC00  }
0x12: {  	v8 =	vld [tilespmem:s17+$0x400]  }
0x13: {  	v17 =	vld [tilespmem:s17+$0x380]  }
0x14: {  	v25 =	vld [tilespmem:s17+$0x300]  }
0x15: {  	v30 =	vld [tilespmem:s17+$0x280]  }
0x16: {  	v32 =	vld [tilespmem:s17+$0x200]  }
0x17: {  	v16 =	vld [tilespmem:s17+$0x180]  }
0x18: {  	v1 =	vimm.s32 $0x0;
	v6 =	vimm.s32 $0x0;
	v34 =	vld [tilespmem:s17+$0x80]  }
0x19: {  	v35 =	vld [tilespmem:s17+$0x100];
	vm2 =	vgt.f32 v8, v17;
	vm0 =	veq.f32 v17, v8;
	vm3 =	vgt.f32 v8, v25  }
0x1a: {  	vm5 =	veq.f32 v25, v17;
	vm4 =	vgt.f32 v17, v8;
	vm6 =	vgt.f32 v8, v30  }
0x1b: {  	vm7 =	vgt.f32 v17, v25;
	vm8 =	veq.f32 v25, v8;
	vm9 =	vgt.f32 v8, v32  }
0x1c: {  	vm10 =	vgt.f32 v25, v17;
	vm11 =	vgt.f32 v25, v8;
	vm12 =	vgt.f32 v17, v30  }
0x1d: {  	vm13 =	veq.f32 v30, v25;
	vm14 =	vgt.f32 v8, v16;
	vm15 =	veq.f32 v30, v17  }
0x1e: {  	vm1 =	vgt.f32 v25, v30;
	v62 =	vmax.f32 v34, v35;
	v1 =	vsel vm0, $0xFFFFFFFF, v1  }
0x1f: {  	vm0 =	veq.f32 v30, v8;
	v2 =	vsel vm2, $0x3F800000, v0;
	vm2 =	vgt.f32 v17, v32  }
0x20: {  	v5 =	vsel vm3, $0x3F800000, v0;
	v4 =	vsel vm5, $0x3F800000, v0;
	vm3 =	vgt.f32 v30, v17  }
0x21: {  	v3 =	vsel vm8, $0x3F800000, v0;
	v7 =	vsel vm6, $0x3F800000, v0;
	vm8 =	vgt.f32 v8, v34  }
0x22: {  	v9 =	vsel vm7, $0x3F800000, v0;
	v10 =	vsel vm9, $0x3F800000, v0;
	vm9 =	vgt.f32 v25, v32  }
0x23: {  	v11 =	vsel vm12, $0x3F800000, v0;
	vm12 =	veq.f32 v32, v30;
	v13 =	vsel vm11, $0x3F800000, v0  }
0x24: {  	vm6 =	veq.f32 v32, v25;
	v15 =	vsel vm14, $0x3F800000, v0;
	vm11 =	vgt.f32 v17, v34  }
0x25: {  	v12 =	vsel vm13, $0x3F800000, v0;
	vm7 =	veq.f32 v32, v17;
	v14 =	vsel vm15, $0x3F800000, v0  }
0x26: {  	vm5 =	veq.f32 v32, v8;
	vm13 =	vgt.f32 v17, v35;
	v19 =	vsel vm1, $0x3F800000, v0  }
0x27: {  	vm1 =	vgt.f32 v30, v32;
	vm15 =	veq.f32 v35, v8;
	vm14 =	vgt.f32 v30, v16  }
0x28: {  	[tilespmem:$0x1FC20] =	vst v1;
	v1 =	vimm.s32 $0x0;
	v24 =	vsel vm8, $0x3F800000, v0;
	v18 =	vsel vm2, $0x3F800000, v0  }
0x29: {  	vm2 =	vgt.f32 v25, v16;
	v22 =	vsel vm9, $0x3F800000, v0;
	vm8 =	vgt.f32 v32, v17  }
0x2a: {  	v31 =	vsel vm11, $0x3F800000, v0;
	vm11 =	vgt.f32 v25, v34;
	v26 =	vsel vm13, $0x3F800000, v0  }
0x2b: {  	vm13 =	vgt.f32 v25, v35;
	v23 =	vsel vm12, $0x3F800000, v0;
	vm9 =	vgt.f32 v32, v8  }
0x2c: {  	v28 =	vsel vm1, $0x3F800000, v0;
	vm1 =	vgt.f32 v30, v35;
	vm12 =	veq.f32 v35, v30  }
0x2d: {  	v1 =	vsel vm0, $0xFFFFFFFF, v1;
	vm0 =	vgt.f32 v30, v8;
	v27 =	vsel vm2, $0x3F800000, v0  }
0x2e: {  	vm2 =	vgt.f32 v30, v34;
	v36 =	vsel vm11, $0x3F800000, v0;
	vm11 =	vgt.f32 v32, v34  }
0x2f: {  	v33 =	vsel vm13, $0x3F800000, v0;
	vm13 =	vgt.f32 v32, v35;
	v39 =	vsel vm1, $0x3F800000, v0  }
0x30: {  	vm1 =	veq.f32 v35, v16;
	[tilespmem:$0x1FC10] =	vst v1;
	v1 =	vsel vm4, $0x3F800000, v0;
	vm4 =	vgt.f32 v30, v25  }
0x31: {  	v6 =	vsel vm0, $0xFFFFFFFF, v6;
	vm0 =	vgt.f32 v8, v35;
	v40 =	vsel vm2, $0x3F800000, v0  }
0x32: {  	vm2 =	vgt.f32 v16, v32;
	v41 =	vsel vm11, $0x3F800000, v0;
	vm11 =	veq.f32 v35, v25  }
0x33: {  	v42 =	vsel vm13, $0x3F800000, v0;
	v43 =	vsel vm1, $0x3F800000, v0;
	vm1 =	vgt.f32 v16, v34  }
0x34: {  	vm13 =	veq.f32 v35, v17;
	[tilespmem:$0x1FC00] =	vst v6;
	v6 =	vsel vm10, $0x3F800000, v0;
	vm10 =	vgt.f32 v17, v16  }
0x35: {  	v21 =	vsel vm0, $0x3F800000, v0;
	vm0 =	vgt.f32 v32, v30;
	v37 =	vsel vm2, $0x3F800000, v0  }
0x36: {  	vm2 =	vgt.f32 v35, v34;
	v45 =	vsel vm1, $0x3F800000, v0;
	vm1 =	vgt.f32 v16, v35  }
0x37: {  	v20 =	vsel vm10, $0x3F800000, v0;
	vm10 =	vgt.f32 v32, v25;
	v29 =	vsel vm0, $0x3F800000, v0  }
0x38: {  	vm0 =	vgt.f32 v32, v16;
	v44 =	vsel vm2, $0x3F800000, v0;
	v47 =	vsel vm1, $0x3F800000, v0  }
0x39: {  	vm1 =	vgt.f32 v35, v32;
	v38 =	vsel vm0, $0x3F800000, v0;
	vm0 =	veq.f32 v35, v32  }
0x3a: {  	v49 =	vsel vm1, $0x3F800000, v0;
	vm1 =	vgt.f32 v35, v30;
	v44 =	vadd.f32 v45, v44  }
0x3b: {  	v46 =	vsel vm0, $0x3F800000, v0;
	vm0 =	vgt.f32 v35, v16;
	v51 =	vsel vm1, $0x3F800000, v0  }
0x3c: {  	vm1 =	vgt.f32 v34, v16;
	v48 =	vsel vm0, $0x3F800000, v0;
	vm0 =	vgt.f32 v34, v35  }
0x3d: {  	v53 =	vsel vm1, $0x3F800000, v0;
	vm1 =	vgt.f32 v34, v32;
	v41 =	vadd.f32 v41, v44  }
0x3e: {  	v50 =	vsel vm0, $0x3F800000, v0;
	vm0 =	veq.f32 v34, v35;
	v55 =	vsel vm1, $0x3F800000, v0  }
0x3f: {  	vm1 =	vgt.f32 v34, v30;
	v52 =	vsel vm0, $0x3F800000, v0;
	vm0 =	veq.f32 v34, v16  }
0x40: {  	v57 =	vsel vm1, $0x3F800000, v0;
	v54 =	vsel vm0, $0x3F800000, v0;
	vm0 =	veq.f32 v34, v32  }
0x41: {  	v50 =	vadd.f32 v52, v50;
	v56 =	vsel vm0, $0x3F800000, v0;
	vm0 =	veq.f32 v34, v30  }
0x42: {  	v53 =	vadd.f32 v54, v53;
	v54 =	vmax.f32 v62, v16;
	v58 =	vsel vm0, $0x3F800000, v0  }
0x43: {  	vm0 =	vgt.f32 v34, v25;
	v55 =	vadd.f32 v56, v55;
	v54 =	vmax.f32 v54, v32  }
0x44: {  	v47 =	vadd.f32 v47, v50;
	v45 =	vsel vm0, $0x3F800000, v0;
	vm0 =	veq.f32 v34, v25  }
0x45: {  	v57 =	vadd.f32 v58, v57;
	v54 =	vmax.f32 v54, v30;
	v48 =	vadd.f32 v53, v48  }
0x46: {  	v61 =	vsel vm0, $0x3F800000, v0;
	vm0 =	vgt.f32 v34, v17;
	v54 =	vmax.f32 v54, v25  }
0x47: {  	v49 =	vadd.f32 v55, v49;
	v55 =	vsel vm13, $0x3F800000, v0;
	vm13 =	veq.f32 v16, v25  }
0x48: {  	v42 =	vadd.f32 v42, v47;
	v63 =	vsel vm0, $0x3F800000, v0;
	vm0 =	veq.f32 v34, v17  }
0x49: {  	v45 =	vadd.f32 v61, v45;
	v54 =	vmax.f32 v54, v17;
	v51 =	vadd.f32 v57, v51  }
0x4a: {  	v60 =	vsel vm0, $0x3F800000, v0;
	vm0 =	vgt.f32 v34, v8;
	v54 =	vmax.f32 v54, v8  }
0x4b: {  	v61 =	vsel vm0, $0x3F800000, v0;
	vm0 =	veq.f32 v34, v8;
	v56 =	vadd.f32 v60, v63  }
0x4c: {  	v34 =	vsub.f32 v34, v54;
	v62 =	vsel vm0, $0x3F800000, v0;
	vm0 =	vgt.f32 v35, v25  }
0x4d: {  	v52 =	vadd.f32 v62, v61;
	v58 =	vsel vm0, $0x3F800000, v0;
	vm0 =	vgt.f32 v35, v17  }
0x4e: {  	v34 =	vmul.f32 $1.442695020e+00, v34;
	v61 =	vsub.f32 v16, v54;
	v62 =	vsub.f32 v30, v54  }
0x4f: {  	v63 =	vsel vm0, $0x3F800000, v0;
	vm0 =	vgt.f32 v35, v8;
	v35 =	vsub.f32 v35, v54  }
0x50: {  	v57 =	vsel vm15, $0x3F800000, v0;
	v45 =	vadd.f32 v45, v58;
	v58 =	vsub.f32 v17, v54  }
0x51: {  	v60 =	vsel vm0, $0x3F800000, v0;
	(erf) = vpow2.f32 v34;
	v35 =	vmul.f32 $1.442695020e+00, v35  }
0x52: {  	v34 =	vsel vm12, $0x3F800000, v0;
	vm12 =	veq.f32 v16, v32;
	v53 =	vmul.f32 $1.442695020e+00, v61  }
0x53: {  	v32 =	vsub.f32 v32, v54;
	vm0 =	vgt.f32 v16, v30;
	(erf) = vpow2.f32 v35  }
0x54: {  	v61 =	vadd.f32 v49, v46;
	v52 =	vadd.f32 v52, v60;
	v59 =	vsel vm0, $0x3F800000, v0  }
0x55: {  	vm0 =	vgt.f32 v16, v25;
	v32 =	vmul.f32 $1.442695020e+00, v32;
	(erf) = vpow2.f32 v53  }
0x56: {  	v35 =	vsel vm11, $0x3F800000, v0;
	vm11 =	veq.f32 v16, v30;
	v30 =	vadd.f32 v56, v63  }
0x57: {  	v63 =	vsub.f32 v25, v54;
	v53 =	vmul.f32 $1.442695020e+00, v62;
	(erf) = vpow2.f32 v32  }
0x58: {  	v60 =	vsub.f32 v8, v54;
	v44 =	vmul.f32 $1.442695020e+00, v58;
	v34 =	vadd.f32 v51, v34  }
0x59: {  	v51 =	vadd.f32 v39, v42;
	v56 =	vmul.f32 $1.442695020e+00, v63;
	(erf) = vpow2.f32 v53  }
0x5a: {  	v25 =	vadd.f32 v48, v43;
	v43 =	vmul.f32 $1.442695020e+00, v60;
	v34 =	vadd.f32 v34, v59  }
0x5b: {  	v33 =	vadd.f32 v33, v51;
	v35 =	vadd.f32 v45, v35;
	v48 =	vpop (erf);
	(erf) = vpow2.f32 v56  }
0x5c: {  	v32 =	vadd.f32 v40, v41;
	v63 =	vsel vm0, $0x3F800000, v0;
	vm0 =	vgt.f32 v16, v17;
	v46 =	vpop (erf)  }
0x5d: {  	v30 =	vadd.f32 v30, v55;
	(erf) = vpow2.f32 v44;
	v62 =	vadd.f32 v46, v48  }
0x5e: {  	v40 =	vadd.f32 v52, v57;
	v25 =	vadd.f32 v25, v38;
	v57 =	vsel vm14, $0x3F800000, v0;
	v44 =	vpop (erf)  }
0x5f: {  	v26 =	vadd.f32 v26, v33;
	(erf) = vpow2.f32 v43;
	v49 =	vadd.f32 v62, v44  }
0x60: {  	v50 =	vsel vm0, $0x3F800000, v0;
	vm0 =	vgt.f32 v16, v8;
	v35 =	vadd.f32 v35, v63;
	v52 =	vpop (erf)  }
0x61: {  	v32 =	vadd.f32 v36, v32;
	v54 =	vsel vm0, $0x3F800000, v0;
	v53 =	vadd.f32 v49, v52  }
0x62: {  	vm0 =	veq.f32 v16, v17;
	v17 =	vadd.f32 v61, v37;
	v58 =	vadd.f32 v30, v50;
	v55 =	vpop (erf)  }
0x63: {  	vm1 =	veq.f32 v16, v8;
	v25 =	vadd.f32 v25, v57;
	v56 =	vadd.f32 v53, v55  }
0x64: {  	v61 =	vsel vm11, $0x3F800000, v0;
	v21 =	vadd.f32 v21, v26;
	v16 =	vadd.f32 v40, v54;
	v30 =	vpop (erf)  }
0x65: {  	v60 =	vsel vm12, $0x3F800000, v0;
	v34 =	vadd.f32 v34, v61;
	v59 =	vadd.f32 v56, v30  }
0x66: {  	v63 =	vsel vm13, $0x3F800000, v0;
	v31 =	vadd.f32 v31, v32;
	v17 =	vadd.f32 v17, v60;
	v62 =	vpop (erf)  }
0x67: {  	v41 =	vsel vm0, $0x3F800000, v0;
	v32 =	vadd.f32 v35, v63;
	v38 =	vadd.f32 v59, v62  }
0x68: {  	v26 =	vsel vm6, $0x3F800000, v0;
	v8 =	vadd.f32 v58, v41;
	v25 =	vadd.f32 v25, v27;
	v42 =	vpop (erf)  }
0x69: {  	v61 =	vimm.s32 $0x0;
	v27 =	vadd.f32 v34, v29;
	v38 =	vadd.f32 v38, v42  }
0x6a: {  	v24 =	vadd.f32 v24, v31;
	v31 =	vsel vm10, $0x3F800000, v0;
	v17 =	vadd.f32 v17, v28  }
0x6b: {  	v28 =	vsel vm8, $0x3F800000, v0;
	v20 =	vadd.f32 v25, v20;
	(erf) = vrcp.f32 v38  }
0x6c: {  	vm2 =	vlt.f32 v21, $1.500000000e+00;
	v29 =	vadd.f32 v32, v31;
	v8 =	vadd.f32 v8, v28  }
0x6d: {  	v23 =	vadd.f32 v27, v23;
	v43 =	vsel vm1, $0x3F800000, v0;
	v17 =	vadd.f32 v17, v22  }
0x6e: {  	v22 =	vsel vm7, $0x3F800000, v0;
	v15 =	vadd.f32 v20, v15;
	v16 =	vadd.f32 v16, v43  }
0x6f: {  	v60 =	vld [tilespmem:$0x1FC20];
	v28 =	vsel vm9, $0x3F800000, v0;
	v25 =	vadd.f32 v29, v26;
	v8 =	vadd.f32 v8, v22  }
0x70: {  	v27 =	vsel vm4, $0x3F800000, v0;
	v19 =	vadd.f32 v23, v19;
	v22 =	vld [tilespmem:$0x1FC00];
	v17 =	vadd.f32 v17, v18  }
0x71: {  	v45 =	vld [tilespmem:$0x1FC10];
	v18 =	vsel vm3, $0x3F800000, v0;
	v16 =	vadd.f32 v16, v28;
	v20 =	vadd.f32 v25, v27  }
0x72: {  	v26 =	vsel vm5, $0x3F800000, v0;
	v18 =	vadd.f32 v8, v18;
	v11 =	vadd.f32 v19, v11  }
0x73: {  	vm1 =	vlt.f32 v24, $1.500000000e+00;
	v17 =	vadd.f32 v17, v10;
	v16 =	vadd.f32 v16, v26  }
0x74: {  	vm6 =	vnez.u8 v60;
	v12 =	vadd.f32 v20, v12;
	v14 =	vadd.f32 v18, v14;
	v23 =	vpop (erf)  }
0x75: {  	v7 =	vadd.f32 v11, v7;
	vm0 =	vnez.u8 v22;
	v47 =	vmul.f32 v23, v48  }
0x76: {  	v22 =	vsel vm0, $0x3F800000, v0;
	vm0 =	vnez.u8 v45;
	v9 =	vadd.f32 v12, v9  }
0x77: {  	v6 =	vadd.f32 v14, v6;
	v48 =	vmul.f32 v23, v46;
	v18 =	vadd.f32 $0.0e+00, v47  }
0x78: {  	v16 =	vadd.f32 v16, v22;
	v22 =	vsel vm0, $0x3F800000, v0;
	v5 =	vadd.f32 v9, v5  }
0x79: {  	v49 =	vmul.f32 v23, v44;
	v50 =	vnsel vm1, $0x0, v18;
	v18 =	vnsel vm2, $0x0, v48  }
0x7a: {  	vm3 =	vlt.f32 v15, $1.500000000e+00;
	v16 =	vadd.f32 v16, v22;
	v51 =	vadd.f32 v50, v18  }
0x7b: {  	v4 =	vadd.f32 v6, v4;
	v52 =	vmul.f32 v23, v52;
	v53 =	vnsel vm3, $0x0, v49  }
0x7c: {  	vm4 =	vlt.f32 v17, $1.500000000e+00;
	v15 =	vadd.f32 v16, v13;
	v54 =	vadd.f32 v51, v53  }
0x7d: {  	v2 =	vadd.f32 v4, v2;
	v55 =	vmul.f32 v23, v55;
	v56 =	vnsel vm4, $0x0, v52  }
0x7e: {  	vm5 =	vlt.f32 v7, $1.500000000e+00;
	v3 =	vadd.f32 v15, v3;
	v6 =	vadd.f32 v54, v56  }
0x7f: {  	vm0 =	vlt.f32 v5, $1.500000000e+00;
	v57 =	vmul.f32 v23, v30;
	v58 =	vnsel vm5, $0x0, v55  }
0x80: {  	v4 =	vsel vm6, $0x3F800000, v0;
	v1 =	vadd.f32 v3, v1;
	v3 =	vadd.f32 v6, v58  }
0x81: {  	v5 =	vsel vm0, $0xFFFFFFFF, v61;
	v59 =	vmul.f32 v23, v62;
	v62 =	vnsel vm0, $0x0, v57  }
0x82: {  	vm0 =	vlt.f32 v2, $1.500000000e+00;
	v2 =	vadd.f32 v3, v62;
	v3 =	vimm.s32 $0x0  }
0x83: {  	v1 =	vadd.f32 v1, v4;
	v3 =	vsel vm0, $0xFFFFFFFF, v3  }
0x84: {  	v17 =	vmul.f32 v23, v42;
	[tilespmem:$0x1FC40] =	vst v3;
	v3 =	vnsel vm0, $0x0, v59  }
0x85: {  	vm0 =	vlt.f32 v1, $1.500000000e+00;
	v1 =	vadd.f32 v2, v3  }
0x86: {  	v2 =	vnsel vm0, $0x0, v17  }
0x87: {  	v1 =	vadd.f32 v1, v2;
	_ =	sdelay $0x1  }
0x88: {  	(erf) = vrcp.f32 v1;
	v1 =	vadd.f32 v47, v0;
	_ =	sdelay $0x1  }
0x89: {  	[tilespmem:$0x1FC60] =	vst v1;
	v1 =	vadd.f32 v48, v0;
	_ =	sdelay $0x1  }
0x8a: {  	vm1 =	vmmov vm1;
	[tilespmem:$0x1FC80] =	vst v1;
	v1 =	vimm.s32 $0x0  }
0x8b: {  	v1 =	vsel vm1, $0xFFFFFFFF, v1  }
0x8c: {  	[tilespmem:$0x1FC90] =	vst v1;
	v1 =	vadd.f32 v49, v0;
	_ =	sdelay $0x1  }
0x8d: {  	[tilespmem:$0x1FCB0] =	vst v1;
	v1 =	vadd.f32 v52, v0;
	_ =	sdelay $0x1  }
0x8e: {  	vm1 =	vmmov vm2;
	[tilespmem:$0x1FCD0] =	vst v1;
	v1 =	vimm.s32 $0x0  }
0x8f: {  	v1 =	vsel vm1, $0xFFFFFFFF, v1  }
0x90: {  	s18 =	simm.s32 $0xFFFFFF90;
	[tilespmem:$0x1FCE0] =	vst v1;
	v1 =	vadd.f32 v55, v0  }
0x91: {  	v35 =	vld [tilespmem:s18+$0x280]  }
0x92: {  	v32 =	vld [tilespmem:s18+$0x300];
	[tilespmem:$0x1FD00] =	vst v1;
	v1 =	vadd.f32 v57, v0  }
0x93: {  	v28 =	vld [tilespmem:s18+$0x380]  }
0x94: {  	v26 =	vld [tilespmem:s18+$0x400];
	vm1 =	vmmov vm3;
	[tilespmem:$0x1FD20] =	vst v1;
	v1 =	vimm.s32 $0x0  }
0x95: {  	v1 =	vsel vm1, $0xFFFFFFFF, v1  }
0x96: {  	[tilespmem:$0x1FD30] =	vst v1;
	v1 =	vadd.f32 v59, v0;
	_ =	sdelay $0x1  }
0x97: {  	vm6 =	vgt.f32 v28, v32;
	v50 =	vld [tilespmem:s18+$0x100];
	[tilespmem:$0x1FD50] =	vst v1;
	v1 =	vadd.f32 v17, v0  }
0x98: {  	v25 =	vsel vm6, $0x3F800000, v0;
	vm6 =	veq.f32 v35, v26;
	vm2 =	veq.f32 v28, v26  }
0x99: {  	v37 =	vld [tilespmem:s18+$0x200];
	vm3 =	veq.f32 v32, v28;
	vm1 =	vmmov vm4;
	[tilespmem:$0x1FD60] =	vst v1;
	v1 =	vimm.s32 $0x0  }
0x9a: {  	v16 =	vpop (erf);
	v20 =	vsel vm3, $0x3F800000, v0;
	vm3 =	veq.f32 v35, v32;
	v1 =	vsel vm1, $0xFFFFFFFF, v1  }
0x9b: {  	v30 =	vsel vm3, $0x3F800000, v0;
	v17 =	vmul.f32 v16, v17;
	[tilespmem:$0x1FD70] =	vst v1;
	v1 =	vimm.s32 $0x0  }
0x9c: {  	vm3 =	vgt.f32 v26, v50;
	vm4 =	vgt.f32 v28, v26;
	v1 =	vsel vm2, $0xFFFFFFFF, v1  }
0x9d: {  	v63 =	vnsel vm0, $0x0, v17;
	vm2 =	vmmov vm5;
	[tilespmem:$0x1FD80] =	vst v1;
	v1 =	vimm.s32 $0x0  }
0x9e: {  	[tilespmem:$0x1FCA0] =	vst v49;
	vm0 =	vgt.f32 v26, v37;
	vm1 =	vgt.f32 v26, v28;
	v1 =	vsel vm2, $0xFFFFFFFF, v1  }
0x9f: {  	v27 =	vsel vm0, $0x3F800000, v0;
	vm0 =	vgt.f32 v32, v35;
	[tilespmem:$0x1FD90] =	vst v1;
	v1 =	vsel vm1, $0x3F800000, v0  }
0xa0: {  	v40 =	vsel vm3, $0x3F800000, v0;
	v34 =	vsel vm0, $0x3F800000, v0;
	[tilespmem:$0x1FDA0] =	vst v1;
	v1 =	vsel vm4, $0x3F800000, v0  }
0xa1: {  	v49 =	vld [tilespmem:s18+$0x80];
	vm0 =	veq.f32 v37, v35;
	vm2 =	vgt.f32 v26, v32;
	[tilespmem:$0x1FDB0] =	vst v1;
	v1 =	vimm.s32 $0x0  }
0xa2: {  	v21 =	vsel vm2, $0x3F800000, v0;
	vm2 =	vgt.f32 v28, v35;
	v1 =	vsel vm6, $0xFFFFFFFF, v1  }
0xa3: {  	v29 =	vsel vm2, $0x3F800000, v0;
	vm2 =	vgt.f32 v35, v32;
	[tilespmem:$0x1FDC0] =	vst v1;
	v1 =	vimm.s32 $0x0  }
0xa4: {  	vm3 =	veq.f32 v37, v32;
	v41 =	vsel vm0, $0x3F800000, v0;
	v1 =	vsel vm2, $0xFFFFFFFF, v1  }
0xa5: {  	vm0 =	vgt.f32 v35, v37;
	vm2 =	vgt.f32 v35, v28;
	[tilespmem:$0x1FDD0] =	vst v1;
	v1 =	vimm.s32 $0x0  }
0xa6: {  	v45 =	vsel vm0, $0x3F800000, v0;
	vm0 =	vgt.f32 v35, v49;
	v1 =	vsel vm2, $0xFFFFFFFF, v1  }
0xa7: {  	v43 =	vld [tilespmem:s18+$0x180];
	v56 =	vsel vm0, $0x3F800000, v0;
	vm2 =	vgt.f32 v35, v26;
	[tilespmem:$0x1FDE0] =	vst v1;
	v1 =	vimm.s32 $0x0  }
0xa8: {  	vm0 =	vgt.f32 v32, v50;
	vm1 =	vgt.f32 v32, v28;
	v1 =	vsel vm2, $0xFFFFFFFF, v1  }
0xa9: {  	v22 =	vsel vm1, $0x3F800000, v0;
	vm1 =	vgt.f32 v28, v37;
	[tilespmem:$0x1FDF0] =	vst v1;
	v1 =	vimm.s32 $0x0  }
0xaa: {  	v36 =	vsel vm1, $0x3F800000, v0;
	vm1 =	vgt.f32 v32, v37;
	v1 =	vsel vm3, $0xFFFFFFFF, v1  }
0xab: {  	v39 =	vsel vm1, $0x3F800000, v0;
	vm1 =	veq.f32 v37, v28;
	[tilespmem:$0x1FE00] =	vst v1;
	v1 =	vimm.s32 $0x0  }
0xac: {  	v51 =	vsel vm0, $0x3F800000, v0;
	vm0 =	vgt.f32 v37, v43;
	v1 =	vsel vm1, $0xFFFFFFFF, v1  }
0xad: {  	v53 =	vsel vm0, $0x3F800000, v0;
	vm0 =	veq.f32 v37, v26;
	[tilespmem:$0x1FE10] =	vst v1;
	v1 =	vimm.s32 $0x0  }
0xae: {  	v1 =	vsel vm0, $0xFFFFFFFF, v1  }
0xaf: {  	vm0 =	vgt.f32 v37, v32;
	[tilespmem:$0x1FE20] =	vst v1;
	v1 =	vimm.s32 $0x0  }
0xb0: {  	v1 =	vsel vm0, $0xFFFFFFFF, v1  }
0xb1: {  	vm0 =	vgt.f32 v37, v28;
	[tilespmem:$0x1FE30] =	vst v1;
	v1 =	vimm.s32 $0x0  }
0xb2: {  	v1 =	vsel vm0, $0xFFFFFFFF, v1  }
0xb3: {  	vm0 =	vgt.f32 v37, v26;
	[tilespmem:$0x1FE40] =	vst v1;
	v1 =	vimm.s32 $0x0  }
0xb4: {  	v1 =	vsel vm0, $0xFFFFFFFF, v1  }
0xb5: {  	vm0 =	vgt.f32 v35, v43;
	[tilespmem:$0x1FE50] =	vst v1;
	v1 =	vimm.s32 $0x0  }
0xb6: {  	v1 =	vsel vm0, $0xFFFFFFFF, v1  }
0xb7: {  	vm0 =	veq.f32 v43, v37;
	[tilespmem:$0x1FE60] =	vst v1;
	v1 =	vimm.s32 $0x0  }
0xb8: {  	v1 =	vsel vm0, $0xFFFFFFFF, v1  }
0xb9: {  	vm0 =	veq.f32 v43, v35;
	[tilespmem:$0x1FE70] =	vst v1;
	v1 =	vimm.s32 $0x0  }
0xba: {  	v1 =	vsel vm0, $0xFFFFFFFF, v1  }
0xbb: {  	vm0 =	veq.f32 v43, v32;
	[tilespmem:$0x1FE80] =	vst v1;
	v1 =	vimm.s32 $0x0  }
0xbc: {  	v1 =	vsel vm0, $0xFFFFFFFF, v1  }
0xbd: {  	vm0 =	veq.f32 v43, v28;
	[tilespmem:$0x1FE90] =	vst v1;
	v1 =	vimm.s32 $0x0  }
0xbe: {  	v1 =	vsel vm0, $0xFFFFFFFF, v1  }
0xbf: {  	vm0 =	veq.f32 v43, v26;
	[tilespmem:$0x1FEA0] =	vst v1;
	v1 =	vimm.s32 $0x0  }
0xc0: {  	v1 =	vsel vm0, $0xFFFFFFFF, v1  }
0xc1: {  	vm0 =	vgt.f32 v43, v35;
	[tilespmem:$0x1FEB0] =	vst v1;
	v1 =	vimm.s32 $0x0  }
0xc2: {  	v1 =	vsel vm0, $0xFFFFFFFF, v1  }
0xc3: {  	vm0 =	vgt.f32 v43, v32;
	[tilespmem:$0x1FEC0] =	vst v1;
	v1 =	vimm.s32 $0x0  }
0xc4: {  	v1 =	vsel vm0, $0xFFFFFFFF, v1  }
0xc5: {  	vm0 =	vgt.f32 v37, v49;
	[tilespmem:$0x1FED0] =	vst v1;
	v1 =	vimm.s32 $0x0  }
0xc6: {  	v1 =	vsel vm0, $0xFFFFFFFF, v1  }
0xc7: {  	vm0 =	vgt.f32 v43, v28;
	[tilespmem:$0x1FEE0] =	vst v1;
	v1 =	vimm.s32 $0x0  }
0xc8: {  	v1 =	vsel vm0, $0xFFFFFFFF, v1  }
0xc9: {  	vm0 =	vgt.f32 v43, v26;
	[tilespmem:$0x1FEF0] =	vst v1;
	v1 =	vimm.s32 $0x0  }
0xca: {  	v1 =	vsel vm0, $0xFFFFFFFF, v1  }
0xcb: {  	vm0 =	vgt.f32 v37, v50;
	[tilespmem:$0x1FF00] =	vst v1;
	v1 =	vimm.s32 $0x0  }
0xcc: {  	v1 =	vsel vm0, $0xFFFFFFFF, v1  }
0xcd: {  	vm7 =	veq.f32 v32, v26;
	vm0 =	veq.f32 v50, v43;
	[tilespmem:$0x1FF10] =	vst v1;
	v1 =	vimm.s32 $0x0  }
0xce: {  	v19 =	vsel vm7, $0x3F800000, v0;
	v1 =	vsel vm0, $0xFFFFFFFF, v1  }
0xcf: {  	vm7 =	vgt.f32 v26, v43;
	vm0 =	veq.f32 v50, v37;
	[tilespmem:$0x1FF20] =	vst v1;
	v1 =	vimm.s32 $0x0  }
0xd0: {  	v33 =	vsel vm7, $0x3F800000, v0;
	vm13 =	veq.f32 v50, v28;
	v1 =	vsel vm0, $0xFFFFFFFF, v1  }
0xd1: {  	vm15 =	vgt.f32 v50, v49;
	vm0 =	veq.f32 v50, v35;
	[tilespmem:$0x1FF30] =	vst v1;
	v1 =	vimm.s32 $0x0  }
0xd2: {  	vm12 =	vgt.f32 v43, v49;
	vm8 =	vgt.f32 v49, v50;
	v1 =	vsel vm0, $0xFFFFFFFF, v1  }
0xd3: {  	vm11 =	vgt.f32 v49, v43;
	vm0 =	veq.f32 v50, v32;
	[tilespmem:$0x1FF40] =	vst v1;
	v1 =	vimm.s32 $0x0  }
0xd4: {  	vm7 =	veq.f32 v49, v43;
	vm9 =	vgt.f32 v49, v37;
	v1 =	vsel vm0, $0xFFFFFFFF, v1  }
0xd5: {  	vm10 =	veq.f32 v49, v37;
	vm0 =	veq.f32 v50, v26;
	[tilespmem:$0x1FF50] =	vst v1;
	v1 =	vimm.s32 $0x0  }
0xd6: {  	[tilespmem:$0x1FD10] =	vst v57;
	vm14 =	veq.f32 v49, v28;
	v57 =	vmax.f32 v49, v50;
	v1 =	vsel vm0, $0xFFFFFFFF, v1  }
0xd7: {  	vm5 =	vgt.f32 v26, v35;
	vm3 =	vgt.f32 v50, v35;
	[tilespmem:$0x1FF60] =	vst v1;
	v1 =	vimm.s32 $0x0  }
0xd8: {  	v24 =	vsel vm5, $0x3F800000, v0;
	vm5 =	veq.f32 v35, v28;
	v1 =	vsel vm3, $0xFFFFFFFF, v1  }
0xd9: {  	v31 =	vsel vm5, $0x3F800000, v0;
	vm3 =	vgt.f32 v50, v32;
	[tilespmem:$0x1FF70] =	vst v1;
	v1 =	vimm.s32 $0x0  }
0xda: {  	vm5 =	veq.f32 v49, v50;
	vm4 =	vgt.f32 v32, v26;
	v1 =	vsel vm3, $0xFFFFFFFF, v1  }
0xdb: {  	v23 =	vsel vm4, $0x3F800000, v0;
	vm3 =	vgt.f32 v50, v28;
	[tilespmem:$0x1FF80] =	vst v1;
	v1 =	vimm.s32 $0x0  }
0xdc: {  	[tilespmem:$0x1FC30] =	vst v5;
	vm4 =	veq.f32 v49, v35;
	vm6 =	vgt.f32 v49, v32;
	v1 =	vsel vm3, $0xFFFFFFFF, v1  }
0xdd: {  	vm2 =	vgt.f32 v26, v49;
	vm3 =	vgt.f32 v50, v26;
	[tilespmem:$0x1FF90] =	vst v1;
	v1 =	vimm.s32 $0x0  }
0xde: {  	[tilespmem:$0x1FC50] =	vst v47;
	v42 =	vsel vm2, $0x3F800000, v0;
	vm1 =	vgt.f32 v28, v50;
	v1 =	vsel vm3, $0xFFFFFFFF, v1  }
0xdf: {  	v44 =	vsel vm1, $0x3F800000, v0;
	vm1 =	vgt.f32 v32, v43;
	[tilespmem:$0x1FFA0] =	vst v1;
	v1 =	vimm.s32 $0x0  }
0xe0: {  	[tilespmem:$0x1FC70] =	vst v48;
	vm2 =	vgt.f32 v28, v43;
	v47 =	vsel vm1, $0x3F800000, v0;
	v1 =	vsel vm6, $0xFFFFFFFF, v1  }
0xe1: {  	vm1 =	vgt.f32 v37, v35;
	vm6 =	veq.f32 v49, v32;
	[tilespmem:$0x1FFB0] =	vst v1;
	v1 =	vimm.s32 $0x0  }
0xe2: {  	[tilespmem:$0x1FCC0] =	vst v52;
	v38 =	vsel vm2, $0x3F800000, v0;
	v46 =	vsel vm1, $0x3F800000, v0;
	v1 =	vsel vm6, $0xFFFFFFFF, v1  }
0xe3: {  	vm1 =	vgt.f32 v32, v49;
	vm6 =	vgt.f32 v49, v28;
	[tilespmem:$0x1FFC0] =	vst v1;
	v1 =	vimm.s32 $0x0  }
0xe4: {  	[tilespmem:$0x1FCF0] =	vst v55;
	vm2 =	vgt.f32 v28, v49;
	v54 =	vsel vm1, $0x3F800000, v0;
	v1 =	vsel vm6, $0xFFFFFFFF, v1  }
0xe5: {  	vm1 =	vgt.f32 v35, v50;
	vm6 =	vgt.f32 v49, v26;
	[tilespmem:$0x1FFD0] =	vst v1;
	v1 =	vimm.s32 $0x0  }
0xe6: {  	[tilespmem:$0x1FD40] =	vst v59;
	v48 =	vsel vm2, $0x3F800000, v0;
	v55 =	vsel vm1, $0x3F800000, v0;
	v1 =	vsel vm6, $0xFFFFFFFF, v1  }
0xe7: {  	vm1 =	vgt.f32 v43, v37;
	vm6 =	veq.f32 v49, v26;
	[tilespmem:$0x1FFE0] =	vst v1;
	v1 =	vimm.s32 $0x0  }
0xe8: {  	[tilespmem:s17+$0x800] =	vst v63;
	vm2 =	vgt.f32 v50, v37;
	v52 =	vsel vm1, $0x3F800000, v0;
	v1 =	vsel vm6, $0xFFFFFFFF, v1  }
0xe9: {  	s19 =	simm.s32 $0xFFFFFE80;
	vm1 =	vgt.f32 v50, v43;
	vm0 =	vgt.f32 v43, v50;
	vm3 =	vgt.f32 v49, v35;
	[tilespmem:$0x1FFF0] =	vst v1  }
.LBB2_2:
0xea: {  	v1 =	vimm.s32 $0x0  }
0xeb: {  	v1 =	vsel vm13, $0xFFFFFFFF, v1  }
0xec: {  	[tilespmem:$0x1F9E0] =	vst v1;
	v1 =	vld [tilespmem:$0x1FDC0];
	_ =	sdelay $0x4  }
0xed: {  	vm6 =	vnez.u8 v1;
	v1 =	vimm.s32 $0x0  }
0xee: {  	v1 =	vsel vm6, $0xFFFFFFFF, v1  }
0xef: {  	[tilespmem:$0x1FDC0] =	vst v1;
	v1 =	vld [tilespmem:$0x1FEE0];
	_ =	sdelay $0x4  }
0xf0: {  	vm6 =	vnez.u8 v1;
	v1 =	vld [tilespmem:$0x1FF10];
	_ =	sdelay $0x4  }
0xf1: {  	v58 =	vsel vm6, $0x3F800000, v0;
	vm6 =	vnez.u8 v1;
	v1 =	vld [tilespmem:$0x1FF20];
	_ =	sdelay $0x4  }
0xf2: {  	v59 =	vsel vm6, $0x3F800000, v0;
	vm6 =	vnez.u8 v1;
	v1 =	vld [tilespmem:$0x1FC30];
	_ =	sdelay $0x4  }
0xf3: {  	v60 =	vsel vm6, $0x3F800000, v0;
	vm6 =	vnez.u8 v1  }
0xf4: {  	v1 =	vimm.s32 $0x0;
	vm13 =	vmmov vm6  }
0xf5: {  	v1 =	vsel vm13, $0xFFFFFFFF, v1  }
0xf6: {  	[tilespmem:$0x1F9F0] =	vst v1;
	v1 =	vld [tilespmem:$0x1FC40];
	_ =	sdelay $0x4  }
0xf7: {  	vm6 =	vnez.u8 v1;
	v1 =	vld [tilespmem:$0x1FF30];
	_ =	sdelay $0x4  }
0xf8: {  	vm13 =	vmmov vm6;
	vm6 =	vnez.u8 v1;
	v1 =	vld [tilespmem:$0x1FF70];
	_ =	sdelay $0x3  }
0xf9: {  	v61 =	vsel vm15, $0x3F800000, v0;
	v62 =	vsel vm12, $0x3F800000, v0;
	v57 =	vmax.f32 v57, v43  }
0xfa: {  	v8 =	vsel vm0, $0x3F800000, v0;
	v57 =	vmax.f32 v57, v37;
	vm0 =	vnez.u8 v1;
	v1 =	vld [tilespmem:$0x1FF80]  }
0xfb: {  	v10 =	vsel vm1, $0x3F800000, v0;
	v12 =	vsel vm8, $0x3F800000, v0;
	v57 =	vmax.f32 v57, v35  }
0xfc: {  	v15 =	vsel vm5, $0x3F800000, v0;
	v17 =	vsel vm11, $0x3F800000, v0;
	v57 =	vmax.f32 v57, v32  }
0xfd: {  	v18 =	vsel vm7, $0x3F800000, v0;
	v2 =	vsel vm10, $0x3F800000, v0;
	v57 =	vmax.f32 v57, v28  }
0xfe: {  	v3 =	vsel vm3, $0x3F800000, v0;
	v12 =	vadd.f32 v15, v12;
	v15 =	vmax.f32 v57, v26  }
0xff: {  	v13 =	vsel vm0, $0x3F800000, v0;
	vm0 =	vnez.u8 v1;
	v1 =	vsel vm9, $0x3F800000, v0  }
0x100: {  	v4 =	vsel vm4, $0x3F800000, v0;
	v1 =	vadd.f32 v2, v1;
	v2 =	vsub.f32 v49, v15  }
0x101: {  	v5 =	vld [tilespmem:$0x1FFB0];
	v9 =	vsel vm14, $0x3F800000, v0;
	v17 =	vadd.f32 v18, v17;
	v18 =	vsub.f32 v50, v15  }
0x102: {  	v6 =	vld [tilespmem:$0x1FFC0];
	v61 =	vadd.f32 v62, v61;
	v3 =	vadd.f32 v4, v3;
	v2 =	vmul.f32 $1.442695020e+00, v2  }
0x103: {  	v7 =	vld [tilespmem:$0x1FFD0];
	v8 =	vadd.f32 v8, v12;
	v62 =	vsub.f32 v43, v15;
	v57 =	vmul.f32 $1.442695020e+00, v18  }
0x104: {  	v10 =	vadd.f32 v17, v10;
	v35 =	vsub.f32 v35, v15;
	(erf) = vpow2.f32 v2  }
0x105: {  	v12 =	vsub.f32 v37, v15;
	v2 =	vmul.f32 $1.442695020e+00, v62;
	(erf) = vpow2.f32 v57  }
0x106: {  	v43 =	vmul.f32 $1.442695020e+00, v35;
	v14 =	vsel vm0, $0x3F800000, v0;
	vm0 =	vnez.u8 v5;
	v49 =	vld [tilespmem:$0x1FFE0]  }
0x107: {  	v50 =	vld [tilespmem:$0x1FFF0];
	v5 =	vsel vm0, $0x3F800000, v0;
	vm0 =	vnez.u8 v6;
	(erf) = vpow2.f32 v2  }
0x108: {  	v3 =	vadd.f32 v3, v13;
	v13 =	vld [tilespmem:$0x1FF90];
	v6 =	vsel vm0, $0x3F800000, v0;
	vm0 =	vnez.u8 v7  }
0x109: {  	v18 =	vadd.f32 v58, v61;
	v58 =	vsub.f32 v28, v15;
	v7 =	vsel vm0, $0x3F800000, v0  }
0x10a: {  	v37 =	vld [tilespmem:$0x1FFA0];
	v5 =	vadd.f32 v6, v5;
	v7 =	vadd.f32 v9, v7;
	v9 =	vmul.f32 $1.442695020e+00, v12  }
0x10b: {  	v62 =	vsub.f32 v26, v15;
	vm0 =	vnez.u8 v49;
	v49 =	vsub.f32 v32, v15  }
0x10c: {  	v4 =	vsel vm0, $0x3F800000, v0;
	vm0 =	vnez.u8 v50;
	v50 =	vadd.f32 v56, v18;
	v56 =	vld [tilespmem:$0x1FF40]  }
0x10d: {  	v61 =	vld [tilespmem:$0x1FF50];
	v2 =	vadd.f32 v5, v14;
	v6 =	vsel vm0, $0x3F800000, v0;
	vm0 =	vnez.u8 v13;
	v14 =	vpop (erf)  }
0x10e: {  	v32 =	vld [tilespmem:$0x1F9E0];
	(erf) = vpow2.f32 v9;
	v57 =	vmul.f32 $1.442695020e+00, v49;
	v4 =	vadd.f32 v6, v4;
	v35 =	vpop (erf)  }
0x10f: {  	v6 =	vsel vm0, $0x3F800000, v0;
	vm0 =	vnez.u8 v37;
	v37 =	vld [tilespmem:$0x1FF60];
	v15 =	vadd.f32 v35, v14  }
0x110: {  	(erf) = vpow2.f32 v43;
	v50 =	vadd.f32 v54, v50;
	v54 =	vld [tilespmem:$0x1FEC0];
	v5 =	vadd.f32 v7, v6;
	v43 =	vpop (erf)  }
0x111: {  	v6 =	vsel vm0, $0x3F800000, v0;
	vm0 =	vnez.u8 v56;
	v49 =	vadd.f32 v15, v43;
	v15 =	vld [tilespmem:$0x1FED0]  }
0x112: {  	v12 =	vsel vm0, $0x3F800000, v0;
	vm0 =	vnez.u8 v61  }
0x113: {  	v60 =	vadd.f32 v10, v60;
	v10 =	vsel vm0, $0x3F800000, v0;
	vm0 =	vnez.u8 v32  }
0x114: {  	v4 =	vadd.f32 v4, v6;
	v6 =	vsel vm0, $0x3F800000, v0;
	vm0 =	vnez.u8 v37  }
0x115: {  	v5 =	vadd.f32 v5, v6;
	v6 =	vsel vm0, $0x3F800000, v0;
	vm0 =	vnez.u8 v54  }
0x116: {  	v2 =	vadd.f32 v2, v10;
	v9 =	vsel vm0, $0x3F800000, v0;
	vm0 =	vnez.u8 v15  }
0x117: {  	v56 =	vld [tilespmem:$0x1FEF0];
	v15 =	vsel vm0, $0x3F800000, v0  }
0x118: {  	v2 =	vadd.f32 v2, v15;
	v15 =	vld [tilespmem:$0x1FF00];
	_ =	sdelay $0x3  }
0x119: {  	vm0 =	vnez.u8 v56  }
0x11a: {  	v4 =	vadd.f32 v4, v6;
	v26 =	vsel vm0, $0x3F800000, v0;
	vm0 =	vnez.u8 v15  }
0x11b: {  	v18 =	vld [tilespmem:$0x1FE60];
	v15 =	vsel vm0, $0x3F800000, v0  }
0x11c: {  	v11 =	vsel vm2, $0x3F800000, v0;
	v4 =	vadd.f32 v4, v15;
	v15 =	vld [tilespmem:$0x1FE70]  }
0x11d: {  	v1 =	vadd.f32 v1, v11  }
0x11e: {  	v63 =	vsel vm6, $0x3F800000, v0  }
0x11f: {  	v1 =	vadd.f32 v1, v63  }
0x120: {  	v59 =	vadd.f32 v59, v8;
	v8 =	vadd.f32 v60, v53;
	vm0 =	vnez.u8 v18  }
0x121: {  	v1 =	vadd.f32 v1, v52;
	v18 =	vsel vm0, $0x3F800000, v0;
	vm0 =	vnez.u8 v15  }
0x122: {  	v8 =	vadd.f32 v8, v18;
	v18 =	vld [tilespmem:$0x1FE80];
	v15 =	vsel vm0, $0x3F800000, v0  }
0x123: {  	v1 =	vadd.f32 v1, v15;
	v15 =	vld [tilespmem:$0x1FE90];
	_ =	sdelay $0x3  }
0x124: {  	vm0 =	vnez.u8 v18  }
0x125: {  	v28 =	vsel vm0, $0x3F800000, v0;
	vm0 =	vnez.u8 v15  }
0x126: {  	v15 =	vsel vm0, $0x3F800000, v0  }
0x127: {  	v2 =	vadd.f32 v2, v15;
	v15 =	vld [tilespmem:$0x1FEA0]  }
0x128: {  	v11 =	vmul.f32 $1.442695020e+00, v58;
	(erf) = vpow2.f32 v57;
	_ =	sdelay $0x1  }
0x129: {  	v17 =	vmul.f32 $1.442695020e+00, v62;
	(erf) = vpow2.f32 v11;
	_ =	sdelay $0x1  }
0x12a: {  	(erf) = vpow2.f32 v17;
	v5 =	vadd.f32 v5, v26;
	vm0 =	vnez.u8 v15  }
0x12b: {  	v7 =	vadd.f32 v55, v59;
	v3 =	vadd.f32 v3, v12;
	v55 =	vpop (erf);
	v15 =	vsel vm0, $0x3F800000, v0  }
0x12c: {  	v11 =	vadd.f32 v49, v55;
	v5 =	vadd.f32 v5, v15;
	v15 =	vld [tilespmem:$0x1FEB0]  }
0x12d: {  	v17 =	vpop (erf)  }
0x12e: {  	v3 =	vadd.f32 v3, v9;
	v11 =	vadd.f32 v11, v17  }
0x12f: {  	v57 =	vpop (erf)  }
0x130: {  	v11 =	vadd.f32 v11, v57;
	v3 =	vadd.f32 v3, v28;
	v28 =	vld [tilespmem:$0x1FE30]  }
0x131: {  	v58 =	vld [tilespmem:$0x1FE40];
	v26 =	vpop (erf);
	vm0 =	vnez.u8 v15  }
0x132: {  	v59 =	vld [tilespmem:$0x1FE50];
	v11 =	vadd.f32 v11, v26;
	v15 =	vsel vm0, $0x3F800000, v0  }
0x133: {  	v18 =	vpop (erf);
	v4 =	vadd.f32 v4, v15;
	v15 =	vld [tilespmem:$0x1FE00]  }
0x134: {  	v11 =	vadd.f32 v11, v18  }
0x135: {  	v7 =	vadd.f32 v51, v7;
	vm0 =	vnez.u8 v28  }
0x136: {  	(erf) = vrcp.f32 v11;
	v28 =	vsel vm0, $0x3F800000, v0;
	vm0 =	vnez.u8 v58  }
0x137: {  	v11 =	vsel vm0, $0x3F800000, v0;
	v2 =	vadd.f32 v2, v28;
	vm0 =	vnez.u8 v59  }
0x138: {  	v5 =	vadd.f32 v5, v11;
	v11 =	vsel vm0, $0x3F800000, v0;
	vm0 =	vnez.u8 v15  }
0x139: {  	v60 =	vld [tilespmem:$0x1FE10];
	v15 =	vsel vm0, $0x3F800000, v0  }
0x13a: {  	v7 =	vadd.f32 v44, v7;
	v2 =	vadd.f32 v2, v15;
	v15 =	vld [tilespmem:$0x1FE20]  }
0x13b: {  	v6 =	vadd.f32 v48, v50;
	v8 =	vadd.f32 v8, v47  }
0x13c: {  	v7 =	vadd.f32 v40, v7;
	v28 =	vld [tilespmem:$0x1FDD0]  }
0x13d: {  	v6 =	vadd.f32 v42, v6;
	v8 =	vadd.f32 v8, v38  }
0x13e: {  	v61 =	vld [tilespmem:$0x1FDE0];
	v1 =	vadd.f32 v1, v45;
	v3 =	vadd.f32 v3, v46;
	vm0 =	vnez.u8 v60  }
0x13f: {  	v4 =	vadd.f32 v4, v11;
	v11 =	vsel vm0, $0x3F800000, v0;
	vm0 =	vnez.u8 v15  }
0x140: {  	v1 =	vadd.f32 v1, v39;
	v3 =	vadd.f32 v3, v41;
	v15 =	vsel vm0, $0x3F800000, v0  }
0x141: {  	v8 =	vadd.f32 v8, v33;
	vm0 =	vnez.u8 v28;
	v4 =	vadd.f32 v4, v15;
	v15 =	vld [tilespmem:$0x1FDF0]  }
0x142: {  	v1 =	vadd.f32 v1, v36;
	v3 =	vadd.f32 v3, v34;
	v28 =	vsel vm0, $0x3F800000, v0  }
0x143: {  	v62 =	vld [tilespmem:$0x1FDC0];
	v5 =	vadd.f32 v5, v11;
	vm0 =	vnez.u8 v61;
	v2 =	vadd.f32 v2, v28  }
0x144: {  	v1 =	vadd.f32 v1, v27;
	v3 =	vadd.f32 v3, v29;
	v11 =	vsel vm0, $0x3F800000, v0  }
0x145: {  	vm1 =	vlt.f32 v7, $1.500000000e+00;
	v5 =	vadd.f32 v5, v11;
	v2 =	vadd.f32 v2, v30  }
0x146: {  	vm4 =	vlt.f32 v1, $1.500000000e+00;
	v3 =	vadd.f32 v3, v24;
	vm0 =	vnez.u8 v15;
	v15 =	vpop (erf)  }
0x147: {  	v5 =	vadd.f32 v5, v31;
	v2 =	vadd.f32 v2, v25;
	v14 =	vmul.f32 v15, v14  }
0x148: {  	v28 =	vsel vm0, $0x3F800000, v0;
	vm0 =	vnez.u8 v62;
	v63 =	vmul.f32 v15, v35  }
0x149: {  	v32 =	vmul.f32 v15, v43;
	v5 =	vadd.f32 v5, v22;
	v12 =	vadd.f32 $0.0e+00, v14  }
0x14a: {  	v4 =	vadd.f32 v4, v28;
	v11 =	vsel vm0, $0x3F800000, v0;
	vm0 =	vlt.f32 v6, $1.500000000e+00  }
0x14b: {  	v41 =	vld [tilespmem:$0x1FDA0];
	v1 =	vadd.f32 v2, v21;
	v34 =	vnsel vm1, $0x0, v63;
	v33 =	vnsel vm0, $0x0, v12  }
0x14c: {  	vm2 =	vlt.f32 v8, $1.500000000e+00;
	v43 =	vld [tilespmem:$0x1FD80];
	v4 =	vadd.f32 v4, v11;
	v35 =	vadd.f32 v33, v34  }
0x14d: {  	v36 =	vmul.f32 v15, v55;
	v37 =	vnsel vm2, $0x0, v32;
	vm6 =	vlt.f32 v1, $1.500000000e+00;
	v1 =	vld [tilespmem:$0x1FDB0]  }
0x14e: {  	v4 =	vadd.f32 v4, v23;
	v2 =	vadd.f32 v35, v37  }
0x14f: {  	v38 =	vmul.f32 v15, v17;
	v5 =	vadd.f32 v5, v20;
	v39 =	vnsel vm4, $0x0, v36  }
0x150: {  	vm5 =	vlt.f32 v3, $1.500000000e+00;
	v3 =	vadd.f32 v4, v19;
	v2 =	vadd.f32 v2, v39  }
0x151: {  	v40 =	vmul.f32 v15, v57;
	v42 =	vnsel vm5, $0x0, v38;
	v5 =	vadd.f32 v5, v41  }
0x152: {  	v53 =	vld [tilespmem:$0x1FCA0];
	vm3 =	vnez.u8 v43;
	v1 =	vadd.f32 v3, v1;
	v2 =	vadd.f32 v2, v42  }
0x153: {  	v54 =	vld [tilespmem:$0x1FCC0];
	v45 =	vnsel vm6, $0x0, v40;
	v9 =	vsel vm3, $0x3F800000, v0;
	v3 =	vmul.f32 v15, v26  }
0x154: {  	v49 =	vld [tilespmem:$0x1FC50];
	vm3 =	vlt.f32 v5, $1.500000000e+00;
	v1 =	vadd.f32 v1, v9;
	v2 =	vadd.f32 v2, v45  }
0x155: {  	v56 =	vld [tilespmem:$0x1FD10];
	v47 =	vimm.s32 $0x0;
	v46 =	vmul.f32 v15, v18;
	v48 =	vnsel vm3, $0x0, v3  }
0x156: {  	v58 =	vld [tilespmem:$0x1FCE0];
	v9 =	vsel vm3, $0xFFFFFFFF, v47;
	vm3 =	vlt.f32 v1, $1.500000000e+00;
	v1 =	vadd.f32 v2, v48  }
0x157: {  	v57 =	vld [tilespmem:$0x1FC90];
	v52 =	vnsel vm3, $0x0, v46  }
0x158: {  	v2 =	vld [tilespmem:$0x1FC70];
	v1 =	vadd.f32 v1, v52  }
0x159: {  	v55 =	vld [tilespmem:$0x1FCF0]  }
0x15a: {  	v44 =	vimm.s32 $0x0;
	(erf) = vrcp.f32 v1;
	v1 =	vld [tilespmem:$0x1FD30]  }
0x15b: {  	v11 =	vsel vm6, $0xFFFFFFFF, v44;
	v60 =	vmov v3;
	v3 =	vld [tilespmem:$0x1FD70]  }
0x15c: {  	v61 =	vld [tilespmem:$0x1FD90];
	[tilespmem:$0x1FC30] =	vst v11;
	v11 =	vmul.f32 v16, v49  }
0x15d: {  	v62 =	vld [tilespmem:$0x1F9F0];
	vm6 =	vnez.u8 v57;
	v2 =	vmul.f32 v16, v2  }
0x15e: {  	v8 =	vnsel vm6, $0x0, v11;
	vm6 =	vnez.u8 v58;
	[tilespmem:$0x1FC40] =	vst v9;
	v9 =	vmul.f32 v16, v53  }
0x15f: {  	v12 =	vmul.f32 v16, v54;
	v2 =	vnsel vm6, $0x0, v2;
	vm6 =	vnez.u8 v1  }
0x160: {  	s20 =	sshra.s32 s19, $0x2;
	v6 =	vmul.f32 v16, v55;
	v1 =	vnsel vm6, $0x0, v9;
	vm6 =	vnez.u8 v3  }
0x161: {  	v7 =	vmul.f32 v16, v56;
	v26 =	vld [tilespmem:s20+$0x400];
	[tilespmem:s17+$0x480] =	vst v8;
	v3 =	vnsel vm6, $0x0, v12;
	vm6 =	vnez.u8 v61  }
0x162: {  	v28 =	vld [tilespmem:s20+$0x380];
	[tilespmem:s17+$0x500] =	vst v2;
	v4 =	vnsel vm6, $0x0, v6;
	vm6 =	vnez.u8 v62  }
0x163: {  	v15 =	vmovc v32;
	v32 =	vld [tilespmem:s20+$0x300];
	[tilespmem:s17+$0x580] =	vst v1;
	v1 =	vimm.s32 $0x0;
	v6 =	vnsel vm6, $0x0, v7;
	vm6 =	vmmov vm0  }
0x164: {  	v1 =	vsel vm6, $0xFFFFFFFF, v1  }
0x165: {  	[tilespmem:$0x1FC90] =	vst v1;
	v1 =	vld [tilespmem:$0x1FCB0];
	_ =	sdelay $0x4  }
0x166: {  	v1 =	vadd.f32 v15, v1;
	_ =	sdelay $0x1  }
0x167: {  	[tilespmem:$0x1FCB0] =	vst v1;
	v1 =	vld [tilespmem:$0x1FCD0];
	_ =	sdelay $0x3  }
0x168: {  	v17 =	vmov v36  }
0x169: {  	v1 =	vadd.f32 v17, v1;
	_ =	sdelay $0x1  }
0x16a: {  	vm0 =	vmmov vm1;
	[tilespmem:$0x1FCD0] =	vst v1;
	v1 =	vimm.s32 $0x0  }
0x16b: {  	v1 =	vsel vm0, $0xFFFFFFFF, v1  }
0x16c: {  	[tilespmem:$0x1FCE0] =	vst v1;
	v1 =	vld [tilespmem:$0x1FD00];
	_ =	sdelay $0x3  }
0x16d: {  	v18 =	vmov v38  }
0x16e: {  	v1 =	vadd.f32 v18, v1  }
0x16f: {  	v59 =	vld [tilespmem:$0x1FD40]  }
0x170: {  	[tilespmem:$0x1FD00] =	vst v1;
	v1 =	vld [tilespmem:$0x1FD20];
	_ =	sdelay $0x3  }
0x171: {  	v10 =	vmul.f32 v16, v59;
	v16 =	vmov v40  }
0x172: {  	v1 =	vadd.f32 v16, v1;
	_ =	sdelay $0x1  }
0x173: {  	vm0 =	vmmov vm2;
	[tilespmem:$0x1FD20] =	vst v1;
	v1 =	vimm.s32 $0x0  }
0x174: {  	v1 =	vsel vm0, $0xFFFFFFFF, v1  }
0x175: {  	[tilespmem:$0x1FD30] =	vst v1;
	v1 =	vld [tilespmem:$0x1FD50];
	_ =	sdelay $0x4  }
0x176: {  	v1 =	vadd.f32 v60, v1;
	_ =	sdelay $0x1  }
0x177: {  	[tilespmem:$0x1FD50] =	vst v1;
	v1 =	vld [tilespmem:$0x1FD60];
	_ =	sdelay $0x4  }
0x178: {  	v1 =	vadd.f32 v46, v1;
	_ =	sdelay $0x1  }
0x179: {  	vm0 =	vmmov vm4;
	[tilespmem:$0x1FD60] =	vst v1;
	v1 =	vimm.s32 $0x0  }
0x17a: {  	v1 =	vsel vm0, $0xFFFFFFFF, v1  }
0x17b: {  	vm0 =	vgt.f32 v26, v28;
	[tilespmem:$0x1FD70] =	vst v1;
	v1 =	vimm.s32 $0x0  }
0x17c: {  	v1 =	vsel vm0, $0xFFFFFFFF, v1  }
0x17d: {  	vm0 =	veq.f32 v28, v26;
	[tilespmem:$0x1FA00] =	vst v1;
	v1 =	vimm.s32 $0x0  }
0x17e: {  	v1 =	vsel vm0, $0xFFFFFFFF, v1  }
0x17f: {  	vm0 =	vmmov vm5;
	[tilespmem:$0x1FD80] =	vst v1;
	v1 =	vimm.s32 $0x0  }
0x180: {  	v1 =	vsel vm0, $0xFFFFFFFF, v1  }
0x181: {  	vm0 =	vgt.f32 v26, v32;
	[tilespmem:$0x1FD90] =	vst v1;
	v1 =	vimm.s32 $0x0  }
0x182: {  	v35 =	vld [tilespmem:s20+$0x280];
	v1 =	vsel vm0, $0xFFFFFFFF, v1  }
0x183: {  	vm0 =	veq.f32 v32, v28;
	[tilespmem:$0x1FA20] =	vst v1;
	v1 =	vimm.s32 $0x0  }
0x184: {  	v1 =	vsel vm0, $0xFFFFFFFF, v1  }
0x185: {  	vm0 =	vgt.f32 v28, v26;
	[tilespmem:$0x1FA30] =	vst v1;
	v1 =	vimm.s32 $0x0  }
0x186: {  	[tilespmem:s17+$0x600] =	vst v3;
	v1 =	vsel vm0, $0xFFFFFFFF, v1  }
0x187: {  	v2 =	vld [tilespmem:$0x1FC60];
	vm0 =	vgt.f32 v26, v35;
	[tilespmem:$0x1FA10] =	vst v1;
	v1 =	vimm.s32 $0x0  }
0x188: {  	v37 =	vld [tilespmem:s20+$0x200];
	v1 =	vsel vm0, $0xFFFFFFFF, v1  }
0x189: {  	vm0 =	vgt.f32 v28, v32;
	[tilespmem:$0x1FA50] =	vst v1;
	v1 =	vimm.s32 $0x0  }
0x18a: {  	v1 =	vsel vm0, $0xFFFFFFFF, v1  }
0x18b: {  	v50 =	vmov v14;
	vm0 =	veq.f32 v32, v26;
	[tilespmem:$0x1FA60] =	vst v1;
	v1 =	vimm.s32 $0x0  }
0x18c: {  	v2 =	vadd.f32 v50, v2;
	[tilespmem:s17+$0x680] =	vst v4;
	v1 =	vsel vm0, $0xFFFFFFFF, v1  }
0x18d: {  	vm0 =	vgt.f32 v26, v37;
	[tilespmem:$0x1FA40] =	vst v1;
	v1 =	vimm.s32 $0x0  }
0x18e: {  	[tilespmem:$0x1FC60] =	vst v2;
	v1 =	vsel vm0, $0xFFFFFFFF, v1  }
0x18f: {  	v2 =	vld [tilespmem:$0x1FC80];
	vm0 =	vgt.f32 v32, v28;
	[tilespmem:$0x1FA80] =	vst v1;
	v1 =	vimm.s32 $0x0  }
0x190: {  	[tilespmem:s17+$0x700] =	vst v6;
	v1 =	vsel vm0, $0xFFFFFFFF, v1  }
0x191: {  	v43 =	vld [tilespmem:s20+$0x180];
	vm0 =	vgt.f32 v32, v26;
	[tilespmem:$0x1FA70] =	vst v1;
	v1 =	vimm.s32 $0x0  }
0x192: {  	v1 =	vsel vm0, $0xFFFFFFFF, v1  }
0x193: {  	v51 =	vmov v63;
	vm0 =	vgt.f32 v28, v35;
	[tilespmem:$0x1FAA0] =	vst v1;
	v1 =	vimm.s32 $0x0  }
0x194: {  	v2 =	vadd.f32 v51, v2;
	v1 =	vsel vm0, $0xFFFFFFFF, v1  }
0x195: {  	vm0 =	veq.f32 v35, v32;
	[tilespmem:$0x1FA90] =	vst v1;
	v1 =	vimm.s32 $0x0  }
0x196: {  	[tilespmem:$0x1FC80] =	vst v2;
	v2 =	vimm.s32 $0x0;
	v1 =	vsel vm0, $0xFFFFFFFF, v1;
	vm0 =	vgt.f32 v26, v43  }
0x197: {  	v2 =	vsel vm0, $0xFFFFFFFF, v2  }
0x198: {  	vm0 =	veq.f32 v35, v28;
	[tilespmem:$0x1FAB0] =	vst v2;
	v2 =	vimm.s32 $0x0  }
0x199: {  	v2 =	vsel vm0, $0xFFFFFFFF, v2  }
0x19a: {  	vm0 =	veq.f32 v35, v26;
	[tilespmem:$0x1FAD0] =	vst v2;
	v2 =	vimm.s32 $0x0  }
0x19b: {  	[tilespmem:$0x1FC50] =	vst v50;
	v2 =	vsel vm0, $0xFFFFFFFF, v2  }
0x19c: {  	vm0 =	vgt.f32 v28, v37;
	[tilespmem:$0x1FDC0] =	vst v2;
	v2 =	vimm.s32 $0x0  }
0x19d: {  	[tilespmem:$0x1FD10] =	vst v16;
	v2 =	vsel vm0, $0xFFFFFFFF, v2  }
0x19e: {  	v63 =	vnsel vm13, $0x0, v10;
	vm0 =	vgt.f32 v32, v35;
	[tilespmem:$0x1FAF0] =	vst v2;
	v2 =	vimm.s32 $0x0  }
0x19f: {  	[tilespmem:s17+$0x780] =	vst v63;
	s17 =	smov.u32 s18;
	s18 =	smov.u32 s20;
	v2 =	vsel vm0, $0xFFFFFFFF, v2  }
0x1a0: {  	v49 =	vld [tilespmem:s18+$0x80];
	vm0 =	vgt.f32 v35, v32;
	[tilespmem:$0x1FB00] =	vst v2;
	v2 =	vimm.s32 $0x0  }
0x1a1: {  	v16 =	vpop (erf);
	[tilespmem:$0x1FAC0] =	vst v1;
	v2 =	vsel vm0, $0xFFFFFFFF, v2  }
0x1a2: {  	v50 =	vld [tilespmem:s18+$0x100];
	v1 =	vmul.f32 v16, v46;
	vm0 =	vgt.f32 v35, v28;
	[tilespmem:$0x1FDD0] =	vst v2;
	v2 =	vimm.s32 $0x0  }
0x1a3: {  	v2 =	vsel vm0, $0xFFFFFFFF, v2  }
0x1a4: {  	v1 =	vnsel vm3, $0x0, v1;
	vm0 =	vgt.f32 v35, v26;
	[tilespmem:$0x1FDE0] =	vst v2;
	v2 =	vimm.s32 $0x0  }
0x1a5: {  	[tilespmem:s17+$0x800] =	vst v1;
	v1 =	vimm.s32 $0x0;
	v2 =	vsel vm0, $0xFFFFFFFF, v2;
	vm0 =	vgt.f32 v26, v49  }
0x1a6: {  	v1 =	vsel vm0, $0xFFFFFFFF, v1  }
0x1a7: {  	vm0 =	vgt.f32 v26, v50;
	[tilespmem:$0x1FAE0] =	vst v1;
	v1 =	vimm.s32 $0x0  }
0x1a8: {  	v1 =	vsel vm0, $0xFFFFFFFF, v1  }
0x1a9: {  	vm0 =	vgt.f32 v28, v43;
	[tilespmem:$0x1FB10] =	vst v1;
	v1 =	vimm.s32 $0x0  }
0x1aa: {  	v1 =	vsel vm0, $0xFFFFFFFF, v1  }
0x1ab: {  	vm0 =	vgt.f32 v32, v37;
	[tilespmem:$0x1FB20] =	vst v1;
	v1 =	vimm.s32 $0x0  }
0x1ac: {  	v1 =	vsel vm0, $0xFFFFFFFF, v1  }
0x1ad: {  	vm0 =	veq.f32 v37, v35;
	[tilespmem:$0x1FB30] =	vst v1;
	v1 =	vimm.s32 $0x0  }
0x1ae: {  	v1 =	vsel vm0, $0xFFFFFFFF, v1  }
0x1af: {  	vm0 =	veq.f32 v37, v32;
	[tilespmem:$0x1FB60] =	vst v1;
	v1 =	vimm.s32 $0x0  }
0x1b0: {  	v1 =	vsel vm0, $0xFFFFFFFF, v1  }
0x1b1: {  	vm0 =	vgt.f32 v28, v49;
	[tilespmem:$0x1FE00] =	vst v1;
	v1 =	vimm.s32 $0x0  }
0x1b2: {  	v1 =	vsel vm0, $0xFFFFFFFF, v1  }
0x1b3: {  	vm0 =	veq.f32 v37, v28;
	[tilespmem:$0x1FB40] =	vst v1;
	v1 =	vimm.s32 $0x0  }
0x1b4: {  	v1 =	vsel vm0, $0xFFFFFFFF, v1  }
0x1b5: {  	vm0 =	veq.f32 v37, v26;
	[tilespmem:$0x1FE10] =	vst v1;
	v1 =	vimm.s32 $0x0  }
0x1b6: {  	v1 =	vsel vm0, $0xFFFFFFFF, v1  }
0x1b7: {  	vm0 =	vgt.f32 v28, v50;
	[tilespmem:$0x1FE20] =	vst v1;
	v1 =	vimm.s32 $0x0  }
0x1b8: {  	v1 =	vsel vm0, $0xFFFFFFFF, v1  }
0x1b9: {  	vm0 =	vgt.f32 v32, v43;
	[tilespmem:$0x1FB50] =	vst v1;
	v1 =	vimm.s32 $0x0  }
0x1ba: {  	v1 =	vsel vm0, $0xFFFFFFFF, v1  }
0x1bb: {  	vm0 =	vgt.f32 v35, v37;
	[tilespmem:$0x1FB70] =	vst v1;
	v1 =	vimm.s32 $0x0  }
0x1bc: {  	v1 =	vsel vm0, $0xFFFFFFFF, v1  }
0x1bd: {  	vm0 =	vgt.f32 v37, v35;
	[tilespmem:$0x1FB80] =	vst v1;
	v1 =	vimm.s32 $0x0  }
0x1be: {  	v1 =	vsel vm0, $0xFFFFFFFF, v1  }
0x1bf: {  	vm0 =	vgt.f32 v37, v32;
	[tilespmem:$0x1FB90] =	vst v1;
	v1 =	vimm.s32 $0x0  }
0x1c0: {  	v1 =	vsel vm0, $0xFFFFFFFF, v1  }
0x1c1: {  	vm0 =	vgt.f32 v37, v28;
	[tilespmem:$0x1FE30] =	vst v1;
	v1 =	vimm.s32 $0x0  }
0x1c2: {  	v1 =	vsel vm0, $0xFFFFFFFF, v1  }
0x1c3: {  	vm0 =	vgt.f32 v32, v49;
	[tilespmem:$0x1FE40] =	vst v1;
	v1 =	vimm.s32 $0x0  }
0x1c4: {  	v1 =	vsel vm0, $0xFFFFFFFF, v1  }
0x1c5: {  	vm0 =	vgt.f32 v32, v50;
	[tilespmem:$0x1FBB0] =	vst v1;
	v1 =	vimm.s32 $0x0  }
0x1c6: {  	v1 =	vsel vm0, $0xFFFFFFFF, v1  }
0x1c7: {  	vm0 =	vgt.f32 v37, v26;
	[tilespmem:$0x1FBC0] =	vst v1;
	v1 =	vimm.s32 $0x0  }
0x1c8: {  	v1 =	vsel vm0, $0xFFFFFFFF, v1  }
0x1c9: {  	vm0 =	vgt.f32 v35, v43;
	[tilespmem:$0x1FE50] =	vst v1;
	v1 =	vimm.s32 $0x0  }
0x1ca: {  	v1 =	vsel vm0, $0xFFFFFFFF, v1  }
0x1cb: {  	vm0 =	veq.f32 v43, v37;
	[tilespmem:$0x1FE60] =	vst v1;
	v1 =	vimm.s32 $0x0  }
0x1cc: {  	v1 =	vsel vm0, $0xFFFFFFFF, v1  }
0x1cd: {  	vm0 =	veq.f32 v43, v35;
	[tilespmem:$0x1FE70] =	vst v1;
	v1 =	vimm.s32 $0x0  }
0x1ce: {  	v1 =	vsel vm0, $0xFFFFFFFF, v1  }
0x1cf: {  	vm0 =	veq.f32 v43, v32;
	[tilespmem:$0x1FE80] =	vst v1;
	v1 =	vimm.s32 $0x0  }
0x1d0: {  	v1 =	vsel vm0, $0xFFFFFFFF, v1  }
0x1d1: {  	vm0 =	veq.f32 v43, v28;
	[tilespmem:$0x1FE90] =	vst v1;
	v1 =	vimm.s32 $0x0  }
0x1d2: {  	v1 =	vsel vm0, $0xFFFFFFFF, v1  }
0x1d3: {  	vm0 =	veq.f32 v43, v26;
	[tilespmem:$0x1FEA0] =	vst v1;
	v1 =	vimm.s32 $0x0  }
0x1d4: {  	v1 =	vsel vm0, $0xFFFFFFFF, v1  }
0x1d5: {  	vm0 =	vgt.f32 v35, v49;
	[tilespmem:$0x1FEB0] =	vst v1;
	v1 =	vimm.s32 $0x0  }
0x1d6: {  	v1 =	vsel vm0, $0xFFFFFFFF, v1  }
0x1d7: {  	vm0 =	vgt.f32 v35, v50;
	[tilespmem:$0x1FBA0] =	vst v1;
	v1 =	vimm.s32 $0x0  }
0x1d8: {  	v1 =	vsel vm0, $0xFFFFFFFF, v1  }
0x1d9: {  	vm0 =	vgt.f32 v37, v43;
	[tilespmem:$0x1FBD0] =	vst v1;
	v1 =	vimm.s32 $0x0  }
0x1da: {  	v1 =	vsel vm0, $0xFFFFFFFF, v1  }
0x1db: {  	vm0 =	vgt.f32 v43, v37;
	[tilespmem:$0x1FBE0] =	vst v1;
	v1 =	vimm.s32 $0x0  }
0x1dc: {  	v1 =	vsel vm0, $0xFFFFFFFF, v1  }
0x1dd: {  	vm0 =	vgt.f32 v43, v35;
	[tilespmem:$0x1FBF0] =	vst v1;
	v1 =	vimm.s32 $0x0  }
0x1de: {  	v1 =	vsel vm0, $0xFFFFFFFF, v1  }
0x1df: {  	vm0 =	vgt.f32 v43, v32;
	[tilespmem:$0x1FEC0] =	vst v1;
	v1 =	vimm.s32 $0x0  }
0x1e0: {  	v1 =	vsel vm0, $0xFFFFFFFF, v1  }
0x1e1: {  	vm0 =	vgt.f32 v37, v49;
	[tilespmem:$0x1FED0] =	vst v1;
	v1 =	vimm.s32 $0x0  }
0x1e2: {  	v1 =	vsel vm0, $0xFFFFFFFF, v1  }
0x1e3: {  	vm0 =	vgt.f32 v43, v28;
	[tilespmem:$0x1FEE0] =	vst v1;
	v1 =	vimm.s32 $0x0  }
0x1e4: {  	v1 =	vsel vm0, $0xFFFFFFFF, v1  }
0x1e5: {  	vm0 =	vgt.f32 v43, v26;
	[tilespmem:$0x1FEF0] =	vst v1;
	v1 =	vimm.s32 $0x0  }
0x1e6: {  	v1 =	vsel vm0, $0xFFFFFFFF, v1  }
0x1e7: {  	vm0 =	vgt.f32 v37, v50;
	[tilespmem:$0x1FF00] =	vst v1;
	v1 =	vimm.s32 $0x0  }
0x1e8: {  	v1 =	vsel vm0, $0xFFFFFFFF, v1  }
0x1e9: {  	vm0 =	veq.f32 v50, v43;
	[tilespmem:$0x1FF10] =	vst v1;
	v1 =	vimm.s32 $0x0  }
0x1ea: {  	v1 =	vsel vm0, $0xFFFFFFFF, v1  }
0x1eb: {  	vm0 =	veq.f32 v50, v37;
	[tilespmem:$0x1FF20] =	vst v1;
	v1 =	vimm.s32 $0x0  }
0x1ec: {  	v1 =	vsel vm0, $0xFFFFFFFF, v1  }
0x1ed: {  	vm0 =	veq.f32 v50, v35;
	[tilespmem:$0x1FF30] =	vst v1;
	v1 =	vimm.s32 $0x0  }
0x1ee: {  	v1 =	vsel vm0, $0xFFFFFFFF, v1  }
0x1ef: {  	vm0 =	veq.f32 v50, v32;
	[tilespmem:$0x1FF40] =	vst v1;
	v1 =	vimm.s32 $0x0  }
0x1f0: {  	v1 =	vsel vm0, $0xFFFFFFFF, v1  }
0x1f1: {  	vm0 =	veq.f32 v50, v26;
	[tilespmem:$0x1FF50] =	vst v1;
	v1 =	vimm.s32 $0x0  }
0x1f2: {  	v1 =	vsel vm0, $0xFFFFFFFF, v1  }
0x1f3: {  	vm3 =	vgt.f32 v50, v35;
	[tilespmem:$0x1FF60] =	vst v1;
	v1 =	vimm.s32 $0x0  }
0x1f4: {  	v1 =	vsel vm3, $0xFFFFFFFF, v1  }
0x1f5: {  	vm3 =	vgt.f32 v50, v32;
	[tilespmem:$0x1FF70] =	vst v1;
	v1 =	vimm.s32 $0x0  }
0x1f6: {  	v1 =	vsel vm3, $0xFFFFFFFF, v1  }
0x1f7: {  	vm3 =	vgt.f32 v50, v28;
	[tilespmem:$0x1FF80] =	vst v1;
	v1 =	vimm.s32 $0x0  }
0x1f8: {  	v1 =	vsel vm3, $0xFFFFFFFF, v1  }
0x1f9: {  	vm3 =	vgt.f32 v50, v26;
	[tilespmem:$0x1FF90] =	vst v1;
	v1 =	vimm.s32 $0x0  }
0x1fa: {  	v1 =	vsel vm3, $0xFFFFFFFF, v1  }
0x1fb: {  	vm6 =	vgt.f32 v49, v32;
	[tilespmem:$0x1FFA0] =	vst v1;
	v1 =	vimm.s32 $0x0  }
0x1fc: {  	v1 =	vsel vm6, $0xFFFFFFFF, v1  }
0x1fd: {  	vm6 =	veq.f32 v49, v32;
	[tilespmem:$0x1FFB0] =	vst v1;
	v1 =	vimm.s32 $0x0  }
0x1fe: {  	v1 =	vsel vm6, $0xFFFFFFFF, v1  }
0x1ff: {  	vm6 =	vgt.f32 v49, v28;
	[tilespmem:$0x1FFC0] =	vst v1;
	v1 =	vimm.s32 $0x0  }
0x200: {  	v1 =	vsel vm6, $0xFFFFFFFF, v1  }
0x201: {  	vm6 =	vgt.f32 v49, v26;
	[tilespmem:$0x1FFD0] =	vst v1;
	v1 =	vimm.s32 $0x0  }
0x202: {  	v1 =	vsel vm6, $0xFFFFFFFF, v1  }
0x203: {  	vm6 =	veq.f32 v49, v26;
	[tilespmem:$0x1FFE0] =	vst v1;
	v1 =	vimm.s32 $0x0  }
0x204: {  	v1 =	vsel vm6, $0xFFFFFFFF, v1  }
0x205: {  	[tilespmem:$0x1FFF0] =	vst v1;
	v1 =	vld [tilespmem:$0x1FA00];
	_ =	sdelay $0x4  }
0x206: {  	vm6 =	vnez.u8 v1  }
0x207: {  	v1 =	vsel vm6, $0x3F800000, v0  }
0x208: {  	[tilespmem:$0x1FDA0] =	vst v1;
	v1 =	vld [tilespmem:$0x1FA10];
	_ =	sdelay $0x4  }
0x209: {  	vm6 =	vnez.u8 v1  }
0x20a: {  	v1 =	vsel vm6, $0x3F800000, v0  }
0x20b: {  	[tilespmem:$0x1FDB0] =	vst v1;
	v1 =	vld [tilespmem:$0x1FA20];
	_ =	sdelay $0x4  }
0x20c: {  	vm6 =	vnez.u8 v1;
	v1 =	vld [tilespmem:$0x1FA30];
	_ =	sdelay $0x4  }
0x20d: {  	v21 =	vsel vm6, $0x3F800000, v0;
	vm6 =	vnez.u8 v1;
	v1 =	vld [tilespmem:$0x1FA40];
	_ =	sdelay $0x4  }
0x20e: {  	v20 =	vsel vm6, $0x3F800000, v0;
	vm6 =	vnez.u8 v1;
	v1 =	vld [tilespmem:$0x1FA50];
	_ =	sdelay $0x4  }
0x20f: {  	v19 =	vsel vm6, $0x3F800000, v0;
	vm6 =	vnez.u8 v1;
	v1 =	vld [tilespmem:$0x1FA60];
	_ =	sdelay $0x4  }
0x210: {  	v24 =	vsel vm6, $0x3F800000, v0;
	vm6 =	vnez.u8 v1;
	v1 =	vld [tilespmem:$0x1FA70];
	_ =	sdelay $0x4  }
0x211: {  	v25 =	vsel vm6, $0x3F800000, v0;
	vm6 =	vnez.u8 v1;
	v1 =	vld [tilespmem:$0x1FA80];
	_ =	sdelay $0x4  }
0x212: {  	v22 =	vsel vm6, $0x3F800000, v0;
	vm6 =	vnez.u8 v1;
	v1 =	vld [tilespmem:$0x1FA90];
	_ =	sdelay $0x4  }
0x213: {  	v27 =	vsel vm6, $0x3F800000, v0;
	vm6 =	vnez.u8 v1;
	v1 =	vld [tilespmem:$0x1FAA0];
	_ =	sdelay $0x4  }
0x214: {  	v29 =	vsel vm6, $0x3F800000, v0;
	vm6 =	vnez.u8 v1;
	v1 =	vld [tilespmem:$0x1FAB0];
	_ =	sdelay $0x4  }
0x215: {  	v23 =	vsel vm6, $0x3F800000, v0;
	vm6 =	vnez.u8 v1;
	v1 =	vld [tilespmem:$0x1FAC0];
	_ =	sdelay $0x4  }
0x216: {  	v33 =	vsel vm6, $0x3F800000, v0;
	vm6 =	vnez.u8 v1;
	v1 =	vld [tilespmem:$0x1FAD0];
	_ =	sdelay $0x4  }
0x217: {  	v30 =	vsel vm6, $0x3F800000, v0;
	vm6 =	vnez.u8 v1;
	v1 =	vld [tilespmem:$0x1FAE0];
	_ =	sdelay $0x4  }
0x218: {  	v31 =	vsel vm6, $0x3F800000, v0;
	vm6 =	vnez.u8 v1;
	v1 =	vld [tilespmem:$0x1FAF0];
	_ =	sdelay $0x4  }
0x219: {  	v42 =	vsel vm6, $0x3F800000, v0;
	vm6 =	vnez.u8 v1;
	v1 =	vld [tilespmem:$0x1FB00];
	_ =	sdelay $0x4  }
0x21a: {  	v36 =	vsel vm6, $0x3F800000, v0;
	vm6 =	vnez.u8 v1;
	v1 =	vld [tilespmem:$0x1FB10];
	_ =	sdelay $0x4  }
0x21b: {  	v34 =	vsel vm6, $0x3F800000, v0;
	vm6 =	vnez.u8 v1;
	v1 =	vld [tilespmem:$0x1FB20];
	_ =	sdelay $0x4  }
0x21c: {  	v40 =	vsel vm6, $0x3F800000, v0;
	vm6 =	vnez.u8 v1;
	v1 =	vld [tilespmem:$0x1FB30];
	_ =	sdelay $0x4  }
0x21d: {  	v38 =	vsel vm6, $0x3F800000, v0;
	vm6 =	vnez.u8 v1;
	v1 =	vld [tilespmem:$0x1FB40];
	_ =	sdelay $0x4  }
0x21e: {  	v39 =	vsel vm6, $0x3F800000, v0;
	vm6 =	vnez.u8 v1;
	v1 =	vld [tilespmem:$0x1FB50];
	_ =	sdelay $0x4  }
0x21f: {  	v48 =	vsel vm6, $0x3F800000, v0;
	vm6 =	vnez.u8 v1;
	v1 =	vld [tilespmem:$0x1FB60];
	_ =	sdelay $0x4  }
0x220: {  	v44 =	vsel vm6, $0x3F800000, v0;
	vm6 =	vnez.u8 v1;
	v1 =	vld [tilespmem:$0x1FB70];
	_ =	sdelay $0x4  }
0x221: {  	v41 =	vsel vm6, $0x3F800000, v0;
	vm6 =	vnez.u8 v1;
	v1 =	vld [tilespmem:$0x1FB80];
	_ =	sdelay $0x4  }
0x222: {  	v47 =	vsel vm6, $0x3F800000, v0;
	vm6 =	vnez.u8 v1;
	v1 =	vld [tilespmem:$0x1FB90];
	_ =	sdelay $0x4  }
0x223: {  	v45 =	vsel vm6, $0x3F800000, v0;
	vm6 =	vnez.u8 v1;
	v1 =	vld [tilespmem:$0x1FBA0];
	_ =	sdelay $0x4  }
0x224: {  	v46 =	vsel vm6, $0x3F800000, v0;
	vm6 =	vnez.u8 v1;
	v1 =	vld [tilespmem:$0x1FBB0];
	_ =	sdelay $0x4  }
0x225: {  	v56 =	vsel vm6, $0x3F800000, v0;
	vm6 =	vnez.u8 v1;
	v1 =	vld [tilespmem:$0x1FBC0];
	_ =	sdelay $0x4  }
0x226: {  	v54 =	vsel vm6, $0x3F800000, v0;
	vm6 =	vnez.u8 v1;
	v1 =	vld [tilespmem:$0x1FBD0];
	_ =	sdelay $0x4  }
0x227: {  	[tilespmem:$0x1FC70] =	vst v51;
	v51 =	vsel vm6, $0x3F800000, v0;
	vm6 =	vnez.u8 v1;
	v1 =	vld [tilespmem:$0x1FBE0];
	_ =	sdelay $0x4  }
0x228: {  	vm13 =	veq.f32 v50, v28;
	v55 =	vsel vm6, $0x3F800000, v0;
	vm6 =	vnez.u8 v1;
	v1 =	vld [tilespmem:$0x1FBF0]  }
0x229: {  	p0 =	sne.s32 s19, $0xFFFFFFC0;
	vm15 =	vgt.f32 v50, v49;
	vm12 =	vgt.f32 v43, v49;
	vm1 =	vgt.f32 v50, v43  }
.Ltmp0:
0x22a: {  	[tilespmem:$0x1FCC0] =	vst v17;
	vm8 =	vgt.f32 v49, v50;
	vm11 =	vgt.f32 v49, v43;
	vm7 =	veq.f32 v49, v43;
	(pc) =	sbr.rel @p0 .LBB2_2-.Ltmp0, $4  }
0x22b: {  	[tilespmem:$0x1FCF0] =	vst v18;
	vm9 =	vgt.f32 v49, v37;
	vm10 =	veq.f32 v49, v37;
	vm14 =	veq.f32 v49, v28  }
0x22c: {  	[tilespmem:$0x1FCA0] =	vst v15;
	v57 =	vmax.f32 v49, v50;
	vm2 =	vgt.f32 v50, v37;
	vm4 =	veq.f32 v49, v35  }
0x22d: {  	[tilespmem:$0x1FD40] =	vst v60;
	vm5 =	veq.f32 v49, v50;
	v53 =	vsel vm6, $0x3F800000, v0;
	vm6 =	vnez.u8 v1  }
0x22e: {  	s19 =	sadd.s32 $0x40, s19;
	[tilespmem:$0x1FDF0] =	vst v2;
	vm0 =	vgt.f32 v43, v50;
	vm3 =	vgt.f32 v49, v35;
	v52 =	vsel vm6, $0x3F800000, v0  }
0x22f: {  	v4 =	vsel vm15, $0x3F800000, v0;
	v5 =	vsel vm12, $0x3F800000, v0  }
0x230: {  	v7 =	vsel vm0, $0x3F800000, v0;
	v10 =	vsel vm8, $0x3F800000, v0;
	v13 =	vsel vm5, $0x3F800000, v0  }
0x231: {  	v11 =	vld [tilespmem:$0x1FF70];
	v14 =	vsel vm11, $0x3F800000, v0;
	v15 =	vsel vm7, $0x3F800000, v0;
	v17 =	vsel vm9, $0x3F800000, v0  }
0x232: {  	v12 =	vld [tilespmem:$0x1FF80];
	v18 =	vsel vm10, $0x3F800000, v0;
	v57 =	vmax.f32 v57, v43;
	v58 =	vsel vm3, $0x3F800000, v0  }
0x233: {  	v59 =	vsel vm4, $0x3F800000, v0;
	v60 =	vld [tilespmem:$0x1FFB0];
	v63 =	vsel vm14, $0x3F800000, v0;
	v57 =	vmax.f32 v57, v37  }
0x234: {  	v61 =	vld [tilespmem:$0x1FFC0];
	v4 =	vadd.f32 v5, v4;
	v5 =	vadd.f32 v13, v10;
	v57 =	vmax.f32 v57, v35  }
0x235: {  	v62 =	vld [tilespmem:$0x1FFD0];
	v13 =	vadd.f32 v15, v14;
	v14 =	vadd.f32 v18, v17;
	v57 =	vmax.f32 v57, v32  }
0x236: {  	v15 =	vld [tilespmem:$0x1FFE0];
	v17 =	vadd.f32 v59, v58;
	v57 =	vmax.f32 v57, v28;
	vm0 =	vnez.u8 v11  }
0x237: {  	v59 =	vld [tilespmem:$0x1FFF0];
	v10 =	vmax.f32 v57, v26;
	v11 =	vsel vm0, $0x3F800000, v0;
	vm0 =	vnez.u8 v12  }
0x238: {  	v18 =	vsub.f32 v49, v10;
	v12 =	vsel vm0, $0x3F800000, v0;
	vm0 =	vnez.u8 v60  }
0x239: {  	v50 =	vsub.f32 v50, v10;
	v60 =	vsel vm0, $0x3F800000, v0;
	vm0 =	vnez.u8 v61  }
0x23a: {  	v18 =	vmul.f32 $1.442695020e+00, v18;
	v61 =	vsel vm0, $0x3F800000, v0;
	vm0 =	vnez.u8 v62  }
0x23b: {  	v1 =	vld [tilespmem:$0x1FEE0];
	v50 =	vmul.f32 $1.442695020e+00, v50;
	v62 =	vsel vm0, $0x3F800000, v0;
	vm0 =	vnez.u8 v15  }
0x23c: {  	v2 =	vld [tilespmem:$0x1FF10];
	v15 =	vsel vm0, $0x3F800000, v0;
	vm0 =	vnez.u8 v59;
	v59 =	vsub.f32 v43, v10  }
0x23d: {  	v57 =	vadd.f32 v61, v60;
	(erf) = vpow2.f32 v18;
	v58 =	vadd.f32 v63, v62  }
0x23e: {  	(erf) = vpow2.f32 v50;
	v63 =	vld [tilespmem:$0x1FF90];
	v49 =	vsel vm0, $0x3F800000, v0;
	v61 =	vmul.f32 $1.442695020e+00, v59  }
0x23f: {  	v8 =	vsel vm1, $0x3F800000, v0;
	v9 =	vsel vm2, $0x3F800000, v0;
	v15 =	vadd.f32 v49, v15;
	v49 =	vld [tilespmem:$0x1FFA0]  }
0x240: {  	v5 =	vadd.f32 v7, v5;
	vm6 =	vnez.u8 v1;
	(erf) = vpow2.f32 v61  }
0x241: {  	v3 =	vld [tilespmem:$0x1FF20];
	v9 =	vadd.f32 v14, v9;
	v1 =	vsel vm6, $0x3F800000, v0;
	vm6 =	vnez.u8 v2  }
0x242: {  	v2 =	vsel vm6, $0x3F800000, v0;
	v1 =	vadd.f32 v1, v4;
	v11 =	vadd.f32 v17, v11  }
0x243: {  	v60 =	vadd.f32 v13, v8;
	v62 =	vsub.f32 v37, v10;
	vm0 =	vnez.u8 v63  }
0x244: {  	v17 =	vld [tilespmem:$0x1FF40];
	v43 =	vsub.f32 v35, v10;
	v13 =	vsel vm0, $0x3F800000, v0;
	vm0 =	vnez.u8 v49  }
0x245: {  	v12 =	vadd.f32 v57, v12;
	v37 =	vmul.f32 $1.442695020e+00, v62;
	v14 =	vsel vm0, $0x3F800000, v0  }
0x246: {  	vm6 =	vnez.u8 v3;
	v61 =	vpop (erf);
	v14 =	vadd.f32 v15, v14;
	v15 =	vsub.f32 v28, v10  }
0x247: {  	v3 =	vsel vm6, $0x3F800000, v0;
	v57 =	vsub.f32 v32, v10;
	v13 =	vadd.f32 v58, v13;
	v58 =	vld [tilespmem:$0x1FF50];
	v32 =	vpop (erf)  }
0x248: {  	v35 =	vld [tilespmem:$0x1FF60];
	v3 =	vadd.f32 v60, v3;
	v59 =	vmul.f32 $1.442695020e+00, v15;
	v15 =	vadd.f32 v32, v61  }
0x249: {  	v60 =	vsub.f32 v26, v10;
	(erf) = vpow2.f32 v37;
	v49 =	vld [tilespmem:$0x1FEC0];
	vm0 =	vnez.u8 v17;
	v37 =	vpop (erf)  }
0x24a: {  	v50 =	vmul.f32 $1.442695020e+00, v43;
	v17 =	vsel vm0, $0x3F800000, v0;
	v43 =	vadd.f32 v15, v37;
	v15 =	vld [tilespmem:$0x1FED0]  }
0x24b: {  	v2 =	vadd.f32 v2, v5;
	v8 =	vmul.f32 $1.442695020e+00, v57;
	v63 =	vadd.f32 v11, v17;
	v17 =	vld [tilespmem:$0x1FEF0]  }
0x24c: {  	v18 =	vld [tilespmem:$0x1FF00];
	v7 =	vmul.f32 $1.442695020e+00, v60;
	(erf) = vpow2.f32 v50;
	vm0 =	vnez.u8 v58  }
0x24d: {  	(erf) = vpow2.f32 v8;
	v4 =	vsel vm0, $0x3F800000, v0;
	vm0 =	vnez.u8 v35  }
0x24e: {  	(erf) = vpow2.f32 v59;
	v5 =	vsel vm0, $0x3F800000, v0;
	vm0 =	vnez.u8 v49  }
0x24f: {  	v6 =	vld [tilespmem:$0x1FF30];
	(erf) = vpow2.f32 v7;
	v7 =	vsel vm0, $0x3F800000, v0;
	vm0 =	vnez.u8 v15  }
0x250: {  	v4 =	vadd.f32 v12, v4;
	v15 =	vsel vm0, $0x3F800000, v0;
	vm0 =	vnez.u8 v17  }
0x251: {  	v5 =	vadd.f32 v14, v5;
	v17 =	vsel vm0, $0x3F800000, v0;
	vm0 =	vnez.u8 v18  }
0x252: {  	v4 =	vadd.f32 v4, v15;
	v15 =	vld [tilespmem:$0x1FE60];
	v18 =	vsel vm0, $0x3F800000, v0  }
0x253: {  	v5 =	vadd.f32 v5, v18;
	v18 =	vld [tilespmem:$0x1FE70]  }
0x254: {  	vm6 =	vnez.u8 v6  }
0x255: {  	v6 =	vsel vm6, $0x3F800000, v0  }
0x256: {  	v6 =	vadd.f32 v9, v6  }
0x257: {  	vm0 =	vnez.u8 v15  }
0x258: {  	v6 =	vadd.f32 v6, v52;
	v26 =	vld [tilespmem:$0x1FE80];
	v15 =	vsel vm0, $0x3F800000, v0;
	vm0 =	vnez.u8 v18  }
0x259: {  	v28 =	vld [tilespmem:$0x1FE90];
	v18 =	vsel vm0, $0x3F800000, v0  }
0x25a: {  	v6 =	vadd.f32 v6, v18;
	v18 =	vld [tilespmem:$0x1FEA0];
	_ =	sdelay $0x1  }
0x25b: {  	v62 =	vsel vm13, $0x3F800000, v0  }
0x25c: {  	v8 =	vadd.f32 v13, v62;
	vm0 =	vnez.u8 v26  }
0x25d: {  	v26 =	vsel vm0, $0x3F800000, v0;
	vm0 =	vnez.u8 v28  }
0x25e: {  	v8 =	vadd.f32 v8, v17;
	v28 =	vsel vm0, $0x3F800000, v0;
	vm0 =	vnez.u8 v18  }
0x25f: {  	v4 =	vadd.f32 v4, v28;
	v28 =	vld [tilespmem:$0x1FEB0];
	v18 =	vsel vm0, $0x3F800000, v0  }
0x260: {  	v50 =	vpop (erf);
	v8 =	vadd.f32 v8, v18;
	v18 =	vld [tilespmem:$0x1FE30]  }
0x261: {  	v13 =	vadd.f32 v43, v50  }
0x262: {  	v1 =	vadd.f32 v56, v1;
	v52 =	vpop (erf)  }
0x263: {  	v13 =	vadd.f32 v13, v52  }
0x264: {  	v1 =	vadd.f32 v54, v1;
	v3 =	vadd.f32 v3, v53;
	v17 =	vpop (erf);
	vm0 =	vnez.u8 v28  }
0x265: {  	v53 =	vld [tilespmem:$0x1FE40];
	v13 =	vadd.f32 v13, v17;
	v28 =	vsel vm0, $0x3F800000, v0;
	vm0 =	vnez.u8 v18  }
0x266: {  	v54 =	vld [tilespmem:$0x1FE50];
	v7 =	vadd.f32 v63, v7;
	v3 =	vadd.f32 v3, v15;
	v15 =	vpop (erf);
	v18 =	vsel vm0, $0x3F800000, v0  }
0x267: {  	v13 =	vadd.f32 v13, v15;
	v4 =	vadd.f32 v4, v18;
	v18 =	vld [tilespmem:$0x1FE00]  }
0x268: {  	v7 =	vadd.f32 v7, v26;
	v26 =	vpop (erf)  }
0x269: {  	v13 =	vadd.f32 v13, v26  }
0x26a: {  	vm0 =	vnez.u8 v53  }
0x26b: {  	(erf) = vrcp.f32 v13;
	v13 =	vsel vm0, $0x3F800000, v0;
	vm0 =	vnez.u8 v54  }
0x26c: {  	v8 =	vadd.f32 v8, v13;
	v13 =	vsel vm0, $0x3F800000, v0;
	vm0 =	vnez.u8 v18  }
0x26d: {  	v2 =	vadd.f32 v55, v2;
	v55 =	vld [tilespmem:$0x1FE10];
	v18 =	vsel vm0, $0x3F800000, v0  }
0x26e: {  	v4 =	vadd.f32 v4, v18;
	v18 =	vld [tilespmem:$0x1FE20];
	_ =	sdelay $0x2  }
0x26f: {  	v5 =	vadd.f32 v5, v28  }
0x270: {  	v2 =	vadd.f32 v51, v2;
	vm0 =	vnez.u8 v55  }
0x271: {  	v28 =	vld [tilespmem:$0x1FDD0];
	v5 =	vadd.f32 v5, v13;
	v13 =	vsel vm0, $0x3F800000, v0;
	vm0 =	vnez.u8 v18  }
0x272: {  	v56 =	vld [tilespmem:$0x1FDE0];
	v1 =	vadd.f32 v48, v1;
	v18 =	vsel vm0, $0x3F800000, v0  }
0x273: {  	v2 =	vadd.f32 v44, v2;
	v5 =	vadd.f32 v5, v18;
	v18 =	vld [tilespmem:$0x1FDF0]  }
0x274: {  	v3 =	vadd.f32 v3, v47;
	v6 =	vadd.f32 v6, v45  }
0x275: {  	v2 =	vadd.f32 v40, v2;
	v7 =	vadd.f32 v7, v46  }
0x276: {  	v57 =	vld [tilespmem:$0x1FDC0];
	v3 =	vadd.f32 v3, v38;
	v6 =	vadd.f32 v6, v39;
	vm0 =	vnez.u8 v28  }
0x277: {  	v7 =	vadd.f32 v7, v41;
	v28 =	vsel vm0, $0x3F800000, v0;
	vm0 =	vnez.u8 v56  }
0x278: {  	v8 =	vadd.f32 v8, v13;
	v13 =	vsel vm0, $0x3F800000, v0;
	vm0 =	vnez.u8 v18  }
0x279: {  	v1 =	vadd.f32 v42, v1;
	v6 =	vadd.f32 v6, v36;
	v18 =	vsel vm0, $0x3F800000, v0  }
0x27a: {  	vm1 =	vlt.f32 v2, $1.500000000e+00;
	v3 =	vadd.f32 v3, v33;
	v7 =	vadd.f32 v7, v34  }
0x27b: {  	v6 =	vadd.f32 v6, v27;
	v4 =	vadd.f32 v4, v28;
	vm0 =	vnez.u8 v57  }
0x27c: {  	v8 =	vadd.f32 v8, v13;
	v5 =	vadd.f32 v5, v18;
	v13 =	vsel vm0, $0x3F800000, v0;
	v18 =	vpop (erf)  }
0x27d: {  	vm0 =	vlt.f32 v1, $1.500000000e+00;
	v1 =	vadd.f32 v4, v30;
	v10 =	vmul.f32 v18, v61  }
0x27e: {  	vm2 =	vlt.f32 v3, $1.500000000e+00;
	v7 =	vadd.f32 v7, v29;
	v58 =	vadd.f32 v8, v31  }
0x27f: {  	v1 =	vadd.f32 v1, v25;
	v59 =	vmul.f32 v18, v32;
	v60 =	vadd.f32 $0.0e+00, v10  }
0x280: {  	v2 =	vadd.f32 v7, v24;
	v3 =	vadd.f32 v58, v22;
	v61 =	vmul.f32 v18, v37  }
0x281: {  	v40 =	vld [tilespmem:$0x1FD80];
	v1 =	vadd.f32 v1, v21;
	v62 =	vnsel vm1, $0x0, v59;
	v11 =	vnsel vm0, $0x0, v60  }
0x282: {  	v5 =	vadd.f32 v5, v13;
	v37 =	vld [tilespmem:$0x1FDA0];
	v63 =	vadd.f32 v11, v62  }
0x283: {  	v32 =	vmul.f32 v18, v50;
	v33 =	vnsel vm2, $0x0, v61;
	vm5 =	vlt.f32 v1, $1.500000000e+00;
	v1 =	vld [tilespmem:$0x1FDB0]  }
0x284: {  	vm3 =	vlt.f32 v6, $1.500000000e+00;
	v5 =	vadd.f32 v5, v23;
	v4 =	vadd.f32 v63, v33  }
0x285: {  	v3 =	vadd.f32 v3, v20;
	v34 =	vmul.f32 v18, v52;
	v35 =	vnsel vm3, $0x0, v32  }
0x286: {  	vm4 =	vlt.f32 v2, $1.500000000e+00;
	v2 =	vadd.f32 v5, v19;
	v4 =	vadd.f32 v4, v35  }
0x287: {  	v36 =	vmul.f32 v18, v17;
	v38 =	vnsel vm4, $0x0, v34;
	v3 =	vadd.f32 v3, v37  }
0x288: {  	vm6 =	vnez.u8 v40;
	v1 =	vadd.f32 v2, v1;
	v2 =	vadd.f32 v4, v38  }
0x289: {  	v9 =	vsel vm6, $0x3F800000, v0;
	v39 =	vmul.f32 v18, v15;
	v41 =	vnsel vm5, $0x0, v36  }
0x28a: {  	vm6 =	vlt.f32 v3, $1.500000000e+00;
	v1 =	vadd.f32 v1, v9;
	v2 =	vadd.f32 v2, v41  }
0x28b: {  	v3 =	vmul.f32 v18, v26;
	v42 =	vnsel vm6, $0x0, v39  }
0x28c: {  	vm7 =	vlt.f32 v1, $1.500000000e+00;
	v1 =	vadd.f32 v2, v42  }
0x28d: {  	v51 =	vld [tilespmem:$0x1FD90];
	v2 =	vnsel vm7, $0x0, v3  }
0x28e: {  	v48 =	vld [tilespmem:$0x1FD70];
	v1 =	vadd.f32 v1, v2  }
0x28f: {  	v44 =	vld [tilespmem:$0x1FC90]  }
0x290: {  	(erf) = vrcp.f32 v1;
	v1 =	vld [tilespmem:$0x1FC50]  }
0x291: {  	v2 =	vld [tilespmem:$0x1FC70]  }
0x292: {  	v46 =	vld [tilespmem:$0x1FCE0]  }
0x293: {  	v49 =	vld [tilespmem:$0x1FC30]  }
0x294: {  	v43 =	vld [tilespmem:$0x1FCA0]  }
0x295: {  	v47 =	vld [tilespmem:$0x1FD30];
	v1 =	vmul.f32 v16, v1  }
0x296: {  	vm8 =	vnez.u8 v44;
	v45 =	vld [tilespmem:$0x1FCC0];
	v2 =	vmul.f32 v16, v2  }
0x297: {  	v50 =	vld [tilespmem:$0x1FD40];
	v1 =	vnsel vm8, $0x0, v1;
	vm8 =	vnez.u8 v46  }
0x298: {  	v2 =	vnsel vm8, $0x0, v2;
	[tilespmem:s17+$0x480] =	vst v1;
	v1 =	vld [tilespmem:$0x1FCF0]  }
0x299: {  	[tilespmem:s17+$0x500] =	vst v2;
	v2 =	vld [tilespmem:$0x1FD10]  }
0x29a: {  	v53 =	vld [tilespmem:$0x1FC40];
	v9 =	vmul.f32 v16, v43  }
0x29b: {  	v12 =	vmul.f32 v16, v45;
	vm8 =	vnez.u8 v47  }
0x29c: {  	v9 =	vnsel vm8, $0x0, v9;
	vm8 =	vnez.u8 v48  }
0x29d: {  	vm9 =	vnez.u8 v51;
	v12 =	vnsel vm8, $0x0, v12;
	v1 =	vmul.f32 v16, v1  }
0x29e: {  	[tilespmem:s17+$0x580] =	vst v9;
	vm8 =	vnez.u8 v49;
	v9 =	vmul.f32 v16, v50;
	v2 =	vmul.f32 v16, v2  }
0x29f: {  	v52 =	vpop (erf);
	vm8 =	vmmov vm8;
	[tilespmem:s17+$0x600] =	vst v12;
	v1 =	vnsel vm9, $0x0, v1;
	vm9 =	vnez.u8 v53  }
0x2a0: {  	vm9 =	vmmov vm9;
	v2 =	vnsel vm8, $0x0, v2;
	[tilespmem:s17+$0x680] =	vst v1;
	v1 =	vmul.f32 v52, v3  }
0x2a1: {  	v9 =	vnsel vm9, $0x0, v9;
	[tilespmem:s17+$0x700] =	vst v2;
	v2 =	vmul.f32 v52, v10  }
0x2a2: {  	vm0 =	vmmov vm0;
	[tilespmem:s17+$0x780] =	vst v9;
	v1 =	vnsel vm7, $0x0, v1  }
0x2a3: {  	[tilespmem:s18+$0x800] =	vst v1;
	v1 =	vmul.f32 v52, v61;
	v2 =	vnsel vm0, $0x0, v2  }
0x2a4: {  	vm0 =	vmmov vm2;
	[tilespmem:s18+$0x480] =	vst v2;
	v2 =	vmul.f32 v52, v34  }
0x2a5: {  	v1 =	vnsel vm0, $0x0, v1;
	vm0 =	vmmov vm4  }
0x2a6: {  	v54 =	vmul.f32 v52, v59;
	v2 =	vnsel vm0, $0x0, v2  }
0x2a7: {  	vm1 =	vmmov vm1;
	[tilespmem:s18+$0x680] =	vst v2;
	v2 =	vld [tilespmem:$0x1FC60]  }
0x2a8: {  	v55 =	vmul.f32 v52, v32;
	v9 =	vnsel vm1, $0x0, v54  }
0x2a9: {  	v56 =	vmul.f32 v52, v36;
	vm1 =	vmmov vm3;
	[tilespmem:s18+$0x500] =	vst v9  }
0x2aa: {  	v13 =	vnsel vm1, $0x0, v55;
	vm1 =	vmmov vm5;
	[tilespmem:s18+$0x580] =	vst v1;
	v1 =	vmul.f32 v52, v39  }
0x2ab: {  	[tilespmem:s18+$0x600] =	vst v13;
	v9 =	vnsel vm1, $0x0, v56;
	vm0 =	vmmov vm6  }
0x2ac: {  	v57 =	vld [tilespmem:$0x1FC80];
	[tilespmem:s18+$0x700] =	vst v9;
	v1 =	vnsel vm0, $0x0, v1;
	v2 =	vadd.f32 v10, v2  }
0x2ad: {  	[tilespmem:s18+$0x780] =	vst v1;
	v1 =	vld [tilespmem:$0x1FCB0]  }
0x2ae: {  	[tilespmem:$0x1000] =	vst v2;
	v2 =	vld [tilespmem:$0x1FCD0];
	_ =	sdelay $0x3  }
0x2af: {  	v58 =	vld [tilespmem:$0x1FD00];
	v1 =	vadd.f32 v61, v1  }
0x2b0: {  	v8 =	vadd.f32 v59, v57;
	v59 =	vld [tilespmem:$0x1FD60];
	v2 =	vadd.f32 v32, v2  }
0x2b1: {  	[tilespmem:$0x1100] =	vst v1;
	v1 =	vld [tilespmem:$0x1FD20]  }
0x2b2: {  	[tilespmem:$0x1180] =	vst v2;
	v2 =	vld [tilespmem:$0x1FD50];
	_ =	sdelay $0x1  }
0x2b3: {  	v6 =	vadd.f32 v34, v58  }
0x2b4: {  	v3 =	vadd.f32 v3, v59;
	[tilespmem:$0x1080] =	vst v8  }
0x2b5: {  	[tilespmem:$0x1200] =	vst v6;
	v1 =	vadd.f32 v36, v1  }
0x2b6: {  	[tilespmem:$0x1380] =	vst v3;
	v2 =	vadd.f32 v39, v2  }
0x2b7: {  	[tilespmem:$0x1280] =	vst v1  }
0x2b8: {  	[tilespmem:$0x1300] =	vst v2  }
0x2b9: {  	[hbm4b:s4+s2] =	stream.linear.scatter [tilespmem:s11], [sflag:$0x1], $0x400, $0x38;
	[tilespmem:$0x1800] =	vst v63  }
0x2ba: {  	_ =	swait.ge [sflag:s10], $0x400  }
0x2bb: {  	[sflag:s10] =	ssyncset.done $0x0  }
0x2bc: {  	[sflag:s10] =	ssyncadd.s32 $0xFFFFFC00  }
0x2bd: {  	[hbm4b:s5+s2] =	stream.linear.scatter [tilespmem:s12], [sflag:$0x1], $0x400, $0x38;
	[tilespmem:$0x1800] =	vst v63  }
0x2be: {  	_ =	swait.ge [sflag:s10], $0x400  }
0x2bf: {  	[sflag:s10] =	ssyncset.done $0x0  }
0x2c0: {  	[sflag:s10] =	ssyncadd.s32 $0xFFFFFC00  }
0x2c1: {  	[tilespmem:s13], [sflag:$0x1] =	stream.linear.gather [hbm4b:s6+s2], $0x400, $0x38;
	[tilespmem:$0x1800] =	vst v63  }
0x2c2: {  	_ =	swait.ge [sflag:s10], $0x400  }
0x2c3: {  	[sflag:s10] =	ssyncset.done $0x0  }
0x2c4: {  	s17 =	simm.s32 $0xFFFFFF80;
	[sflag:s10] =	ssyncadd.s32 $0xFFFFFC00  }
0x2c5: {  	v6 =	vld [tilespmem:s17+$0xC00]  }
0x2c6: {  	v17 =	vld [tilespmem:s17+$0xB80]  }
0x2c7: {  	v25 =	vld [tilespmem:s17+$0xB00]  }
0x2c8: {  	v30 =	vld [tilespmem:s17+$0xA80]  }
0x2c9: {  	v32 =	vld [tilespmem:s17+$0xA00];
	_ =	sdelay $0x1  }
0x2ca: {  	v60 =	vimm.s32 $0x0;
	v1 =	vimm.s32 $0x0;
	v16 =	vld [tilespmem:s17+$0x980]  }
0x2cb: {  	vm2 =	vgt.f32 v6, v17;
	vm0 =	veq.f32 v17, v6;
	vm3 =	vgt.f32 v6, v25  }
0x2cc: {  	vm5 =	veq.f32 v25, v17;
	vm4 =	vgt.f32 v17, v6;
	vm6 =	vgt.f32 v6, v30  }
0x2cd: {  	vm7 =	vgt.f32 v17, v25;
	vm8 =	veq.f32 v25, v6;
	vm9 =	vgt.f32 v6, v32  }
0x2ce: {  	v34 =	vld [tilespmem:s17+$0x880];
	vm10 =	vgt.f32 v25, v17;
	vm11 =	vgt.f32 v25, v6;
	vm12 =	vgt.f32 v17, v30  }
0x2cf: {  	vm13 =	veq.f32 v30, v25;
	vm14 =	vgt.f32 v6, v16;
	vm15 =	veq.f32 v30, v17  }
0x2d0: {  	vm1 =	vgt.f32 v25, v30;
	v1 =	vsel vm0, $0xFFFFFFFF, v1;
	vm0 =	veq.f32 v30, v6  }
0x2d1: {  	v2 =	vsel vm2, $0x3F800000, v0;
	vm2 =	vgt.f32 v17, v32;
	v5 =	vsel vm3, $0x3F800000, v0  }
0x2d2: {  	v4 =	vsel vm5, $0x3F800000, v0;
	vm3 =	vgt.f32 v30, v17;
	v3 =	vsel vm8, $0x3F800000, v0  }
0x2d3: {  	v35 =	vld [tilespmem:s17+$0x900];
	v8 =	vsel vm6, $0x3F800000, v0;
	vm8 =	vgt.f32 v6, v34;
	v9 =	vsel vm7, $0x3F800000, v0  }
0x2d4: {  	v10 =	vsel vm9, $0x3F800000, v0;
	vm9 =	vgt.f32 v25, v32;
	v11 =	vsel vm12, $0x3F800000, v0  }
0x2d5: {  	vm12 =	veq.f32 v32, v30;
	v13 =	vsel vm11, $0x3F800000, v0;
	vm6 =	veq.f32 v32, v25  }
0x2d6: {  	v15 =	vsel vm14, $0x3F800000, v0;
	vm11 =	vgt.f32 v17, v34;
	v12 =	vsel vm13, $0x3F800000, v0  }
0x2d7: {  	vm7 =	veq.f32 v32, v17;
	v14 =	vsel vm15, $0x3F800000, v0;
	vm5 =	veq.f32 v32, v6  }
0x2d8: {  	vm13 =	vgt.f32 v17, v35;
	v19 =	vsel vm1, $0x3F800000, v0;
	vm1 =	vgt.f32 v30, v32  }
0x2d9: {  	vm15 =	veq.f32 v35, v6;
	vm14 =	vgt.f32 v30, v16;
	[tilespmem:$0x1F600] =	vst v1;
	v1 =	vimm.s32 $0x0  }
0x2da: {  	v24 =	vsel vm8, $0x3F800000, v0;
	v18 =	vsel vm2, $0x3F800000, v0;
	vm2 =	vgt.f32 v25, v16  }
0x2db: {  	v22 =	vsel vm9, $0x3F800000, v0;
	vm8 =	vgt.f32 v32, v17;
	v31 =	vsel vm11, $0x3F800000, v0  }
0x2dc: {  	vm11 =	vgt.f32 v25, v34;
	v26 =	vsel vm13, $0x3F800000, v0;
	vm13 =	vgt.f32 v25, v35  }
0x2dd: {  	v23 =	vsel vm12, $0x3F800000, v0;
	vm9 =	vgt.f32 v32, v6;
	v28 =	vsel vm1, $0x3F800000, v0  }
0x2de: {  	vm1 =	vgt.f32 v30, v35;
	vm12 =	veq.f32 v35, v30;
	v1 =	vsel vm0, $0xFFFFFFFF, v1  }
0x2df: {  	vm0 =	vgt.f32 v30, v6;
	v27 =	vsel vm2, $0x3F800000, v0;
	vm2 =	vgt.f32 v30, v34  }
0x2e0: {  	v36 =	vsel vm11, $0x3F800000, v0;
	vm11 =	vgt.f32 v32, v34;
	v33 =	vsel vm13, $0x3F800000, v0  }
0x2e1: {  	vm13 =	vgt.f32 v32, v35;
	v39 =	vsel vm1, $0x3F800000, v0;
	vm1 =	veq.f32 v35, v16  }
0x2e2: {  	[tilespmem:$0x1F5F0] =	vst v1;
	v1 =	vsel vm4, $0x3F800000, v0;
	vm4 =	vgt.f32 v30, v25;
	v7 =	vsel vm0, $0xFFFFFFFF, v60  }
0x2e3: {  	vm0 =	vgt.f32 v6, v35;
	v40 =	vsel vm2, $0x3F800000, v0;
	vm2 =	vgt.f32 v16, v32  }
0x2e4: {  	v41 =	vsel vm11, $0x3F800000, v0;
	vm11 =	veq.f32 v35, v25;
	v42 =	vsel vm13, $0x3F800000, v0  }
0x2e5: {  	v43 =	vsel vm1, $0x3F800000, v0;
	vm1 =	vgt.f32 v16, v34;
	vm13 =	veq.f32 v35, v17  }
0x2e6: {  	[tilespmem:$0x1F5E0] =	vst v7;
	v7 =	vsel vm10, $0x3F800000, v0;
	vm10 =	vgt.f32 v17, v16;
	v21 =	vsel vm0, $0x3F800000, v0  }
0x2e7: {  	vm0 =	vgt.f32 v32, v30;
	v37 =	vsel vm2, $0x3F800000, v0;
	vm2 =	vgt.f32 v35, v34  }
0x2e8: {  	v45 =	vsel vm1, $0x3F800000, v0;
	vm1 =	vgt.f32 v16, v35;
	v20 =	vsel vm10, $0x3F800000, v0  }
0x2e9: {  	vm10 =	vgt.f32 v32, v25;
	v29 =	vsel vm0, $0x3F800000, v0;
	vm0 =	vgt.f32 v32, v16  }
0x2ea: {  	v44 =	vsel vm2, $0x3F800000, v0;
	v47 =	vsel vm1, $0x3F800000, v0;
	vm1 =	vgt.f32 v35, v32  }
0x2eb: {  	v38 =	vsel vm0, $0x3F800000, v0;
	vm0 =	veq.f32 v35, v32;
	v49 =	vsel vm1, $0x3F800000, v0  }
0x2ec: {  	vm1 =	vgt.f32 v35, v30;
	v44 =	vadd.f32 v45, v44;
	v46 =	vsel vm0, $0x3F800000, v0  }
0x2ed: {  	vm0 =	vgt.f32 v35, v16;
	v51 =	vsel vm1, $0x3F800000, v0;
	vm1 =	vgt.f32 v34, v16  }
0x2ee: {  	v48 =	vsel vm0, $0x3F800000, v0;
	vm0 =	vgt.f32 v34, v35;
	v53 =	vsel vm1, $0x3F800000, v0  }
0x2ef: {  	vm1 =	vgt.f32 v34, v32;
	v41 =	vadd.f32 v41, v44;
	v50 =	vsel vm0, $0x3F800000, v0  }
0x2f0: {  	vm0 =	veq.f32 v34, v35;
	v55 =	vsel vm1, $0x3F800000, v0;
	vm1 =	vgt.f32 v34, v30  }
0x2f1: {  	v61 =	vsel vm0, $0x3F800000, v0;
	vm0 =	veq.f32 v34, v16;
	v57 =	vsel vm1, $0x3F800000, v0  }
0x2f2: {  	v62 =	vsel vm0, $0x3F800000, v0;
	vm0 =	veq.f32 v34, v32;
	v50 =	vadd.f32 v61, v50  }
0x2f3: {  	v63 =	vsel vm0, $0x3F800000, v0;
	vm0 =	veq.f32 v34, v30;
	v53 =	vadd.f32 v62, v53  }
0x2f4: {  	v62 =	vmax.f32 v34, v35;
	v60 =	vsel vm0, $0x3F800000, v0;
	vm0 =	vgt.f32 v34, v25  }
0x2f5: {  	v55 =	vadd.f32 v63, v55;
	v54 =	vmax.f32 v62, v16;
	v47 =	vadd.f32 v47, v50  }
0x2f6: {  	v45 =	vsel vm0, $0x3F800000, v0;
	vm0 =	veq.f32 v34, v25;
	v57 =	vadd.f32 v60, v57  }
0x2f7: {  	v54 =	vmax.f32 v54, v32;
	v48 =	vadd.f32 v53, v48;
	v61 =	vsel vm0, $0x3F800000, v0  }
0x2f8: {  	vm0 =	vgt.f32 v34, v17;
	v54 =	vmax.f32 v54, v30;
	v49 =	vadd.f32 v55, v49  }
0x2f9: {  	v55 =	vsel vm13, $0x3F800000, v0;
	vm13 =	veq.f32 v16, v25;
	v42 =	vadd.f32 v42, v47  }
0x2fa: {  	v63 =	vsel vm0, $0x3F800000, v0;
	vm0 =	veq.f32 v34, v17;
	v45 =	vadd.f32 v61, v45  }
0x2fb: {  	v54 =	vmax.f32 v54, v25;
	v51 =	vadd.f32 v57, v51;
	v57 =	vsel vm15, $0x3F800000, v0  }
0x2fc: {  	v60 =	vsel vm0, $0x3F800000, v0;
	vm0 =	vgt.f32 v34, v6;
	v54 =	vmax.f32 v54, v17  }
0x2fd: {  	v61 =	vsel vm0, $0x3F800000, v0;
	vm0 =	veq.f32 v34, v6;
	v56 =	vadd.f32 v60, v63  }
0x2fe: {  	v54 =	vmax.f32 v54, v6;
	v62 =	vsel vm0, $0x3F800000, v0;
	vm0 =	vgt.f32 v35, v25  }
0x2ff: {  	v34 =	vsub.f32 v34, v54;
	v52 =	vadd.f32 v62, v61;
	v58 =	vsel vm0, $0x3F800000, v0  }
0x300: {  	vm0 =	vgt.f32 v35, v17;
	v61 =	vsub.f32 v16, v54;
	v62 =	vsub.f32 v30, v54  }
0x301: {  	v63 =	vsel vm0, $0x3F800000, v0;
	vm0 =	vgt.f32 v35, v6;
	v35 =	vsub.f32 v35, v54  }
0x302: {  	v34 =	vmul.f32 $1.442695020e+00, v34;
	v45 =	vadd.f32 v45, v58;
	v58 =	vsub.f32 v17, v54  }
0x303: {  	v60 =	vsel vm0, $0x3F800000, v0;
	v53 =	vmul.f32 $1.442695020e+00, v61;
	v35 =	vmul.f32 $1.442695020e+00, v35  }
0x304: {  	vm0 =	vgt.f32 v16, v30;
	(erf) = vpow2.f32 v34;
	v34 =	vsel vm12, $0x3F800000, v0  }
0x305: {  	vm12 =	veq.f32 v16, v32;
	v32 =	vsub.f32 v32, v54;
	(erf) = vpow2.f32 v35  }
0x306: {  	v61 =	vadd.f32 v49, v46;
	v52 =	vadd.f32 v52, v60;
	v59 =	vsel vm0, $0x3F800000, v0  }
0x307: {  	vm0 =	vgt.f32 v16, v25;
	v32 =	vmul.f32 $1.442695020e+00, v32;
	(erf) = vpow2.f32 v53  }
0x308: {  	v35 =	vsel vm11, $0x3F800000, v0;
	vm11 =	veq.f32 v16, v30;
	v30 =	vadd.f32 v56, v63  }
0x309: {  	v63 =	vsub.f32 v25, v54;
	v53 =	vmul.f32 $1.442695020e+00, v62;
	(erf) = vpow2.f32 v32  }
0x30a: {  	v60 =	vsub.f32 v6, v54;
	v44 =	vmul.f32 $1.442695020e+00, v58;
	v34 =	vadd.f32 v51, v34  }
0x30b: {  	v51 =	vadd.f32 v39, v42;
	v56 =	vmul.f32 $1.442695020e+00, v63;
	(erf) = vpow2.f32 v53  }
0x30c: {  	v25 =	vadd.f32 v48, v43;
	v43 =	vmul.f32 $1.442695020e+00, v60;
	v35 =	vadd.f32 v45, v35  }
0x30d: {  	v34 =	vadd.f32 v34, v59;
	v33 =	vadd.f32 v33, v51;
	v48 =	vpop (erf);
	(erf) = vpow2.f32 v56  }
0x30e: {  	v32 =	vadd.f32 v40, v41;
	v63 =	vsel vm0, $0x3F800000, v0;
	vm0 =	vgt.f32 v16, v17;
	v46 =	vpop (erf)  }
0x30f: {  	v30 =	vadd.f32 v30, v55;
	(erf) = vpow2.f32 v44;
	v62 =	vadd.f32 v46, v48  }
0x310: {  	v40 =	vadd.f32 v52, v57;
	v25 =	vadd.f32 v25, v38;
	v57 =	vsel vm14, $0x3F800000, v0;
	v44 =	vpop (erf)  }
0x311: {  	v50 =	vsel vm0, $0x3F800000, v0;
	(erf) = vpow2.f32 v43;
	v49 =	vadd.f32 v62, v44  }
0x312: {  	vm0 =	vgt.f32 v16, v6;
	v35 =	vadd.f32 v35, v63;
	v26 =	vadd.f32 v26, v33;
	v52 =	vpop (erf)  }
0x313: {  	v32 =	vadd.f32 v36, v32;
	v54 =	vsel vm0, $0x3F800000, v0;
	v53 =	vadd.f32 v49, v52  }
0x314: {  	vm0 =	veq.f32 v16, v17;
	v17 =	vadd.f32 v61, v37;
	v58 =	vadd.f32 v30, v50;
	v55 =	vpop (erf)  }
0x315: {  	v25 =	vadd.f32 v25, v57;
	v61 =	vsel vm11, $0x3F800000, v0;
	v56 =	vadd.f32 v53, v55  }
0x316: {  	vm1 =	veq.f32 v16, v6;
	v16 =	vadd.f32 v40, v54;
	v34 =	vadd.f32 v34, v61;
	v30 =	vpop (erf)  }
0x317: {  	v60 =	vsel vm12, $0x3F800000, v0;
	v21 =	vadd.f32 v21, v26;
	v59 =	vadd.f32 v56, v30  }
0x318: {  	v63 =	vsel vm13, $0x3F800000, v0;
	v31 =	vadd.f32 v31, v32;
	v17 =	vadd.f32 v17, v60;
	v62 =	vpop (erf)  }
0x319: {  	v41 =	vsel vm0, $0x3F800000, v0;
	v32 =	vadd.f32 v35, v63;
	v38 =	vadd.f32 v59, v62  }
0x31a: {  	v26 =	vsel vm6, $0x3F800000, v0;
	v6 =	vadd.f32 v58, v41;
	v25 =	vadd.f32 v25, v27;
	v42 =	vpop (erf)  }
0x31b: {  	v61 =	vimm.s32 $0x0;
	v27 =	vadd.f32 v34, v29;
	v38 =	vadd.f32 v38, v42  }
0x31c: {  	v24 =	vadd.f32 v24, v31;
	v31 =	vsel vm10, $0x3F800000, v0;
	v17 =	vadd.f32 v17, v28  }
0x31d: {  	v28 =	vsel vm8, $0x3F800000, v0;
	v20 =	vadd.f32 v25, v20;
	(erf) = vrcp.f32 v38  }
0x31e: {  	vm2 =	vlt.f32 v21, $1.500000000e+00;
	v29 =	vadd.f32 v32, v31;
	v6 =	vadd.f32 v6, v28  }
0x31f: {  	v23 =	vadd.f32 v27, v23;
	v43 =	vsel vm1, $0x3F800000, v0;
	v17 =	vadd.f32 v17, v22  }
0x320: {  	v22 =	vsel vm7, $0x3F800000, v0;
	v15 =	vadd.f32 v20, v15;
	v16 =	vadd.f32 v16, v43  }
0x321: {  	v60 =	vld [tilespmem:$0x1F600];
	v28 =	vsel vm9, $0x3F800000, v0;
	v25 =	vadd.f32 v29, v26;
	v6 =	vadd.f32 v6, v22  }
0x322: {  	v27 =	vsel vm4, $0x3F800000, v0;
	v19 =	vadd.f32 v23, v19;
	v22 =	vld [tilespmem:$0x1F5E0];
	v17 =	vadd.f32 v17, v18  }
0x323: {  	v45 =	vld [tilespmem:$0x1F5F0];
	v18 =	vsel vm3, $0x3F800000, v0;
	v16 =	vadd.f32 v16, v28;
	v20 =	vadd.f32 v25, v27  }
0x324: {  	v26 =	vsel vm5, $0x3F800000, v0;
	v18 =	vadd.f32 v6, v18;
	v11 =	vadd.f32 v19, v11  }
0x325: {  	vm1 =	vlt.f32 v24, $1.500000000e+00;
	v17 =	vadd.f32 v17, v10;
	v16 =	vadd.f32 v16, v26  }
0x326: {  	vm6 =	vnez.u8 v60;
	v12 =	vadd.f32 v20, v12;
	v14 =	vadd.f32 v18, v14;
	v23 =	vpop (erf)  }
0x327: {  	v8 =	vadd.f32 v11, v8;
	vm0 =	vnez.u8 v22;
	v47 =	vmul.f32 v23, v48  }
0x328: {  	v22 =	vsel vm0, $0x3F800000, v0;
	vm0 =	vnez.u8 v45;
	v9 =	vadd.f32 v12, v9  }
0x329: {  	v7 =	vadd.f32 v14, v7;
	v48 =	vmul.f32 v23, v46;
	v18 =	vadd.f32 $0.0e+00, v47  }
0x32a: {  	v16 =	vadd.f32 v16, v22;
	v22 =	vsel vm0, $0x3F800000, v0;
	v5 =	vadd.f32 v9, v5  }
0x32b: {  	v49 =	vmul.f32 v23, v44;
	v50 =	vnsel vm1, $0x0, v18;
	v18 =	vnsel vm2, $0x0, v48  }
0x32c: {  	vm3 =	vlt.f32 v15, $1.500000000e+00;
	v16 =	vadd.f32 v16, v22;
	v51 =	vadd.f32 v50, v18  }
0x32d: {  	v4 =	vadd.f32 v7, v4;
	v52 =	vmul.f32 v23, v52;
	v53 =	vnsel vm3, $0x0, v49  }
0x32e: {  	vm4 =	vlt.f32 v17, $1.500000000e+00;
	v15 =	vadd.f32 v16, v13;
	v54 =	vadd.f32 v51, v53  }
0x32f: {  	v2 =	vadd.f32 v4, v2;
	v55 =	vmul.f32 v23, v55;
	v56 =	vnsel vm4, $0x0, v52  }
0x330: {  	vm5 =	vlt.f32 v8, $1.500000000e+00;
	v3 =	vadd.f32 v15, v3;
	v7 =	vadd.f32 v54, v56  }
0x331: {  	vm0 =	vlt.f32 v5, $1.500000000e+00;
	v57 =	vmul.f32 v23, v30;
	v58 =	vnsel vm5, $0x0, v55  }
0x332: {  	v4 =	vsel vm6, $0x3F800000, v0;
	v1 =	vadd.f32 v3, v1;
	v3 =	vadd.f32 v7, v58  }
0x333: {  	v5 =	vsel vm0, $0xFFFFFFFF, v61;
	v59 =	vmul.f32 v23, v62;
	v62 =	vnsel vm0, $0x0, v57  }
0x334: {  	vm0 =	vlt.f32 v2, $1.500000000e+00;
	v2 =	vadd.f32 v3, v62;
	v3 =	vimm.s32 $0x0  }
0x335: {  	v1 =	vadd.f32 v1, v4;
	v3 =	vsel vm0, $0xFFFFFFFF, v3  }
0x336: {  	v17 =	vmul.f32 v23, v42;
	[tilespmem:$0x1F620] =	vst v3;
	v3 =	vnsel vm0, $0x0, v59  }
0x337: {  	vm0 =	vlt.f32 v1, $1.500000000e+00;
	v1 =	vadd.f32 v2, v3  }
0x338: {  	v2 =	vnsel vm0, $0x0, v17  }
0x339: {  	v1 =	vadd.f32 v1, v2;
	_ =	sdelay $0x1  }
0x33a: {  	(erf) = vrcp.f32 v1;
	v1 =	vimm.f32 $0.0e+00  }
0x33b: {  	v2 =	vadd.f32 v47, v1;
	_ =	sdelay $0x1  }
0x33c: {  	[tilespmem:$0x1F640] =	vst v2;
	v2 =	vadd.f32 v48, v1;
	_ =	sdelay $0x1  }
0x33d: {  	vm1 =	vmmov vm1;
	[tilespmem:$0x1F660] =	vst v2;
	v2 =	vimm.s32 $0x0  }
0x33e: {  	v2 =	vsel vm1, $0xFFFFFFFF, v2  }
0x33f: {  	[tilespmem:$0x1F670] =	vst v2;
	v2 =	vadd.f32 v49, v1;
	_ =	sdelay $0x1  }
0x340: {  	[tilespmem:$0x1F690] =	vst v2;
	v2 =	vadd.f32 v52, v1;
	_ =	sdelay $0x1  }
0x341: {  	s18 =	simm.s32 $0xFFFFFF90;
	vm1 =	vmmov vm2;
	[tilespmem:$0x1F6B0] =	vst v2;
	v2 =	vimm.s32 $0x0  }
0x342: {  	v34 =	vld [tilespmem:s18+$0xA80];
	v2 =	vsel vm1, $0xFFFFFFFF, v2  }
0x343: {  	v32 =	vld [tilespmem:s18+$0xB00];
	[tilespmem:$0x1F6C0] =	vst v2;
	v2 =	vadd.f32 v55, v1  }
0x344: {  	v27 =	vld [tilespmem:s18+$0xB80]  }
0x345: {  	v26 =	vld [tilespmem:s18+$0xC00];
	[tilespmem:$0x1F6E0] =	vst v2;
	v2 =	vadd.f32 v57, v1;
	_ =	sdelay $0x1  }
0x346: {  	vm1 =	vmmov vm3;
	[tilespmem:$0x1F700] =	vst v2;
	v2 =	vimm.s32 $0x0  }
0x347: {  	[tilespmem:$0x1F680] =	vst v49;
	v2 =	vsel vm1, $0xFFFFFFFF, v2  }
0x348: {  	vm6 =	vgt.f32 v27, v32;
	v49 =	vld [tilespmem:s18+$0x900];
	[tilespmem:$0x1F710] =	vst v2;
	v2 =	vadd.f32 v59, v1;
	v1 =	vadd.f32 v17, v1  }
0x349: {  	v25 =	vsel vm6, $0x3F800000, v0;
	vm6 =	veq.f32 v34, v26;
	vm2 =	veq.f32 v27, v26  }
0x34a: {  	v37 =	vld [tilespmem:s18+$0xA00];
	vm3 =	veq.f32 v32, v27;
	vm1 =	vmmov vm4;
	[tilespmem:$0x1F740] =	vst v1;
	v1 =	vimm.s32 $0x0  }
0x34b: {  	v16 =	vpop (erf);
	v20 =	vsel vm3, $0x3F800000, v0;
	vm3 =	veq.f32 v34, v32;
	v1 =	vsel vm1, $0xFFFFFFFF, v1  }
0x34c: {  	v30 =	vsel vm3, $0x3F800000, v0;
	v17 =	vmul.f32 v16, v17;
	[tilespmem:$0x1F750] =	vst v1;
	v1 =	vimm.s32 $0x0  }
0x34d: {  	vm3 =	vgt.f32 v26, v49;
	vm4 =	vgt.f32 v27, v26;
	v1 =	vsel vm2, $0xFFFFFFFF, v1  }
0x34e: {  	v63 =	vnsel vm0, $0x0, v17;
	vm2 =	vmmov vm5;
	[tilespmem:$0x1F760] =	vst v1;
	v1 =	vimm.s32 $0x0  }
0x34f: {  	[tilespmem:$0x1F650] =	vst v48;
	vm0 =	vgt.f32 v26, v37;
	vm1 =	vgt.f32 v26, v27;
	v1 =	vsel vm2, $0xFFFFFFFF, v1  }
0x350: {  	v28 =	vsel vm0, $0x3F800000, v0;
	vm0 =	vgt.f32 v32, v34;
	[tilespmem:$0x1F770] =	vst v1;
	v1 =	vsel vm1, $0x3F800000, v0  }
0x351: {  	v40 =	vsel vm3, $0x3F800000, v0;
	v35 =	vsel vm0, $0x3F800000, v0;
	[tilespmem:$0x1F780] =	vst v1;
	v1 =	vsel vm4, $0x3F800000, v0  }
0x352: {  	v48 =	vld [tilespmem:s18+$0x880];
	vm0 =	veq.f32 v37, v34;
	vm2 =	vgt.f32 v26, v32;
	[tilespmem:$0x1F790] =	vst v1;
	v1 =	vimm.s32 $0x0  }
0x353: {  	v21 =	vsel vm2, $0x3F800000, v0;
	vm2 =	vgt.f32 v27, v34;
	v1 =	vsel vm6, $0xFFFFFFFF, v1  }
0x354: {  	v29 =	vsel vm2, $0x3F800000, v0;
	vm2 =	vgt.f32 v34, v32;
	[tilespmem:$0x1F7A0] =	vst v1;
	v1 =	vimm.s32 $0x0  }
0x355: {  	vm3 =	veq.f32 v37, v32;
	v41 =	vsel vm0, $0x3F800000, v0;
	v1 =	vsel vm2, $0xFFFFFFFF, v1  }
0x356: {  	vm0 =	vgt.f32 v34, v37;
	vm2 =	vgt.f32 v34, v27;
	[tilespmem:$0x1F7B0] =	vst v1;
	v1 =	vimm.s32 $0x0  }
0x357: {  	v45 =	vsel vm0, $0x3F800000, v0;
	vm0 =	vgt.f32 v34, v48;
	v1 =	vsel vm2, $0xFFFFFFFF, v1  }
0x358: {  	v42 =	vld [tilespmem:s18+$0x980];
	v56 =	vsel vm0, $0x3F800000, v0;
	vm2 =	vgt.f32 v34, v26;
	[tilespmem:$0x1F7C0] =	vst v1;
	v1 =	vimm.s32 $0x0  }
0x359: {  	vm0 =	vgt.f32 v32, v49;
	vm1 =	vgt.f32 v32, v27;
	v1 =	vsel vm2, $0xFFFFFFFF, v1  }
0x35a: {  	v22 =	vsel vm1, $0x3F800000, v0;
	vm1 =	vgt.f32 v27, v37;
	[tilespmem:$0x1F7D0] =	vst v1;
	v1 =	vimm.s32 $0x0  }
0x35b: {  	v36 =	vsel vm1, $0x3F800000, v0;
	vm1 =	vgt.f32 v32, v37;
	v1 =	vsel vm3, $0xFFFFFFFF, v1  }
0x35c: {  	v39 =	vsel vm1, $0x3F800000, v0;
	vm1 =	veq.f32 v37, v27;
	[tilespmem:$0x1F7E0] =	vst v1;
	v1 =	vimm.s32 $0x0  }
0x35d: {  	v51 =	vsel vm0, $0x3F800000, v0;
	vm0 =	vgt.f32 v37, v42;
	v1 =	vsel vm1, $0xFFFFFFFF, v1  }
0x35e: {  	v54 =	vsel vm0, $0x3F800000, v0;
	vm0 =	veq.f32 v37, v26;
	[tilespmem:$0x1F7F0] =	vst v1;
	v1 =	vimm.s32 $0x0  }
0x35f: {  	v1 =	vsel vm0, $0xFFFFFFFF, v1  }
0x360: {  	vm0 =	vgt.f32 v37, v32;
	[tilespmem:$0x1F800] =	vst v1;
	v1 =	vimm.s32 $0x0  }
0x361: {  	v1 =	vsel vm0, $0xFFFFFFFF, v1  }
0x362: {  	vm0 =	vgt.f32 v37, v27;
	[tilespmem:$0x1F810] =	vst v1;
	v1 =	vimm.s32 $0x0  }
0x363: {  	v1 =	vsel vm0, $0xFFFFFFFF, v1  }
0x364: {  	vm0 =	vgt.f32 v37, v26;
	[tilespmem:$0x1F820] =	vst v1;
	v1 =	vimm.s32 $0x0  }
0x365: {  	v1 =	vsel vm0, $0xFFFFFFFF, v1  }
0x366: {  	vm0 =	vgt.f32 v34, v42;
	[tilespmem:$0x1F830] =	vst v1;
	v1 =	vimm.s32 $0x0  }
0x367: {  	v1 =	vsel vm0, $0xFFFFFFFF, v1  }
0x368: {  	vm0 =	veq.f32 v42, v37;
	[tilespmem:$0x1F840] =	vst v1;
	v1 =	vimm.s32 $0x0  }
0x369: {  	v1 =	vsel vm0, $0xFFFFFFFF, v1  }
0x36a: {  	vm0 =	veq.f32 v42, v34;
	[tilespmem:$0x1F850] =	vst v1;
	v1 =	vimm.s32 $0x0  }
0x36b: {  	v1 =	vsel vm0, $0xFFFFFFFF, v1  }
0x36c: {  	vm0 =	veq.f32 v42, v32;
	[tilespmem:$0x1F860] =	vst v1;
	v1 =	vimm.s32 $0x0  }
0x36d: {  	v1 =	vsel vm0, $0xFFFFFFFF, v1  }
0x36e: {  	vm0 =	veq.f32 v42, v27;
	[tilespmem:$0x1F870] =	vst v1;
	v1 =	vimm.s32 $0x0  }
0x36f: {  	v1 =	vsel vm0, $0xFFFFFFFF, v1  }
0x370: {  	vm0 =	veq.f32 v42, v26;
	[tilespmem:$0x1F880] =	vst v1;
	v1 =	vimm.s32 $0x0  }
0x371: {  	v1 =	vsel vm0, $0xFFFFFFFF, v1  }
0x372: {  	vm0 =	vgt.f32 v42, v34;
	[tilespmem:$0x1F890] =	vst v1;
	v1 =	vimm.s32 $0x0  }
0x373: {  	v1 =	vsel vm0, $0xFFFFFFFF, v1  }
0x374: {  	vm0 =	vgt.f32 v42, v32;
	[tilespmem:$0x1F8A0] =	vst v1;
	v1 =	vimm.s32 $0x0  }
0x375: {  	v1 =	vsel vm0, $0xFFFFFFFF, v1  }
0x376: {  	vm0 =	vgt.f32 v37, v48;
	[tilespmem:$0x1F8B0] =	vst v1;
	v1 =	vimm.s32 $0x0  }
0x377: {  	v1 =	vsel vm0, $0xFFFFFFFF, v1  }
0x378: {  	vm0 =	vgt.f32 v42, v27;
	[tilespmem:$0x1F8C0] =	vst v1;
	v1 =	vimm.s32 $0x0  }
0x379: {  	v1 =	vsel vm0, $0xFFFFFFFF, v1  }
0x37a: {  	vm0 =	vgt.f32 v42, v26;
	[tilespmem:$0x1F8D0] =	vst v1;
	v1 =	vimm.s32 $0x0  }
0x37b: {  	v1 =	vsel vm0, $0xFFFFFFFF, v1  }
0x37c: {  	vm0 =	vgt.f32 v37, v49;
	[tilespmem:$0x1F8E0] =	vst v1;
	v1 =	vimm.s32 $0x0  }
0x37d: {  	v1 =	vsel vm0, $0xFFFFFFFF, v1  }
0x37e: {  	vm7 =	veq.f32 v32, v26;
	vm0 =	veq.f32 v49, v42;
	[tilespmem:$0x1F8F0] =	vst v1;
	v1 =	vimm.s32 $0x0  }
0x37f: {  	v19 =	vsel vm7, $0x3F800000, v0;
	v1 =	vsel vm0, $0xFFFFFFFF, v1  }
0x380: {  	vm7 =	vgt.f32 v26, v42;
	vm0 =	veq.f32 v49, v37;
	[tilespmem:$0x1F900] =	vst v1;
	v1 =	vimm.s32 $0x0  }
0x381: {  	v33 =	vsel vm7, $0x3F800000, v0;
	vm14 =	vgt.f32 v42, v48;
	v1 =	vsel vm0, $0xFFFFFFFF, v1  }
0x382: {  	vm11 =	vgt.f32 v48, v42;
	vm0 =	veq.f32 v49, v34;
	[tilespmem:$0x1F910] =	vst v1;
	v1 =	vimm.s32 $0x0  }
0x383: {  	vm12 =	veq.f32 v48, v42;
	vm9 =	vgt.f32 v48, v37;
	v1 =	vsel vm0, $0xFFFFFFFF, v1  }
0x384: {  	vm10 =	veq.f32 v48, v37;
	vm0 =	veq.f32 v49, v32;
	[tilespmem:$0x1F920] =	vst v1;
	v1 =	vimm.s32 $0x0  }
0x385: {  	vm13 =	vgt.f32 v49, v48;
	vm7 =	veq.f32 v49, v26;
	v1 =	vsel vm0, $0xFFFFFFFF, v1  }
0x386: {  	vm15 =	vgt.f32 v49, v37;
	vm0 =	veq.f32 v49, v27;
	[tilespmem:$0x1F930] =	vst v1;
	v1 =	vimm.s32 $0x0  }
0x387: {  	[tilespmem:$0x1F6F0] =	vst v57;
	vm8 =	vgt.f32 v48, v49;
	v57 =	vmax.f32 v48, v49;
	v1 =	vsel vm0, $0xFFFFFFFF, v1  }
0x388: {  	vm5 =	vgt.f32 v26, v34;
	vm0 =	vgt.f32 v42, v49;
	[tilespmem:$0x1F940] =	vst v1;
	v1 =	vimm.s32 $0x0  }
0x389: {  	v24 =	vsel vm5, $0x3F800000, v0;
	vm5 =	veq.f32 v34, v27;
	v1 =	vsel vm0, $0xFFFFFFFF, v1  }
0x38a: {  	v31 =	vsel vm5, $0x3F800000, v0;
	vm0 =	vgt.f32 v49, v42;
	[tilespmem:$0x1F950] =	vst v1;
	v1 =	vimm.s32 $0x0  }
0x38b: {  	vm5 =	veq.f32 v48, v34;
	vm4 =	vgt.f32 v32, v26;
	v1 =	vsel vm0, $0xFFFFFFFF, v1  }
0x38c: {  	vm2 =	vgt.f32 v26, v48;
	vm0 =	vgt.f32 v49, v34;
	[tilespmem:$0x1F960] =	vst v1;
	v1 =	vimm.s32 $0x0  }
0x38d: {  	[tilespmem:$0x1F610] =	vst v5;
	v23 =	vsel vm4, $0x3F800000, v0;
	v43 =	vsel vm2, $0x3F800000, v0;
	v1 =	vsel vm0, $0xFFFFFFFF, v1  }
0x38e: {  	vm2 =	vgt.f32 v27, v42;
	vm0 =	vgt.f32 v49, v32;
	[tilespmem:$0x1F970] =	vst v1;
	v1 =	vimm.s32 $0x0  }
0x38f: {  	[tilespmem:$0x1F630] =	vst v47;
	vm6 =	vgt.f32 v48, v26;
	v38 =	vsel vm2, $0x3F800000, v0;
	v1 =	vsel vm0, $0xFFFFFFFF, v1  }
0x390: {  	vm2 =	vgt.f32 v27, v48;
	vm0 =	vgt.f32 v49, v27;
	[tilespmem:$0x1F980] =	vst v1;
	v1 =	vimm.s32 $0x0  }
0x391: {  	[tilespmem:$0x1F6A0] =	vst v52;
	v50 =	vsel vm2, $0x3F800000, v0;
	vm2 =	vgt.f32 v48, v27;
	v1 =	vsel vm0, $0xFFFFFFFF, v1  }
0x392: {  	vm1 =	vgt.f32 v27, v49;
	vm0 =	vgt.f32 v49, v26;
	[tilespmem:$0x1F990] =	vst v1;
	v1 =	vimm.s32 $0x0  }
0x393: {  	[tilespmem:$0x1F6D0] =	vst v55;
	v44 =	vsel vm1, $0x3F800000, v0;
	vm1 =	vgt.f32 v32, v42;
	v1 =	vsel vm0, $0xFFFFFFFF, v1  }
0x394: {  	v47 =	vsel vm1, $0x3F800000, v0;
	vm1 =	vgt.f32 v37, v34;
	[tilespmem:$0x1F9A0] =	vst v1;
	v1 =	vimm.s32 $0x0  }
0x395: {  	[tilespmem:$0x1F720] =	vst v59;
	v46 =	vsel vm1, $0x3F800000, v0;
	vm1 =	vgt.f32 v32, v48;
	v1 =	vsel vm2, $0xFFFFFFFF, v1  }
0x396: {  	v53 =	vsel vm1, $0x3F800000, v0;
	vm1 =	vgt.f32 v34, v49;
	[tilespmem:$0x1F9B0] =	vst v1;
	v1 =	vimm.s32 $0x0  }
0x397: {  	[tilespmem:$0x1F730] =	vst v2;
	vm4 =	vgt.f32 v48, v34;
	v55 =	vsel vm1, $0x3F800000, v0;
	v1 =	vsel vm6, $0xFFFFFFFF, v1  }
0x398: {  	vm1 =	vgt.f32 v42, v37;
	vm6 =	veq.f32 v48, v26;
	[tilespmem:$0x1F9C0] =	vst v1;
	v1 =	vimm.s32 $0x0  }
0x399: {  	[tilespmem:s17+$0x1000] =	vst v63;
	vm3 =	veq.f32 v48, v49;
	v52 =	vsel vm1, $0x3F800000, v0;
	v1 =	vsel vm6, $0xFFFFFFFF, v1  }
0x39a: {  	s19 =	simm.s32 $0xFFFFFE80;
	vm1 =	veq.f32 v48, v32;
	vm0 =	vgt.f32 v48, v32;
	vm2 =	veq.f32 v48, v27;
	[tilespmem:$0x1F9D0] =	vst v1  }
.LBB2_4:
0x39b: {  	v1 =	vimm.s32 $0x0  }
0x39c: {  	v1 =	vsel vm7, $0xFFFFFFFF, v1  }
0x39d: {  	[tilespmem:$0x1F3C0] =	vst v1;
	v1 =	vld [tilespmem:$0x1F7A0];
	_ =	sdelay $0x4  }
0x39e: {  	vm6 =	vnez.u8 v1;
	v1 =	vimm.s32 $0x0  }
0x39f: {  	v1 =	vsel vm6, $0xFFFFFFFF, v1  }
0x3a0: {  	[tilespmem:$0x1F7A0] =	vst v1;
	v1 =	vld [tilespmem:$0x1F8C0];
	_ =	sdelay $0x4  }
0x3a1: {  	vm6 =	vnez.u8 v1;
	v1 =	vld [tilespmem:$0x1F8F0];
	_ =	sdelay $0x4  }
0x3a2: {  	v58 =	vsel vm6, $0x3F800000, v0;
	vm6 =	vnez.u8 v1;
	v1 =	vld [tilespmem:$0x1F900];
	_ =	sdelay $0x4  }
0x3a3: {  	v59 =	vsel vm6, $0x3F800000, v0;
	vm6 =	vnez.u8 v1;
	v1 =	vld [tilespmem:$0x1F610];
	_ =	sdelay $0x4  }
0x3a4: {  	v60 =	vsel vm6, $0x3F800000, v0;
	vm6 =	vnez.u8 v1  }
0x3a5: {  	v1 =	vimm.s32 $0x0;
	vm7 =	vmmov vm6  }
0x3a6: {  	v1 =	vsel vm7, $0xFFFFFFFF, v1  }
0x3a7: {  	[tilespmem:$0x1F3D0] =	vst v1;
	v1 =	vld [tilespmem:$0x1F620];
	_ =	sdelay $0x4  }
0x3a8: {  	vm6 =	vnez.u8 v1;
	v1 =	vld [tilespmem:$0x1F910];
	_ =	sdelay $0x4  }
0x3a9: {  	vm7 =	vmmov vm6;
	vm6 =	vnez.u8 v1;
	v1 =	vld [tilespmem:$0x1F950];
	_ =	sdelay $0x4  }
0x3aa: {  	v63 =	vsel vm6, $0x3F800000, v0;
	vm6 =	vnez.u8 v1;
	v1 =	vld [tilespmem:$0x1F960];
	_ =	sdelay $0x4  }
0x3ab: {  	v6 =	vsel vm6, $0x3F800000, v0;
	vm6 =	vnez.u8 v1;
	v1 =	vld [tilespmem:$0x1F970];
	_ =	sdelay $0x3  }
0x3ac: {  	v57 =	vmax.f32 v57, v42  }
0x3ad: {  	v57 =	vmax.f32 v57, v37;
	v10 =	vsel vm6, $0x3F800000, v0;
	vm6 =	vnez.u8 v1;
	v1 =	vld [tilespmem:$0x1F980]  }
0x3ae: {  	v61 =	vsel vm13, $0x3F800000, v0;
	v62 =	vsel vm14, $0x3F800000, v0;
	v57 =	vmax.f32 v57, v34  }
0x3af: {  	v12 =	vsel vm8, $0x3F800000, v0;
	v15 =	vsel vm3, $0x3F800000, v0;
	v57 =	vmax.f32 v57, v32  }
0x3b0: {  	v17 =	vsel vm11, $0x3F800000, v0;
	v18 =	vsel vm12, $0x3F800000, v0;
	v57 =	vmax.f32 v57, v27  }
0x3b1: {  	v2 =	vsel vm10, $0x3F800000, v0;
	v12 =	vadd.f32 v15, v12;
	v15 =	vmax.f32 v57, v26  }
0x3b2: {  	v13 =	vsel vm6, $0x3F800000, v0;
	vm6 =	vnez.u8 v1;
	v1 =	vsel vm9, $0x3F800000, v0  }
0x3b3: {  	v3 =	vsel vm4, $0x3F800000, v0;
	v8 =	vld [tilespmem:$0x1F9B0];
	v1 =	vadd.f32 v2, v1;
	v2 =	vsub.f32 v48, v15  }
0x3b4: {  	v4 =	vsel vm5, $0x3F800000, v0;
	v17 =	vadd.f32 v18, v17;
	v18 =	vsub.f32 v49, v15  }
0x3b5: {  	v5 =	vsel vm0, $0x3F800000, v0;
	v7 =	vsel vm1, $0x3F800000, v0;
	v2 =	vmul.f32 $1.442695020e+00, v2  }
0x3b6: {  	v61 =	vadd.f32 v62, v61;
	v62 =	vsub.f32 v42, v15;
	v57 =	vmul.f32 $1.442695020e+00, v18  }
0x3b7: {  	v9 =	vsel vm2, $0x3F800000, v0;
	v3 =	vadd.f32 v4, v3;
	(erf) = vpow2.f32 v2  }
0x3b8: {  	vm0 =	vnez.u8 v8;
	v2 =	vmul.f32 $1.442695020e+00, v62;
	(erf) = vpow2.f32 v57  }
0x3b9: {  	v5 =	vadd.f32 v7, v5;
	v8 =	vsel vm0, $0x3F800000, v0;
	v34 =	vsub.f32 v34, v15;
	v48 =	vld [tilespmem:$0x1F9C0]  }
0x3ba: {  	v49 =	vld [tilespmem:$0x1F9D0];
	v8 =	vadd.f32 v9, v8;
	v6 =	vadd.f32 v6, v12;
	(erf) = vpow2.f32 v2  }
0x3bb: {  	v12 =	vsub.f32 v37, v15;
	v3 =	vadd.f32 v3, v13;
	v13 =	vld [tilespmem:$0x1F990]  }
0x3bc: {  	v42 =	vmul.f32 $1.442695020e+00, v34;
	v18 =	vadd.f32 v58, v61;
	v58 =	vsub.f32 v27, v15  }
0x3bd: {  	v37 =	vld [tilespmem:$0x1F9A0];
	v9 =	vmul.f32 $1.442695020e+00, v12;
	v10 =	vadd.f32 v17, v10;
	v14 =	vsel vm6, $0x3F800000, v0  }
0x3be: {  	v62 =	vsub.f32 v26, v15;
	vm0 =	vnez.u8 v48;
	v48 =	vsub.f32 v32, v15  }
0x3bf: {  	v4 =	vsel vm0, $0x3F800000, v0;
	vm0 =	vnez.u8 v49;
	v49 =	vadd.f32 v56, v18;
	v56 =	vld [tilespmem:$0x1F920]  }
0x3c0: {  	v61 =	vld [tilespmem:$0x1F930];
	v2 =	vadd.f32 v5, v14;
	v7 =	vsel vm0, $0x3F800000, v0;
	vm0 =	vnez.u8 v13;
	v14 =	vpop (erf)  }
0x3c1: {  	v32 =	vld [tilespmem:$0x1F940];
	(erf) = vpow2.f32 v9;
	v57 =	vmul.f32 $1.442695020e+00, v48;
	v4 =	vadd.f32 v7, v4;
	v34 =	vpop (erf)  }
0x3c2: {  	v7 =	vsel vm0, $0x3F800000, v0;
	vm0 =	vnez.u8 v37;
	v37 =	vld [tilespmem:$0x1F3C0];
	v15 =	vadd.f32 v34, v14  }
0x3c3: {  	(erf) = vpow2.f32 v42;
	v49 =	vadd.f32 v53, v49;
	v53 =	vld [tilespmem:$0x1F8A0];
	v5 =	vadd.f32 v8, v7;
	v42 =	vpop (erf)  }
0x3c4: {  	v7 =	vsel vm0, $0x3F800000, v0;
	vm0 =	vnez.u8 v56;
	v48 =	vadd.f32 v15, v42;
	v15 =	vld [tilespmem:$0x1F8B0]  }
0x3c5: {  	v12 =	vsel vm0, $0x3F800000, v0;
	vm0 =	vnez.u8 v61  }
0x3c6: {  	v60 =	vadd.f32 v10, v60;
	v10 =	vsel vm0, $0x3F800000, v0;
	vm0 =	vnez.u8 v32  }
0x3c7: {  	v4 =	vadd.f32 v4, v7;
	v7 =	vsel vm0, $0x3F800000, v0;
	vm0 =	vnez.u8 v37  }
0x3c8: {  	v5 =	vadd.f32 v5, v7;
	v7 =	vsel vm0, $0x3F800000, v0;
	vm0 =	vnez.u8 v53  }
0x3c9: {  	v2 =	vadd.f32 v2, v10;
	v9 =	vsel vm0, $0x3F800000, v0;
	vm0 =	vnez.u8 v15  }
0x3ca: {  	v56 =	vld [tilespmem:$0x1F8D0];
	v15 =	vsel vm0, $0x3F800000, v0  }
0x3cb: {  	v2 =	vadd.f32 v2, v15;
	v15 =	vld [tilespmem:$0x1F8E0];
	_ =	sdelay $0x3  }
0x3cc: {  	vm0 =	vnez.u8 v56  }
0x3cd: {  	v4 =	vadd.f32 v4, v7;
	v26 =	vsel vm0, $0x3F800000, v0;
	vm0 =	vnez.u8 v15  }
0x3ce: {  	v18 =	vld [tilespmem:$0x1F840];
	v15 =	vsel vm0, $0x3F800000, v0  }
0x3cf: {  	v11 =	vsel vm15, $0x3F800000, v0;
	v4 =	vadd.f32 v4, v15;
	v15 =	vld [tilespmem:$0x1F850]  }
0x3d0: {  	v1 =	vadd.f32 v1, v11;
	_ =	sdelay $0x1  }
0x3d1: {  	v1 =	vadd.f32 v1, v63  }
0x3d2: {  	v8 =	vadd.f32 v60, v54;
	vm0 =	vnez.u8 v18  }
0x3d3: {  	v1 =	vadd.f32 v1, v52;
	v18 =	vsel vm0, $0x3F800000, v0;
	vm0 =	vnez.u8 v15  }
0x3d4: {  	v8 =	vadd.f32 v8, v18;
	v18 =	vld [tilespmem:$0x1F860];
	v15 =	vsel vm0, $0x3F800000, v0  }
0x3d5: {  	v1 =	vadd.f32 v1, v15;
	v15 =	vld [tilespmem:$0x1F870];
	_ =	sdelay $0x3  }
0x3d6: {  	vm0 =	vnez.u8 v18  }
0x3d7: {  	v27 =	vsel vm0, $0x3F800000, v0;
	vm0 =	vnez.u8 v15  }
0x3d8: {  	v15 =	vsel vm0, $0x3F800000, v0  }
0x3d9: {  	v2 =	vadd.f32 v2, v15;
	v15 =	vld [tilespmem:$0x1F880]  }
0x3da: {  	v11 =	vmul.f32 $1.442695020e+00, v58;
	(erf) = vpow2.f32 v57;
	_ =	sdelay $0x1  }
0x3db: {  	v17 =	vmul.f32 $1.442695020e+00, v62;
	(erf) = vpow2.f32 v11  }
0x3dc: {  	v6 =	vadd.f32 v59, v6  }
0x3dd: {  	(erf) = vpow2.f32 v17;
	v5 =	vadd.f32 v5, v26;
	vm0 =	vnez.u8 v15  }
0x3de: {  	v6 =	vadd.f32 v55, v6;
	v3 =	vadd.f32 v3, v12;
	v55 =	vpop (erf);
	v15 =	vsel vm0, $0x3F800000, v0  }
0x3df: {  	v11 =	vadd.f32 v48, v55;
	v5 =	vadd.f32 v5, v15;
	v15 =	vld [tilespmem:$0x1F890]  }
0x3e0: {  	v17 =	vpop (erf)  }
0x3e1: {  	v3 =	vadd.f32 v3, v9;
	v11 =	vadd.f32 v11, v17  }
0x3e2: {  	v57 =	vpop (erf)  }
0x3e3: {  	v11 =	vadd.f32 v11, v57;
	v3 =	vadd.f32 v3, v27;
	v27 =	vld [tilespmem:$0x1F810]  }
0x3e4: {  	v58 =	vld [tilespmem:$0x1F820];
	v26 =	vpop (erf);
	vm0 =	vnez.u8 v15  }
0x3e5: {  	v59 =	vld [tilespmem:$0x1F830];
	v11 =	vadd.f32 v11, v26;
	v15 =	vsel vm0, $0x3F800000, v0  }
0x3e6: {  	v18 =	vpop (erf);
	v4 =	vadd.f32 v4, v15;
	v15 =	vld [tilespmem:$0x1F7E0]  }
0x3e7: {  	v11 =	vadd.f32 v11, v18  }
0x3e8: {  	v6 =	vadd.f32 v51, v6;
	vm0 =	vnez.u8 v27  }
0x3e9: {  	(erf) = vrcp.f32 v11;
	v27 =	vsel vm0, $0x3F800000, v0;
	vm0 =	vnez.u8 v58  }
0x3ea: {  	v11 =	vsel vm0, $0x3F800000, v0;
	v2 =	vadd.f32 v2, v27;
	vm0 =	vnez.u8 v59  }
0x3eb: {  	v5 =	vadd.f32 v5, v11;
	v11 =	vsel vm0, $0x3F800000, v0;
	vm0 =	vnez.u8 v15  }
0x3ec: {  	v60 =	vld [tilespmem:$0x1F7F0];
	v15 =	vsel vm0, $0x3F800000, v0  }
0x3ed: {  	v6 =	vadd.f32 v44, v6;
	v2 =	vadd.f32 v2, v15;
	v15 =	vld [tilespmem:$0x1F800]  }
0x3ee: {  	v7 =	vadd.f32 v50, v49;
	v8 =	vadd.f32 v8, v47  }
0x3ef: {  	v6 =	vadd.f32 v40, v6;
	v27 =	vld [tilespmem:$0x1F7B0]  }
0x3f0: {  	v7 =	vadd.f32 v43, v7;
	v8 =	vadd.f32 v8, v38  }
0x3f1: {  	v61 =	vld [tilespmem:$0x1F7C0];
	v1 =	vadd.f32 v1, v45;
	v3 =	vadd.f32 v3, v46;
	vm0 =	vnez.u8 v60  }
0x3f2: {  	v4 =	vadd.f32 v4, v11;
	v11 =	vsel vm0, $0x3F800000, v0;
	vm0 =	vnez.u8 v15  }
0x3f3: {  	v1 =	vadd.f32 v1, v39;
	v3 =	vadd.f32 v3, v41;
	v15 =	vsel vm0, $0x3F800000, v0  }
0x3f4: {  	v8 =	vadd.f32 v8, v33;
	vm0 =	vnez.u8 v27;
	v4 =	vadd.f32 v4, v15;
	v15 =	vld [tilespmem:$0x1F7D0]  }
0x3f5: {  	v1 =	vadd.f32 v1, v36;
	v3 =	vadd.f32 v3, v35;
	v27 =	vsel vm0, $0x3F800000, v0  }
0x3f6: {  	v62 =	vld [tilespmem:$0x1F7A0];
	v5 =	vadd.f32 v5, v11;
	vm0 =	vnez.u8 v61;
	v2 =	vadd.f32 v2, v27  }
0x3f7: {  	v1 =	vadd.f32 v1, v28;
	v3 =	vadd.f32 v3, v29;
	v11 =	vsel vm0, $0x3F800000, v0  }
0x3f8: {  	vm1 =	vlt.f32 v6, $1.500000000e+00;
	v5 =	vadd.f32 v5, v11;
	v2 =	vadd.f32 v2, v30  }
0x3f9: {  	vm4 =	vlt.f32 v1, $1.500000000e+00;
	v3 =	vadd.f32 v3, v24;
	vm0 =	vnez.u8 v15;
	v15 =	vpop (erf)  }
0x3fa: {  	v5 =	vadd.f32 v5, v31;
	v2 =	vadd.f32 v2, v25;
	v14 =	vmul.f32 v15, v14  }
0x3fb: {  	v27 =	vsel vm0, $0x3F800000, v0;
	vm0 =	vnez.u8 v62;
	v63 =	vmul.f32 v15, v34  }
0x3fc: {  	v32 =	vmul.f32 v15, v42;
	v5 =	vadd.f32 v5, v22;
	v12 =	vadd.f32 $0.0e+00, v14  }
0x3fd: {  	v4 =	vadd.f32 v4, v27;
	v11 =	vsel vm0, $0x3F800000, v0;
	vm0 =	vlt.f32 v7, $1.500000000e+00  }
0x3fe: {  	v43 =	vld [tilespmem:$0x1F760];
	v1 =	vadd.f32 v2, v21;
	v34 =	vnsel vm1, $0x0, v63;
	v33 =	vnsel vm0, $0x0, v12  }
0x3ff: {  	vm2 =	vlt.f32 v8, $1.500000000e+00;
	v41 =	vld [tilespmem:$0x1F780];
	v4 =	vadd.f32 v4, v11;
	v35 =	vadd.f32 v33, v34  }
0x400: {  	v36 =	vmul.f32 v15, v55;
	v37 =	vnsel vm2, $0x0, v32;
	vm6 =	vlt.f32 v1, $1.500000000e+00;
	v1 =	vld [tilespmem:$0x1F790]  }
0x401: {  	v4 =	vadd.f32 v4, v23;
	v2 =	vadd.f32 v35, v37  }
0x402: {  	v38 =	vmul.f32 v15, v17;
	v5 =	vadd.f32 v5, v20;
	v39 =	vnsel vm4, $0x0, v36  }
0x403: {  	vm5 =	vlt.f32 v3, $1.500000000e+00;
	v3 =	vadd.f32 v4, v19;
	v2 =	vadd.f32 v2, v39  }
0x404: {  	v40 =	vmul.f32 v15, v57;
	v42 =	vnsel vm5, $0x0, v38;
	v5 =	vadd.f32 v5, v41  }
0x405: {  	v54 =	vld [tilespmem:$0x1F6A0];
	vm3 =	vnez.u8 v43;
	v1 =	vadd.f32 v3, v1;
	v2 =	vadd.f32 v2, v42  }
0x406: {  	v53 =	vld [tilespmem:$0x1F680];
	v9 =	vsel vm3, $0x3F800000, v0;
	v45 =	vnsel vm6, $0x0, v40;
	v3 =	vmul.f32 v15, v26  }
0x407: {  	v49 =	vld [tilespmem:$0x1F630];
	vm3 =	vlt.f32 v5, $1.500000000e+00;
	v1 =	vadd.f32 v1, v9;
	v2 =	vadd.f32 v2, v45  }
0x408: {  	v56 =	vld [tilespmem:$0x1F6F0];
	v47 =	vimm.s32 $0x0;
	v46 =	vmul.f32 v15, v18;
	v48 =	vnsel vm3, $0x0, v3  }
0x409: {  	v58 =	vld [tilespmem:$0x1F6C0];
	v9 =	vsel vm3, $0xFFFFFFFF, v47;
	vm3 =	vlt.f32 v1, $1.500000000e+00;
	v1 =	vadd.f32 v2, v48  }
0x40a: {  	v57 =	vld [tilespmem:$0x1F670];
	v52 =	vnsel vm3, $0x0, v46  }
0x40b: {  	v2 =	vld [tilespmem:$0x1F650];
	v1 =	vadd.f32 v1, v52  }
0x40c: {  	v55 =	vld [tilespmem:$0x1F6D0]  }
0x40d: {  	v44 =	vimm.s32 $0x0;
	(erf) = vrcp.f32 v1;
	v1 =	vld [tilespmem:$0x1F710]  }
0x40e: {  	v11 =	vsel vm6, $0xFFFFFFFF, v44;
	v60 =	vmov v3;
	v3 =	vld [tilespmem:$0x1F750]  }
0x40f: {  	v61 =	vld [tilespmem:$0x1F770];
	[tilespmem:$0x1F610] =	vst v11;
	v11 =	vmul.f32 v16, v49  }
0x410: {  	v62 =	vld [tilespmem:$0x1F3D0];
	vm6 =	vnez.u8 v57;
	v2 =	vmul.f32 v16, v2  }
0x411: {  	v8 =	vnsel vm6, $0x0, v11;
	vm6 =	vnez.u8 v58;
	[tilespmem:$0x1F620] =	vst v9;
	v9 =	vmul.f32 v16, v53  }
0x412: {  	v12 =	vmul.f32 v16, v54;
	v2 =	vnsel vm6, $0x0, v2;
	vm6 =	vnez.u8 v1  }
0x413: {  	s20 =	sshra.s32 s19, $0x2;
	v6 =	vmul.f32 v16, v55;
	v1 =	vnsel vm6, $0x0, v9;
	vm6 =	vnez.u8 v3  }
0x414: {  	v7 =	vmul.f32 v16, v56;
	v26 =	vld [tilespmem:s20+$0xC00];
	[tilespmem:s17+$0xC80] =	vst v8;
	v3 =	vnsel vm6, $0x0, v12;
	vm6 =	vnez.u8 v61  }
0x415: {  	v27 =	vld [tilespmem:s20+$0xB80];
	[tilespmem:s17+$0xD00] =	vst v2;
	v4 =	vnsel vm6, $0x0, v6;
	vm6 =	vnez.u8 v62  }
0x416: {  	v15 =	vmovc v32;
	v32 =	vld [tilespmem:s20+$0xB00];
	[tilespmem:s17+$0xD80] =	vst v1;
	v1 =	vimm.s32 $0x0;
	v6 =	vnsel vm6, $0x0, v7;
	vm6 =	vmmov vm0  }
0x417: {  	v1 =	vsel vm6, $0xFFFFFFFF, v1  }
0x418: {  	[tilespmem:$0x1F670] =	vst v1;
	v1 =	vld [tilespmem:$0x1F690];
	_ =	sdelay $0x4  }
0x419: {  	v1 =	vadd.f32 v15, v1;
	_ =	sdelay $0x1  }
0x41a: {  	[tilespmem:$0x1F690] =	vst v1;
	v1 =	vld [tilespmem:$0x1F6B0];
	_ =	sdelay $0x3  }
0x41b: {  	v17 =	vmov v36  }
0x41c: {  	v1 =	vadd.f32 v17, v1;
	_ =	sdelay $0x1  }
0x41d: {  	vm0 =	vmmov vm1;
	[tilespmem:$0x1F6B0] =	vst v1;
	v1 =	vimm.s32 $0x0  }
0x41e: {  	v1 =	vsel vm0, $0xFFFFFFFF, v1  }
0x41f: {  	[tilespmem:$0x1F6C0] =	vst v1;
	v1 =	vld [tilespmem:$0x1F6E0];
	_ =	sdelay $0x3  }
0x420: {  	v18 =	vmov v38  }
0x421: {  	v1 =	vadd.f32 v18, v1  }
0x422: {  	v59 =	vld [tilespmem:$0x1F720]  }
0x423: {  	[tilespmem:$0x1F6E0] =	vst v1;
	v1 =	vld [tilespmem:$0x1F700];
	_ =	sdelay $0x3  }
0x424: {  	v10 =	vmul.f32 v16, v59;
	v16 =	vmov v40  }
0x425: {  	v1 =	vadd.f32 v16, v1;
	_ =	sdelay $0x1  }
0x426: {  	vm0 =	vmmov vm2;
	[tilespmem:$0x1F700] =	vst v1;
	v1 =	vimm.s32 $0x0  }
0x427: {  	v1 =	vsel vm0, $0xFFFFFFFF, v1  }
0x428: {  	[tilespmem:$0x1F710] =	vst v1;
	v1 =	vld [tilespmem:$0x1F730];
	_ =	sdelay $0x4  }
0x429: {  	v1 =	vadd.f32 v60, v1;
	_ =	sdelay $0x1  }
0x42a: {  	[tilespmem:$0x1F730] =	vst v1;
	v1 =	vld [tilespmem:$0x1F740];
	_ =	sdelay $0x4  }
0x42b: {  	v1 =	vadd.f32 v46, v1;
	_ =	sdelay $0x1  }
0x42c: {  	vm0 =	vmmov vm4;
	[tilespmem:$0x1F740] =	vst v1;
	v1 =	vimm.s32 $0x0  }
0x42d: {  	v1 =	vsel vm0, $0xFFFFFFFF, v1  }
0x42e: {  	vm0 =	vgt.f32 v26, v27;
	[tilespmem:$0x1F750] =	vst v1;
	v1 =	vimm.s32 $0x0  }
0x42f: {  	v1 =	vsel vm0, $0xFFFFFFFF, v1  }
0x430: {  	vm0 =	veq.f32 v27, v26;
	[tilespmem:$0x1F3E0] =	vst v1;
	v1 =	vimm.s32 $0x0  }
0x431: {  	v1 =	vsel vm0, $0xFFFFFFFF, v1  }
0x432: {  	vm0 =	vmmov vm5;
	[tilespmem:$0x1F760] =	vst v1;
	v1 =	vimm.s32 $0x0  }
0x433: {  	v1 =	vsel vm0, $0xFFFFFFFF, v1  }
0x434: {  	vm0 =	vgt.f32 v26, v32;
	[tilespmem:$0x1F770] =	vst v1;
	v1 =	vimm.s32 $0x0  }
0x435: {  	v34 =	vld [tilespmem:s20+$0xA80];
	v1 =	vsel vm0, $0xFFFFFFFF, v1  }
0x436: {  	vm0 =	veq.f32 v32, v27;
	[tilespmem:$0x1F400] =	vst v1;
	v1 =	vimm.s32 $0x0  }
0x437: {  	v1 =	vsel vm0, $0xFFFFFFFF, v1  }
0x438: {  	vm0 =	vgt.f32 v27, v26;
	[tilespmem:$0x1F410] =	vst v1;
	v1 =	vimm.s32 $0x0  }
0x439: {  	[tilespmem:s17+$0xE00] =	vst v3;
	v1 =	vsel vm0, $0xFFFFFFFF, v1  }
0x43a: {  	v2 =	vld [tilespmem:$0x1F640];
	vm0 =	vgt.f32 v26, v34;
	[tilespmem:$0x1F3F0] =	vst v1;
	v1 =	vimm.s32 $0x0  }
0x43b: {  	v37 =	vld [tilespmem:s20+$0xA00];
	v1 =	vsel vm0, $0xFFFFFFFF, v1  }
0x43c: {  	vm0 =	vgt.f32 v27, v32;
	[tilespmem:$0x1F430] =	vst v1;
	v1 =	vimm.s32 $0x0  }
0x43d: {  	v1 =	vsel vm0, $0xFFFFFFFF, v1  }
0x43e: {  	v50 =	vmov v14;
	vm0 =	veq.f32 v32, v26;
	[tilespmem:$0x1F440] =	vst v1;
	v1 =	vimm.s32 $0x0  }
0x43f: {  	v2 =	vadd.f32 v50, v2;
	[tilespmem:s17+$0xE80] =	vst v4;
	v1 =	vsel vm0, $0xFFFFFFFF, v1  }
0x440: {  	vm0 =	vgt.f32 v26, v37;
	[tilespmem:$0x1F420] =	vst v1;
	v1 =	vimm.s32 $0x0  }
0x441: {  	[tilespmem:$0x1F640] =	vst v2;
	v1 =	vsel vm0, $0xFFFFFFFF, v1  }
0x442: {  	v2 =	vld [tilespmem:$0x1F660];
	vm0 =	vgt.f32 v32, v27;
	[tilespmem:$0x1F460] =	vst v1;
	v1 =	vimm.s32 $0x0  }
0x443: {  	[tilespmem:s17+$0xF00] =	vst v6;
	v1 =	vsel vm0, $0xFFFFFFFF, v1  }
0x444: {  	v42 =	vld [tilespmem:s20+$0x980];
	vm0 =	vgt.f32 v32, v26;
	[tilespmem:$0x1F450] =	vst v1;
	v1 =	vimm.s32 $0x0  }
0x445: {  	v1 =	vsel vm0, $0xFFFFFFFF, v1  }
0x446: {  	v51 =	vmov v63;
	vm0 =	vgt.f32 v27, v34;
	[tilespmem:$0x1F480] =	vst v1;
	v1 =	vimm.s32 $0x0  }
0x447: {  	v2 =	vadd.f32 v51, v2;
	v1 =	vsel vm0, $0xFFFFFFFF, v1  }
0x448: {  	vm0 =	veq.f32 v34, v32;
	[tilespmem:$0x1F470] =	vst v1;
	v1 =	vimm.s32 $0x0  }
0x449: {  	[tilespmem:$0x1F660] =	vst v2;
	v2 =	vimm.s32 $0x0;
	v1 =	vsel vm0, $0xFFFFFFFF, v1;
	vm0 =	vgt.f32 v26, v42  }
0x44a: {  	v2 =	vsel vm0, $0xFFFFFFFF, v2  }
0x44b: {  	vm0 =	veq.f32 v34, v27;
	[tilespmem:$0x1F490] =	vst v2;
	v2 =	vimm.s32 $0x0  }
0x44c: {  	v2 =	vsel vm0, $0xFFFFFFFF, v2  }
0x44d: {  	vm0 =	veq.f32 v34, v26;
	[tilespmem:$0x1F4B0] =	vst v2;
	v2 =	vimm.s32 $0x0  }
0x44e: {  	v2 =	vsel vm0, $0xFFFFFFFF, v2  }
0x44f: {  	vm0 =	vgt.f32 v27, v37;
	[tilespmem:$0x1F7A0] =	vst v2;
	v2 =	vimm.s32 $0x0  }
0x450: {  	[tilespmem:$0x1F6F0] =	vst v16;
	v2 =	vsel vm0, $0xFFFFFFFF, v2  }
0x451: {  	v63 =	vnsel vm7, $0x0, v10;
	vm0 =	vgt.f32 v32, v34;
	[tilespmem:$0x1F4D0] =	vst v2;
	v2 =	vimm.s32 $0x0  }
0x452: {  	[tilespmem:s17+$0xF80] =	vst v63;
	s17 =	smov.u32 s18;
	s18 =	smov.u32 s20;
	v2 =	vsel vm0, $0xFFFFFFFF, v2  }
0x453: {  	v48 =	vld [tilespmem:s18+$0x880];
	vm0 =	vgt.f32 v34, v32;
	[tilespmem:$0x1F4E0] =	vst v2;
	v2 =	vimm.s32 $0x0  }
0x454: {  	v16 =	vpop (erf);
	[tilespmem:$0x1F4A0] =	vst v1;
	v2 =	vsel vm0, $0xFFFFFFFF, v2  }
0x455: {  	v49 =	vld [tilespmem:s18+$0x900];
	v1 =	vmul.f32 v16, v46;
	vm0 =	vgt.f32 v34, v27;
	[tilespmem:$0x1F7B0] =	vst v2;
	v2 =	vimm.s32 $0x0  }
0x456: {  	v2 =	vsel vm0, $0xFFFFFFFF, v2  }
0x457: {  	v1 =	vnsel vm3, $0x0, v1;
	vm0 =	vgt.f32 v34, v26;
	[tilespmem:$0x1F7C0] =	vst v2;
	v2 =	vimm.s32 $0x0  }
0x458: {  	[tilespmem:s17+$0x1000] =	vst v1;
	v1 =	vimm.s32 $0x0;
	v2 =	vsel vm0, $0xFFFFFFFF, v2;
	vm0 =	vgt.f32 v26, v48  }
0x459: {  	v1 =	vsel vm0, $0xFFFFFFFF, v1  }
0x45a: {  	vm0 =	vgt.f32 v26, v49;
	[tilespmem:$0x1F4C0] =	vst v1;
	v1 =	vimm.s32 $0x0  }
0x45b: {  	v1 =	vsel vm0, $0xFFFFFFFF, v1  }
0x45c: {  	vm0 =	vgt.f32 v27, v42;
	[tilespmem:$0x1F4F0] =	vst v1;
	v1 =	vimm.s32 $0x0  }
0x45d: {  	v1 =	vsel vm0, $0xFFFFFFFF, v1  }
0x45e: {  	vm0 =	vgt.f32 v32, v37;
	[tilespmem:$0x1F500] =	vst v1;
	v1 =	vimm.s32 $0x0  }
0x45f: {  	v1 =	vsel vm0, $0xFFFFFFFF, v1  }
0x460: {  	vm0 =	veq.f32 v37, v34;
	[tilespmem:$0x1F510] =	vst v1;
	v1 =	vimm.s32 $0x0  }
0x461: {  	v1 =	vsel vm0, $0xFFFFFFFF, v1  }
0x462: {  	vm0 =	veq.f32 v37, v32;
	[tilespmem:$0x1F540] =	vst v1;
	v1 =	vimm.s32 $0x0  }
0x463: {  	v1 =	vsel vm0, $0xFFFFFFFF, v1  }
0x464: {  	vm0 =	vgt.f32 v27, v48;
	[tilespmem:$0x1F7E0] =	vst v1;
	v1 =	vimm.s32 $0x0  }
0x465: {  	v1 =	vsel vm0, $0xFFFFFFFF, v1  }
0x466: {  	vm0 =	veq.f32 v37, v27;
	[tilespmem:$0x1F520] =	vst v1;
	v1 =	vimm.s32 $0x0  }
0x467: {  	v1 =	vsel vm0, $0xFFFFFFFF, v1  }
0x468: {  	vm0 =	veq.f32 v37, v26;
	[tilespmem:$0x1F7F0] =	vst v1;
	v1 =	vimm.s32 $0x0  }
0x469: {  	v1 =	vsel vm0, $0xFFFFFFFF, v1  }
0x46a: {  	vm0 =	vgt.f32 v27, v49;
	[tilespmem:$0x1F800] =	vst v1;
	v1 =	vimm.s32 $0x0  }
0x46b: {  	v1 =	vsel vm0, $0xFFFFFFFF, v1  }
0x46c: {  	vm0 =	vgt.f32 v32, v42;
	[tilespmem:$0x1F530] =	vst v1;
	v1 =	vimm.s32 $0x0  }
0x46d: {  	v1 =	vsel vm0, $0xFFFFFFFF, v1  }
0x46e: {  	vm0 =	vgt.f32 v34, v37;
	[tilespmem:$0x1F550] =	vst v1;
	v1 =	vimm.s32 $0x0  }
0x46f: {  	v1 =	vsel vm0, $0xFFFFFFFF, v1  }
0x470: {  	vm0 =	vgt.f32 v37, v34;
	[tilespmem:$0x1F560] =	vst v1;
	v1 =	vimm.s32 $0x0  }
0x471: {  	v1 =	vsel vm0, $0xFFFFFFFF, v1  }
0x472: {  	vm0 =	vgt.f32 v37, v32;
	[tilespmem:$0x1F570] =	vst v1;
	v1 =	vimm.s32 $0x0  }
0x473: {  	v1 =	vsel vm0, $0xFFFFFFFF, v1  }
0x474: {  	vm0 =	vgt.f32 v37, v27;
	[tilespmem:$0x1F810] =	vst v1;
	v1 =	vimm.s32 $0x0  }
0x475: {  	v1 =	vsel vm0, $0xFFFFFFFF, v1  }
0x476: {  	vm0 =	vgt.f32 v32, v48;
	[tilespmem:$0x1F820] =	vst v1;
	v1 =	vimm.s32 $0x0  }
0x477: {  	v1 =	vsel vm0, $0xFFFFFFFF, v1  }
0x478: {  	vm0 =	vgt.f32 v32, v49;
	[tilespmem:$0x1F590] =	vst v1;
	v1 =	vimm.s32 $0x0  }
0x479: {  	v1 =	vsel vm0, $0xFFFFFFFF, v1  }
0x47a: {  	vm0 =	vgt.f32 v37, v26;
	[tilespmem:$0x1F5A0] =	vst v1;
	v1 =	vimm.s32 $0x0  }
0x47b: {  	v1 =	vsel vm0, $0xFFFFFFFF, v1  }
0x47c: {  	vm0 =	vgt.f32 v34, v42;
	[tilespmem:$0x1F830] =	vst v1;
	v1 =	vimm.s32 $0x0  }
0x47d: {  	v1 =	vsel vm0, $0xFFFFFFFF, v1  }
0x47e: {  	vm0 =	veq.f32 v42, v37;
	[tilespmem:$0x1F840] =	vst v1;
	v1 =	vimm.s32 $0x0  }
0x47f: {  	v1 =	vsel vm0, $0xFFFFFFFF, v1  }
0x480: {  	vm0 =	veq.f32 v42, v34;
	[tilespmem:$0x1F850] =	vst v1;
	v1 =	vimm.s32 $0x0  }
0x481: {  	v1 =	vsel vm0, $0xFFFFFFFF, v1  }
0x482: {  	vm0 =	veq.f32 v42, v32;
	[tilespmem:$0x1F860] =	vst v1;
	v1 =	vimm.s32 $0x0  }
0x483: {  	v1 =	vsel vm0, $0xFFFFFFFF, v1  }
0x484: {  	vm0 =	veq.f32 v42, v27;
	[tilespmem:$0x1F870] =	vst v1;
	v1 =	vimm.s32 $0x0  }
0x485: {  	v1 =	vsel vm0, $0xFFFFFFFF, v1  }
0x486: {  	vm0 =	veq.f32 v42, v26;
	[tilespmem:$0x1F880] =	vst v1;
	v1 =	vimm.s32 $0x0  }
0x487: {  	v1 =	vsel vm0, $0xFFFFFFFF, v1  }
0x488: {  	vm0 =	vgt.f32 v34, v48;
	[tilespmem:$0x1F890] =	vst v1;
	v1 =	vimm.s32 $0x0  }
0x489: {  	v1 =	vsel vm0, $0xFFFFFFFF, v1  }
0x48a: {  	vm0 =	vgt.f32 v34, v49;
	[tilespmem:$0x1F580] =	vst v1;
	v1 =	vimm.s32 $0x0  }
0x48b: {  	v1 =	vsel vm0, $0xFFFFFFFF, v1  }
0x48c: {  	vm0 =	vgt.f32 v37, v42;
	[tilespmem:$0x1F5B0] =	vst v1;
	v1 =	vimm.s32 $0x0  }
0x48d: {  	v1 =	vsel vm0, $0xFFFFFFFF, v1  }
0x48e: {  	vm0 =	vgt.f32 v42, v37;
	[tilespmem:$0x1F5C0] =	vst v1;
	v1 =	vimm.s32 $0x0  }
0x48f: {  	v1 =	vsel vm0, $0xFFFFFFFF, v1  }
0x490: {  	vm0 =	vgt.f32 v42, v34;
	[tilespmem:$0x1F5D0] =	vst v1;
	v1 =	vimm.s32 $0x0  }
0x491: {  	v1 =	vsel vm0, $0xFFFFFFFF, v1  }
0x492: {  	vm0 =	vgt.f32 v42, v32;
	[tilespmem:$0x1F8A0] =	vst v1;
	v1 =	vimm.s32 $0x0  }
0x493: {  	v1 =	vsel vm0, $0xFFFFFFFF, v1  }
0x494: {  	vm0 =	vgt.f32 v37, v48;
	[tilespmem:$0x1F8B0] =	vst v1;
	v1 =	vimm.s32 $0x0  }
0x495: {  	v1 =	vsel vm0, $0xFFFFFFFF, v1  }
0x496: {  	vm0 =	vgt.f32 v42, v27;
	[tilespmem:$0x1F8C0] =	vst v1;
	v1 =	vimm.s32 $0x0  }
0x497: {  	v1 =	vsel vm0, $0xFFFFFFFF, v1  }
0x498: {  	vm0 =	vgt.f32 v42, v26;
	[tilespmem:$0x1F8D0] =	vst v1;
	v1 =	vimm.s32 $0x0  }
0x499: {  	v1 =	vsel vm0, $0xFFFFFFFF, v1  }
0x49a: {  	vm0 =	vgt.f32 v37, v49;
	[tilespmem:$0x1F8E0] =	vst v1;
	v1 =	vimm.s32 $0x0  }
0x49b: {  	v1 =	vsel vm0, $0xFFFFFFFF, v1  }
0x49c: {  	vm0 =	veq.f32 v49, v42;
	[tilespmem:$0x1F8F0] =	vst v1;
	v1 =	vimm.s32 $0x0  }
0x49d: {  	v1 =	vsel vm0, $0xFFFFFFFF, v1  }
0x49e: {  	vm0 =	veq.f32 v49, v37;
	[tilespmem:$0x1F900] =	vst v1;
	v1 =	vimm.s32 $0x0  }
0x49f: {  	v1 =	vsel vm0, $0xFFFFFFFF, v1  }
0x4a0: {  	vm0 =	veq.f32 v49, v34;
	[tilespmem:$0x1F910] =	vst v1;
	v1 =	vimm.s32 $0x0  }
0x4a1: {  	v1 =	vsel vm0, $0xFFFFFFFF, v1  }
0x4a2: {  	vm0 =	veq.f32 v49, v32;
	[tilespmem:$0x1F920] =	vst v1;
	v1 =	vimm.s32 $0x0  }
0x4a3: {  	v1 =	vsel vm0, $0xFFFFFFFF, v1  }
0x4a4: {  	vm0 =	veq.f32 v49, v27;
	[tilespmem:$0x1F930] =	vst v1;
	v1 =	vimm.s32 $0x0  }
0x4a5: {  	v1 =	vsel vm0, $0xFFFFFFFF, v1  }
0x4a6: {  	vm0 =	vgt.f32 v42, v49;
	[tilespmem:$0x1F940] =	vst v1;
	v1 =	vimm.s32 $0x0  }
0x4a7: {  	v1 =	vsel vm0, $0xFFFFFFFF, v1  }
0x4a8: {  	vm0 =	vgt.f32 v49, v42;
	[tilespmem:$0x1F950] =	vst v1;
	v1 =	vimm.s32 $0x0  }
0x4a9: {  	v1 =	vsel vm0, $0xFFFFFFFF, v1  }
0x4aa: {  	vm0 =	vgt.f32 v49, v34;
	[tilespmem:$0x1F960] =	vst v1;
	v1 =	vimm.s32 $0x0  }
0x4ab: {  	v1 =	vsel vm0, $0xFFFFFFFF, v1  }
0x4ac: {  	vm0 =	vgt.f32 v49, v32;
	[tilespmem:$0x1F970] =	vst v1;
	v1 =	vimm.s32 $0x0  }
0x4ad: {  	v1 =	vsel vm0, $0xFFFFFFFF, v1  }
0x4ae: {  	vm0 =	vgt.f32 v49, v27;
	[tilespmem:$0x1F980] =	vst v1;
	v1 =	vimm.s32 $0x0  }
0x4af: {  	v1 =	vsel vm0, $0xFFFFFFFF, v1  }
0x4b0: {  	vm0 =	vgt.f32 v49, v26;
	[tilespmem:$0x1F990] =	vst v1;
	v1 =	vimm.s32 $0x0  }
0x4b1: {  	v1 =	vsel vm0, $0xFFFFFFFF, v1  }
0x4b2: {  	vm2 =	vgt.f32 v48, v27;
	[tilespmem:$0x1F9A0] =	vst v1;
	v1 =	vimm.s32 $0x0  }
0x4b3: {  	v1 =	vsel vm2, $0xFFFFFFFF, v1  }
0x4b4: {  	vm6 =	vgt.f32 v48, v26;
	[tilespmem:$0x1F9B0] =	vst v1;
	v1 =	vimm.s32 $0x0  }
0x4b5: {  	v1 =	vsel vm6, $0xFFFFFFFF, v1  }
0x4b6: {  	vm6 =	veq.f32 v48, v26;
	[tilespmem:$0x1F9C0] =	vst v1;
	v1 =	vimm.s32 $0x0  }
0x4b7: {  	v1 =	vsel vm6, $0xFFFFFFFF, v1  }
0x4b8: {  	[tilespmem:$0x1F9D0] =	vst v1;
	v1 =	vld [tilespmem:$0x1F3E0];
	_ =	sdelay $0x4  }
0x4b9: {  	vm6 =	vnez.u8 v1  }
0x4ba: {  	v1 =	vsel vm6, $0x3F800000, v0  }
0x4bb: {  	[tilespmem:$0x1F780] =	vst v1;
	v1 =	vld [tilespmem:$0x1F3F0];
	_ =	sdelay $0x4  }
0x4bc: {  	vm6 =	vnez.u8 v1  }
0x4bd: {  	v1 =	vsel vm6, $0x3F800000, v0  }
0x4be: {  	[tilespmem:$0x1F790] =	vst v1;
	v1 =	vld [tilespmem:$0x1F400];
	_ =	sdelay $0x4  }
0x4bf: {  	vm6 =	vnez.u8 v1;
	v1 =	vld [tilespmem:$0x1F410];
	_ =	sdelay $0x4  }
0x4c0: {  	v21 =	vsel vm6, $0x3F800000, v0;
	vm6 =	vnez.u8 v1;
	v1 =	vld [tilespmem:$0x1F420];
	_ =	sdelay $0x4  }
0x4c1: {  	v20 =	vsel vm6, $0x3F800000, v0;
	vm6 =	vnez.u8 v1;
	v1 =	vld [tilespmem:$0x1F430];
	_ =	sdelay $0x4  }
0x4c2: {  	v19 =	vsel vm6, $0x3F800000, v0;
	vm6 =	vnez.u8 v1;
	v1 =	vld [tilespmem:$0x1F440];
	_ =	sdelay $0x4  }
0x4c3: {  	v24 =	vsel vm6, $0x3F800000, v0;
	vm6 =	vnez.u8 v1;
	v1 =	vld [tilespmem:$0x1F450];
	_ =	sdelay $0x4  }
0x4c4: {  	v25 =	vsel vm6, $0x3F800000, v0;
	vm6 =	vnez.u8 v1;
	v1 =	vld [tilespmem:$0x1F460];
	_ =	sdelay $0x4  }
0x4c5: {  	v22 =	vsel vm6, $0x3F800000, v0;
	vm6 =	vnez.u8 v1;
	v1 =	vld [tilespmem:$0x1F470];
	_ =	sdelay $0x4  }
0x4c6: {  	v28 =	vsel vm6, $0x3F800000, v0;
	vm6 =	vnez.u8 v1;
	v1 =	vld [tilespmem:$0x1F480];
	_ =	sdelay $0x4  }
0x4c7: {  	v29 =	vsel vm6, $0x3F800000, v0;
	vm6 =	vnez.u8 v1;
	v1 =	vld [tilespmem:$0x1F490];
	_ =	sdelay $0x4  }
0x4c8: {  	v23 =	vsel vm6, $0x3F800000, v0;
	vm6 =	vnez.u8 v1;
	v1 =	vld [tilespmem:$0x1F4A0];
	_ =	sdelay $0x4  }
0x4c9: {  	v33 =	vsel vm6, $0x3F800000, v0;
	vm6 =	vnez.u8 v1;
	v1 =	vld [tilespmem:$0x1F4B0];
	_ =	sdelay $0x4  }
0x4ca: {  	v30 =	vsel vm6, $0x3F800000, v0;
	vm6 =	vnez.u8 v1;
	v1 =	vld [tilespmem:$0x1F4C0];
	_ =	sdelay $0x4  }
0x4cb: {  	v31 =	vsel vm6, $0x3F800000, v0;
	vm6 =	vnez.u8 v1;
	v1 =	vld [tilespmem:$0x1F4D0];
	_ =	sdelay $0x4  }
0x4cc: {  	v43 =	vsel vm6, $0x3F800000, v0;
	vm6 =	vnez.u8 v1;
	v1 =	vld [tilespmem:$0x1F4E0];
	_ =	sdelay $0x4  }
0x4cd: {  	v36 =	vsel vm6, $0x3F800000, v0;
	vm6 =	vnez.u8 v1;
	v1 =	vld [tilespmem:$0x1F4F0];
	_ =	sdelay $0x4  }
0x4ce: {  	v35 =	vsel vm6, $0x3F800000, v0;
	vm6 =	vnez.u8 v1;
	v1 =	vld [tilespmem:$0x1F500];
	_ =	sdelay $0x4  }
0x4cf: {  	v40 =	vsel vm6, $0x3F800000, v0;
	vm6 =	vnez.u8 v1;
	v1 =	vld [tilespmem:$0x1F510];
	_ =	sdelay $0x4  }
0x4d0: {  	v38 =	vsel vm6, $0x3F800000, v0;
	vm6 =	vnez.u8 v1;
	v1 =	vld [tilespmem:$0x1F520];
	_ =	sdelay $0x4  }
0x4d1: {  	v39 =	vsel vm6, $0x3F800000, v0;
	vm6 =	vnez.u8 v1;
	v1 =	vld [tilespmem:$0x1F530];
	_ =	sdelay $0x4  }
0x4d2: {  	[tilespmem:$0x1F630] =	vst v50;
	v50 =	vsel vm6, $0x3F800000, v0;
	vm6 =	vnez.u8 v1;
	v1 =	vld [tilespmem:$0x1F540];
	_ =	sdelay $0x4  }
0x4d3: {  	v44 =	vsel vm6, $0x3F800000, v0;
	vm6 =	vnez.u8 v1;
	v1 =	vld [tilespmem:$0x1F550];
	_ =	sdelay $0x4  }
0x4d4: {  	v41 =	vsel vm6, $0x3F800000, v0;
	vm6 =	vnez.u8 v1;
	v1 =	vld [tilespmem:$0x1F560];
	_ =	sdelay $0x4  }
0x4d5: {  	v47 =	vsel vm6, $0x3F800000, v0;
	vm6 =	vnez.u8 v1;
	v1 =	vld [tilespmem:$0x1F570];
	_ =	sdelay $0x4  }
0x4d6: {  	v45 =	vsel vm6, $0x3F800000, v0;
	vm6 =	vnez.u8 v1;
	v1 =	vld [tilespmem:$0x1F580];
	_ =	sdelay $0x4  }
0x4d7: {  	v46 =	vsel vm6, $0x3F800000, v0;
	vm6 =	vnez.u8 v1;
	v1 =	vld [tilespmem:$0x1F590];
	_ =	sdelay $0x4  }
0x4d8: {  	v56 =	vsel vm6, $0x3F800000, v0;
	vm6 =	vnez.u8 v1;
	v1 =	vld [tilespmem:$0x1F5A0];
	_ =	sdelay $0x4  }
0x4d9: {  	v53 =	vsel vm6, $0x3F800000, v0;
	vm6 =	vnez.u8 v1;
	v1 =	vld [tilespmem:$0x1F5B0];
	_ =	sdelay $0x4  }
0x4da: {  	[tilespmem:$0x1F650] =	vst v51;
	v51 =	vsel vm6, $0x3F800000, v0;
	vm6 =	vnez.u8 v1;
	v1 =	vld [tilespmem:$0x1F5C0];
	_ =	sdelay $0x4  }
0x4db: {  	vm13 =	vgt.f32 v49, v48;
	v55 =	vsel vm6, $0x3F800000, v0;
	vm6 =	vnez.u8 v1;
	v1 =	vld [tilespmem:$0x1F5D0]  }
0x4dc: {  	p0 =	sne.s32 s19, $0xFFFFFFC0;
	vm14 =	vgt.f32 v42, v48;
	vm7 =	veq.f32 v49, v26;
	vm15 =	vgt.f32 v49, v37  }
.Ltmp1:
0x4dd: {  	[tilespmem:$0x1F6A0] =	vst v17;
	vm8 =	vgt.f32 v48, v49;
	vm11 =	vgt.f32 v48, v42;
	vm12 =	veq.f32 v48, v42;
	(pc) =	sbr.rel @p0 .LBB2_4-.Ltmp1, $4  }
0x4de: {  	[tilespmem:$0x1F6D0] =	vst v18;
	vm9 =	vgt.f32 v48, v37;
	vm10 =	veq.f32 v48, v37;
	vm1 =	veq.f32 v48, v32  }
0x4df: {  	[tilespmem:$0x1F680] =	vst v15;
	v57 =	vmax.f32 v48, v49;
	vm4 =	vgt.f32 v48, v34;
	vm5 =	veq.f32 v48, v34  }
0x4e0: {  	[tilespmem:$0x1F720] =	vst v60;
	vm3 =	veq.f32 v48, v49;
	v54 =	vsel vm6, $0x3F800000, v0;
	vm6 =	vnez.u8 v1  }
0x4e1: {  	s19 =	sadd.s32 $0x40, s19;
	[tilespmem:$0x1F7D0] =	vst v2;
	vm0 =	vgt.f32 v48, v32;
	vm2 =	veq.f32 v48, v27;
	v52 =	vsel vm6, $0x3F800000, v0  }
0x4e2: {  	v1 =	vld [tilespmem:$0x1F8C0];
	_ =	sdelay $0x4  }
0x4e3: {  	vm6 =	vnez.u8 v1  }
0x4e4: {  	v1 =	vsel vm6, $0x3F800000, v0  }
0x4e5: {  	[tilespmem:$0x1F350] =	vst v1;
	v1 =	vld [tilespmem:$0x1F8F0];
	_ =	sdelay $0x4  }
0x4e6: {  	vm6 =	vnez.u8 v1  }
0x4e7: {  	v1 =	vsel vm6, $0x3F800000, v0  }
0x4e8: {  	[tilespmem:$0x1F380] =	vst v1;
	v1 =	vld [tilespmem:$0x1F900];
	_ =	sdelay $0x4  }
0x4e9: {  	vm6 =	vnez.u8 v1  }
0x4ea: {  	v1 =	vsel vm6, $0x3F800000, v0  }
0x4eb: {  	[tilespmem:$0x1F390] =	vst v1;
	v1 =	vld [tilespmem:$0x1F910];
	_ =	sdelay $0x4  }
0x4ec: {  	vm6 =	vnez.u8 v1  }
0x4ed: {  	v1 =	vsel vm6, $0x3F800000, v0  }
0x4ee: {  	[tilespmem:$0x1F3A0] =	vst v1;
	v1 =	vld [tilespmem:$0x1F950];
	_ =	sdelay $0x4  }
0x4ef: {  	v5 =	vsel vm14, $0x3F800000, v0;
	vm14 =	vnez.u8 v1;
	v1 =	vld [tilespmem:$0x1F960];
	_ =	sdelay $0x4  }
0x4f0: {  	v4 =	vsel vm13, $0x3F800000, v0;
	vm13 =	vnez.u8 v1  }
0x4f1: {  	v1 =	vsel vm13, $0x3F800000, v0  }
0x4f2: {  	[tilespmem:$0x1F360] =	vst v1;
	v1 =	vld [tilespmem:$0x1F970];
	_ =	sdelay $0x4  }
0x4f3: {  	v57 =	vmax.f32 v57, v42;
	v7 =	vsel vm14, $0x3F800000, v0;
	vm14 =	vnez.u8 v1;
	v1 =	vld [tilespmem:$0x1F980]  }
0x4f4: {  	v8 =	vld [tilespmem:$0x1F920];
	v57 =	vmax.f32 v57, v37  }
0x4f5: {  	v57 =	vmax.f32 v57, v34  }
0x4f6: {  	v57 =	vmax.f32 v57, v32  }
0x4f7: {  	v9 =	vsel vm15, $0x3F800000, v0;
	v10 =	vsel vm8, $0x3F800000, v0;
	v57 =	vmax.f32 v57, v27  }
0x4f8: {  	v4 =	vadd.f32 v5, v4;
	v5 =	vmax.f32 v57, v26;
	v57 =	vld [tilespmem:$0x1F940];
	vm15 =	vnez.u8 v1  }
0x4f9: {  	v13 =	vsel vm3, $0x3F800000, v0;
	vm13 =	vnez.u8 v8;
	v8 =	vld [tilespmem:$0x1F930];
	v1 =	vsel vm15, $0x3F800000, v0  }
0x4fa: {  	v14 =	vsel vm11, $0x3F800000, v0;
	v15 =	vsel vm12, $0x3F800000, v0;
	v17 =	vsel vm9, $0x3F800000, v0;
	[tilespmem:$0x1F370] =	vst v1;
	v1 =	vld [tilespmem:$0x1F9B0]  }
0x4fb: {  	v18 =	vsel vm10, $0x3F800000, v0;
	v58 =	vsel vm4, $0x3F800000, v0;
	v59 =	vsel vm5, $0x3F800000, v0  }
0x4fc: {  	v60 =	vsel vm0, $0x3F800000, v0;
	v61 =	vsel vm1, $0x3F800000, v0;
	v63 =	vsel vm2, $0x3F800000, v0;
	v3 =	vld [tilespmem:$0x1F990]  }
0x4fd: {  	v6 =	vld [tilespmem:$0x1F9A0];
	v10 =	vadd.f32 v13, v10;
	v13 =	vadd.f32 v15, v14;
	v11 =	vsel vm14, $0x3F800000, v0  }
0x4fe: {  	vm14 =	vnez.u8 v8;
	vm15 =	vnez.u8 v57;
	v57 =	vadd.f32 v61, v60;
	v61 =	vld [tilespmem:$0x1F350]  }
0x4ff: {  	v15 =	vadd.f32 v18, v17;
	v8 =	vsel vm14, $0x3F800000, v0;
	vm8 =	vnez.u8 v1;
	v1 =	vld [tilespmem:$0x1F9C0]  }
0x500: {  	v18 =	vsel vm7, $0x3F800000, v0;
	[tilespmem:$0x1F3B0] =	vst v8;
	v8 =	vsub.f32 v48, v5;
	v48 =	vadd.f32 v59, v58  }
0x501: {  	v9 =	vadd.f32 v15, v9;
	vm11 =	vnez.u8 v3;
	v49 =	vsub.f32 v49, v5  }
0x502: {  	vm12 =	vnez.u8 v6;
	v11 =	vadd.f32 v48, v11;
	v48 =	vld [tilespmem:$0x1F8A0];
	v60 =	vsub.f32 v42, v5  }
0x503: {  	v3 =	vsel vm11, $0x3F800000, v0;
	v42 =	vsub.f32 v32, v5;
	v32 =	vld [tilespmem:$0x1F8E0];
	v4 =	vadd.f32 v61, v4  }
0x504: {  	v7 =	vadd.f32 v7, v10;
	v62 =	vsel vm8, $0x3F800000, v0;
	vm9 =	vnez.u8 v1;
	v1 =	vld [tilespmem:$0x1F9D0]  }
0x505: {  	v6 =	vsel vm12, $0x3F800000, v0;
	v4 =	vadd.f32 v56, v4;
	v58 =	vadd.f32 v63, v62;
	v63 =	vld [tilespmem:$0x1F360]  }
0x506: {  	v12 =	vsel vm13, $0x3F800000, v0;
	v17 =	vmul.f32 $1.442695020e+00, v8;
	v62 =	vsub.f32 v37, v5;
	v37 =	vld [tilespmem:$0x1F370]  }
0x507: {  	v14 =	vsel vm15, $0x3F800000, v0;
	v56 =	vmul.f32 $1.442695020e+00, v42;
	v42 =	vld [tilespmem:$0x1F850];
	v4 =	vadd.f32 v53, v4  }
0x508: {  	(erf) = vpow2.f32 v17;
	vm4 =	vnez.u8 v48;
	v53 =	vld [tilespmem:$0x1F890];
	v17 =	vmul.f32 $1.442695020e+00, v62  }
0x509: {  	v3 =	vadd.f32 v58, v3;
	v62 =	vld [tilespmem:$0x1F8B0];
	v4 =	vadd.f32 v50, v4;
	vm10 =	vnez.u8 v1  }
0x50a: {  	v50 =	vld [tilespmem:$0x1F870];
	v2 =	vsel vm9, $0x3F800000, v0;
	v8 =	vadd.f32 v13, v63;
	v1 =	vsel vm10, $0x3F800000, v0  }
0x50b: {  	v13 =	vadd.f32 v57, v37;
	v57 =	vld [tilespmem:$0x1F390];
	v1 =	vadd.f32 v1, v2;
	v2 =	vmul.f32 $1.442695020e+00, v49  }
0x50c: {  	v59 =	vadd.f32 v11, v12;
	v15 =	vsel vm4, $0x3F800000, v0;
	vm7 =	vnez.u8 v32  }
0x50d: {  	v48 =	vld [tilespmem:$0x1F860];
	v3 =	vadd.f32 v3, v14;
	(erf) = vpow2.f32 v2;
	v2 =	vmul.f32 $1.442695020e+00, v60  }
0x50e: {  	vm9 =	vnez.u8 v42;
	v4 =	vadd.f32 v43, v4;
	vm13 =	vnez.u8 v53  }
0x50f: {  	v49 =	vsub.f32 v27, v5;
	v27 =	vld [tilespmem:$0x1F8D0];
	(erf) = vpow2.f32 v2;
	v2 =	vsub.f32 v34, v5  }
0x510: {  	vm5 =	vnez.u8 v62;
	vm11 =	vnez.u8 v50;
	v8 =	vadd.f32 v8, v57  }
0x511: {  	v1 =	vadd.f32 v1, v6;
	v60 =	vld [tilespmem:$0x1F3B0];
	(erf) = vpow2.f32 v17;
	v2 =	vmul.f32 $1.442695020e+00, v2  }
0x512: {  	vm10 =	vnez.u8 v48;
	v6 =	vmul.f32 $1.442695020e+00, v49;
	v5 =	vsub.f32 v26, v5;
	v34 =	vld [tilespmem:$0x1F840]  }
0x513: {  	v63 =	vadd.f32 v8, v54;
	v1 =	vadd.f32 v1, v18;
	(erf) = vpow2.f32 v2;
	v2 =	vld [tilespmem:$0x1F380]  }
0x514: {  	v58 =	vld [tilespmem:$0x1F3A0];
	vm6 =	vnez.u8 v27;
	v17 =	vsel vm7, $0x3F800000, v0;
	v5 =	vmul.f32 $1.442695020e+00, v5  }
0x515: {  	v10 =	vpop (erf);
	v12 =	vsel vm6, $0x3F800000, v0;
	v1 =	vadd.f32 v1, v17;
	(erf) = vpow2.f32 v56  }
0x516: {  	v3 =	vadd.f32 v3, v12;
	(erf) = vpow2.f32 v6;
	v6 =	vadd.f32 v13, v60;
	v11 =	vpop (erf)  }
0x517: {  	vm8 =	vnez.u8 v34;
	v56 =	vld [tilespmem:$0x1F820];
	v13 =	vsel vm5, $0x3F800000, v0;
	v61 =	vadd.f32 v11, v10  }
0x518: {  	(erf) = vpow2.f32 v5;
	v6 =	vadd.f32 v6, v13;
	v2 =	vadd.f32 v2, v7;
	v14 =	vpop (erf)  }
0x519: {  	v60 =	vld [tilespmem:$0x1F7F0];
	v13 =	vsel vm8, $0x3F800000, v0;
	v7 =	vadd.f32 v9, v58;
	v26 =	vadd.f32 v61, v14  }
0x51a: {  	v18 =	vsel vm10, $0x3F800000, v0;
	v9 =	vadd.f32 v59, v15;
	v5 =	vadd.f32 v63, v13;
	v58 =	vld [tilespmem:$0x1F830];
	v15 =	vpop (erf)  }
0x51b: {  	v17 =	vsel vm9, $0x3F800000, v0;
	v59 =	vld [tilespmem:$0x1F7E0];
	v2 =	vadd.f32 v55, v2;
	v8 =	vadd.f32 v26, v15  }
0x51c: {  	v63 =	vld [tilespmem:$0x1F7C0];
	vm15 =	vnez.u8 v56;
	v7 =	vadd.f32 v7, v52;
	v9 =	vadd.f32 v9, v18;
	v37 =	vpop (erf)  }
0x51d: {  	v27 =	vsel vm15, $0x3F800000, v0;
	v2 =	vadd.f32 v51, v2;
	v51 =	vld [tilespmem:$0x1F880];
	v8 =	vadd.f32 v8, v37  }
0x51e: {  	v55 =	vld [tilespmem:$0x1F810];
	v5 =	vadd.f32 v5, v47;
	v26 =	vsel vm11, $0x3F800000, v0;
	v7 =	vadd.f32 v7, v17;
	v49 =	vpop (erf)  }
0x51f: {  	vm6 =	vnez.u8 v60;
	v6 =	vadd.f32 v6, v26;
	v8 =	vadd.f32 v8, v49  }
0x520: {  	v26 =	vsel vm13, $0x3F800000, v0;
	v57 =	vadd.f32 v9, v46;
	v5 =	vadd.f32 v5, v38;
	v52 =	vpop (erf)  }
0x521: {  	v1 =	vadd.f32 v1, v26;
	vm4 =	vnez.u8 v58;
	v8 =	vadd.f32 v8, v52  }
0x522: {  	v61 =	vld [tilespmem:$0x1F800];
	vm5 =	vnez.u8 v59;
	vm9 =	vnez.u8 v63;
	v54 =	vpop (erf);
	vm12 =	vnez.u8 v51  }
0x523: {  	vm14 =	vnez.u8 v55;
	v17 =	vsel vm12, $0x3F800000, v0;
	v8 =	vadd.f32 v8, v54  }
0x524: {  	v7 =	vadd.f32 v7, v45;
	v26 =	vsel vm14, $0x3F800000, v0;
	v3 =	vadd.f32 v3, v17  }
0x525: {  	v9 =	vsel vm4, $0x3F800000, v0;
	v6 =	vadd.f32 v6, v26;
	(erf) = vrcp.f32 v8  }
0x526: {  	v62 =	vld [tilespmem:$0x1F7B0];
	v1 =	vadd.f32 v1, v9;
	v9 =	vsel vm5, $0x3F800000, v0;
	v3 =	vadd.f32 v3, v27  }
0x527: {  	vm7 =	vnez.u8 v61;
	v6 =	vadd.f32 v6, v9;
	v9 =	vsel vm6, $0x3F800000, v0  }
0x528: {  	v2 =	vadd.f32 v44, v2;
	v26 =	vsel vm7, $0x3F800000, v0;
	v3 =	vadd.f32 v3, v9  }
0x529: {  	v7 =	vadd.f32 v7, v39;
	v1 =	vadd.f32 v1, v26;
	v26 =	vsel vm9, $0x3F800000, v0;
	v27 =	vld [tilespmem:$0x1F7D0]  }
0x52a: {  	vm0 =	vlt.f32 v4, $1.500000000e+00;
	v8 =	vadd.f32 v57, v41;
	v3 =	vadd.f32 v3, v26  }
0x52b: {  	vm8 =	vnez.u8 v62;
	v5 =	vadd.f32 v5, v33;
	v7 =	vadd.f32 v7, v36  }
0x52c: {  	v8 =	vadd.f32 v8, v35;
	v9 =	vsel vm8, $0x3F800000, v0;
	v3 =	vadd.f32 v3, v31;
	v31 =	vld [tilespmem:$0x1F7A0]  }
0x52d: {  	v2 =	vadd.f32 v40, v2;
	vm2 =	vlt.f32 v5, $1.500000000e+00;
	v6 =	vadd.f32 v6, v9  }
0x52e: {  	v7 =	vadd.f32 v7, v28;
	v8 =	vadd.f32 v8, v29;
	vm10 =	vnez.u8 v27;
	v28 =	vpop (erf)  }
0x52f: {  	v44 =	vld [tilespmem:$0x1F760];
	v6 =	vadd.f32 v6, v30;
	v9 =	vsel vm10, $0x3F800000, v0;
	v10 =	vmul.f32 v28, v10  }
0x530: {  	vm1 =	vlt.f32 v2, $1.500000000e+00;
	v2 =	vadd.f32 v8, v24;
	v1 =	vadd.f32 v1, v9  }
0x531: {  	v11 =	vmul.f32 v28, v11;
	vm11 =	vnez.u8 v31;
	v32 =	vadd.f32 $0.0e+00, v10  }
0x532: {  	v6 =	vadd.f32 v6, v25;
	v33 =	vmul.f32 v28, v14;
	v4 =	vsel vm11, $0x3F800000, v0  }
0x533: {  	v34 =	vnsel vm1, $0x0, v11;
	v1 =	vadd.f32 v1, v4;
	v4 =	vnsel vm0, $0x0, v32  }
0x534: {  	v40 =	vld [tilespmem:$0x1F780];
	vm12 =	vnez.u8 v44;
	v3 =	vadd.f32 v3, v22;
	v4 =	vadd.f32 v4, v34  }
0x535: {  	v42 =	vld [tilespmem:$0x1F790];
	v6 =	vadd.f32 v6, v21;
	v35 =	vmul.f32 v28, v15;
	v36 =	vnsel vm2, $0x0, v33  }
0x536: {  	vm3 =	vlt.f32 v7, $1.500000000e+00;
	v1 =	vadd.f32 v1, v23;
	v4 =	vadd.f32 v4, v36  }
0x537: {  	v37 =	vmul.f32 v28, v37;
	v3 =	vadd.f32 v3, v20;
	v38 =	vnsel vm3, $0x0, v35  }
0x538: {  	vm4 =	vlt.f32 v2, $1.500000000e+00;
	v1 =	vadd.f32 v1, v19;
	v2 =	vadd.f32 v4, v38  }
0x539: {  	v39 =	vmul.f32 v28, v49;
	v3 =	vadd.f32 v3, v40;
	v41 =	vnsel vm4, $0x0, v37  }
0x53a: {  	vm5 =	vlt.f32 v6, $1.500000000e+00;
	v1 =	vadd.f32 v1, v42;
	v2 =	vadd.f32 v2, v41  }
0x53b: {  	v12 =	vsel vm12, $0x3F800000, v0;
	v43 =	vmul.f32 v28, v52;
	v45 =	vnsel vm5, $0x0, v39  }
0x53c: {  	vm6 =	vlt.f32 v3, $1.500000000e+00;
	v1 =	vadd.f32 v1, v12;
	v2 =	vadd.f32 v2, v45  }
0x53d: {  	v3 =	vmul.f32 v28, v54;
	v46 =	vnsel vm6, $0x0, v43  }
0x53e: {  	vm7 =	vlt.f32 v1, $1.500000000e+00;
	v1 =	vadd.f32 v2, v46  }
0x53f: {  	v2 =	vnsel vm7, $0x0, v3  }
0x540: {  	v1 =	vadd.f32 v1, v2;
	_ =	sdelay $0x1  }
0x541: {  	(erf) = vrcp.f32 v1;
	v1 =	vld [tilespmem:$0x1F630]  }
0x542: {  	v47 =	vld [tilespmem:$0x1F670]  }
0x543: {  	v53 =	vld [tilespmem:$0x1F770]  }
0x544: {  	v2 =	vld [tilespmem:$0x1F650]  }
0x545: {  	v49 =	vld [tilespmem:$0x1F6C0]  }
0x546: {  	v50 =	vld [tilespmem:$0x1F710];
	v1 =	vmul.f32 v16, v1  }
0x547: {  	v48 =	vld [tilespmem:$0x1F680];
	vm13 =	vnez.u8 v47  }
0x548: {  	v56 =	vld [tilespmem:$0x1F620];
	v1 =	vnsel vm13, $0x0, v1  }
0x549: {  	v2 =	vmul.f32 v16, v2;
	[tilespmem:s17+$0xC80] =	vst v1;
	v1 =	vld [tilespmem:$0x1F6A0]  }
0x54a: {  	v51 =	vld [tilespmem:$0x1F750];
	vm14 =	vnez.u8 v49  }
0x54b: {  	v55 =	vld [tilespmem:$0x1F610];
	v2 =	vnsel vm14, $0x0, v2  }
0x54c: {  	[tilespmem:s17+$0xD00] =	vst v2;
	v2 =	vld [tilespmem:$0x1F6D0]  }
0x54d: {  	v52 =	vld [tilespmem:$0x1F6F0]  }
0x54e: {  	v54 =	vld [tilespmem:$0x1F720];
	v1 =	vmul.f32 v16, v1  }
0x54f: {  	vm12 =	vnez.u8 v51;
	v9 =	vmul.f32 v16, v48  }
0x550: {  	vm15 =	vnez.u8 v50;
	v1 =	vnsel vm12, $0x0, v1  }
0x551: {  	v9 =	vnsel vm15, $0x0, v9;
	vm15 =	vnez.u8 v56;
	v2 =	vmul.f32 v16, v2  }
0x552: {  	[tilespmem:s17+$0xD80] =	vst v9;
	v9 =	vmul.f32 v16, v52;
	vm14 =	vnez.u8 v55;
	vm13 =	vnez.u8 v53  }
0x553: {  	v12 =	vmul.f32 v16, v54;
	vm8 =	vmmov vm14;
	v2 =	vnsel vm13, $0x0, v2;
	[tilespmem:s17+$0xE00] =	vst v1;
	v1 =	vpop (erf)  }
0x554: {  	v9 =	vnsel vm8, $0x0, v9;
	vm8 =	vmmov vm15;
	[tilespmem:s17+$0xE80] =	vst v2;
	v2 =	vmul.f32 v1, v3  }
0x555: {  	v12 =	vnsel vm8, $0x0, v12;
	[tilespmem:s17+$0xF00] =	vst v9  }
0x556: {  	[tilespmem:s17+$0xF80] =	vst v12;
	v2 =	vnsel vm7, $0x0, v2  }
0x557: {  	[tilespmem:s18+$0x1000] =	vst v2;
	v2 =	vmul.f32 v1, v33  }
0x558: {  	vm11 =	vmmov vm2  }
0x559: {  	v2 =	vnsel vm11, $0x0, v2  }
0x55a: {  	[tilespmem:s18+$0xD80] =	vst v2;
	v2 =	vmul.f32 v1, v39  }
0x55b: {  	vm14 =	vmmov vm5  }
0x55c: {  	v57 =	vmul.f32 v1, v10;
	v2 =	vnsel vm14, $0x0, v2  }
0x55d: {  	vm0 =	vmmov vm0;
	v58 =	vmul.f32 v1, v11;
	[tilespmem:s18+$0xF00] =	vst v2;
	v2 =	vld [tilespmem:$0x1F660]  }
0x55e: {  	vm10 =	vmmov vm1;
	v59 =	vmul.f32 v1, v35;
	v9 =	vnsel vm0, $0x0, v57  }
0x55f: {  	vm12 =	vmmov vm3;
	v60 =	vmul.f32 v1, v37;
	v12 =	vnsel vm10, $0x0, v58;
	[tilespmem:s18+$0xC80] =	vst v9  }
0x560: {  	vm13 =	vmmov vm4;
	[tilespmem:s18+$0xD00] =	vst v12;
	v9 =	vnsel vm12, $0x0, v59;
	v1 =	vmul.f32 v1, v43  }
0x561: {  	vm15 =	vmmov vm6;
	v12 =	vnsel vm13, $0x0, v60;
	[tilespmem:s18+$0xE00] =	vst v9  }
0x562: {  	[tilespmem:s18+$0xE80] =	vst v12;
	v1 =	vnsel vm15, $0x0, v1;
	v2 =	vadd.f32 v11, v2  }
0x563: {  	[tilespmem:s18+$0xF80] =	vst v1;
	v1 =	vld [tilespmem:$0x1F690]  }
0x564: {  	[tilespmem:$0x1480] =	vst v2;
	v2 =	vld [tilespmem:$0x1F6E0];
	_ =	sdelay $0x2  }
0x565: {  	v61 =	vld [tilespmem:$0x1F640]  }
0x566: {  	v62 =	vld [tilespmem:$0x1F6B0];
	v1 =	vadd.f32 v33, v1  }
0x567: {  	v63 =	vld [tilespmem:$0x1F730];
	v2 =	vadd.f32 v37, v2  }
0x568: {  	[tilespmem:$0x1500] =	vst v1;
	v1 =	vld [tilespmem:$0x1F700]  }
0x569: {  	[tilespmem:$0x1600] =	vst v2;
	v2 =	vld [tilespmem:$0x1F740]  }
0x56a: {  	v9 =	vadd.f32 v10, v61  }
0x56b: {  	v5 =	vadd.f32 v35, v62  }
0x56c: {  	v4 =	vadd.f32 v43, v63;
	[tilespmem:$0x1400] =	vst v9  }
0x56d: {  	[tilespmem:$0x1580] =	vst v5;
	v1 =	vadd.f32 v39, v1  }
0x56e: {  	[tilespmem:$0x1700] =	vst v4;
	v2 =	vadd.f32 v3, v2  }
0x56f: {  	[tilespmem:$0x1680] =	vst v1  }
0x570: {  	[tilespmem:$0x1780] =	vst v2  }
0x571: {  	[hbm4b:s7+s2] =	stream.linear.scatter [tilespmem:s14], [sflag:$0x1], $0x400, $0x38;
	[tilespmem:$0x1800] =	vst v63  }
0x572: {  	s16 =	sadd.s32 $0x1, s16;
	_ =	swait.ge [sflag:s10], $0x400  }
0x573: {  	p0 =	sne.s32 s16, s9;
	[sflag:s10] =	ssyncset.done $0x0  }
.Ltmp2:
0x574: {  	[sflag:s10] =	ssyncadd.s32 $0xFFFFFC00;
	(pc) =	sbr.rel @p0 .LBB2_1-.Ltmp2, $4  }
0x575: {  	[hbm4b:s8+s2] =	stream.linear.scatter [tilespmem:s15], [sflag:$0x1], $0x400, $0x38;
	[tilespmem:$0x1800] =	vst v63  }
0x576: {  	_ =	swait.ge [sflag:s10], $0x400  }
0x577: {  	[sflag:s10] =	ssyncset.done $0x0  }
0x578: {  	[sflag:s10] =	ssyncadd.s32 $0xFFFFFC00  }
0x579: {  	_ =	sfence.sel $0x180000  }
0x57a: {  	[bflag:$0x0] =	sbarrier.arrive $0xFFFF  }
0x57b: {  	p0 =	sne.s32 s1, $0x0;
	_ =	strace $0x90000047  }
0x57c: {  	s0 =	sadd.s32 @!p0 $0x100000, s0;
	[bflag:$0x2] =	sbarrier.arrive $0xFFFF  }
0x57d: {  	[sflag:s0] =	ssyncadd.tile.s32 @!p0 $0x1;
	_ =	shalt  }
.Lfunc_end2:
_tile_overlayer_lowered:
.L_overlay_start_2:
0x57e: {  	(tag) =	ssettag $0x2  }
0x57f: {  	s0 =	rddreg [dreg:$0x0];
	s2 =	stileid.u32  }
0x580: {  	s1 =	rddreg [dreg:$0x1];
	p0 =	sne.s32 s2, $0x0  }
0x581: {  	s3 =	rddreg [dreg:$0x2];
	[bflag:$0x3] =	sbarrier.arrive $0xFFFF;
	s2 =	simm.s32 @!p0 $0x1C01  }
0x582: {  	[timem:s3], [sflag:s2] =	dma.local @!p0 [hbm:s0], s1  }
0x583: {  	s0 =	simm.s32 @!p0 $0x1  }
0x584: {  	_ =	swait.ge @!p0 [sflag:s0], s1  }
0x585: {  	s1 =	ssub.s32 @!p0 $0x0, s1;
	[sflag:s0] =	ssyncset.done @!p0 $0x0  }
0x586: {  	[sflag:s0] =	ssyncadd.s32 @!p0 s1  }
0x587: {  	[bflag:$0x3] =	sbarrier.arrive $0xFFFF  }
0x588: {  	_ =	shalt  }

</sc_bundles>
